<compile_context>
chip_gen: v7x
topology: tpu7x:2x2x1
jax: 0.10.2.dev20260603
libtpu: 0.0.44.dev20260713+nightly
codegen_flags: <defaults>
</compile_context>

<pallas_src>
import functools

import jax
import jax.numpy as jnp
from jax import lax
from jax.experimental import pallas as pl
from jax.experimental.pallas import tpu as pltpu
from jax.experimental.pallas import tpu_sc as plsc

N_NODES = 10000
N_EDGES = 320000
D = 128
L = 16
NT = 32
HD = D // 2
PPT = HD // NT
CE = 3200
NCH = N_EDGES // CE
G16 = CE // L
GU = 10
EB = 16384


def _tc_pool_pack(xT, W_pool, b_pool):

    def body(w_ref, x_ref, b_ref, o_ref):
        acc = lax.dot_general(w_ref[...], x_ref[...],
                              (((0,), (0,)), ((), ())),
                              preferred_element_type=jnp.float32)
        h = jnp.maximum(acc + b_ref[...], 0.0)
        lo = lax.convert_element_type(
            lax.bitcast_convert_type(h[:HD].astype(jnp.bfloat16),
                                     jnp.uint16), jnp.uint32)
        hi = lax.convert_element_type(
            lax.bitcast_convert_type(h[HD:].astype(jnp.bfloat16),
                                     jnp.uint16), jnp.uint32)
        o_ref[...] = lax.bitcast_convert_type(lo | (hi << 16), jnp.int32)

    return pl.pallas_call(
        body,
        out_shape=jax.ShapeDtypeStruct((HD, N_NODES), jnp.int32),
    )(W_pool, xT, b_pool.reshape(D, 1))


def _tc_pack_edges(src3, dst3):

    def body(s_ref, d_ref, o_ref):
        o_ref[...] = s_ref[...] * EB + d_ref[...]

    return pl.pallas_call(
        body,
        out_shape=jax.ShapeDtypeStruct(src3.shape, jnp.int32),
    )(src3, dst3)


def _tc_out_t(xT, aggP, W_self, W_neigh, b):

    def body(x_ref, a_ref, ws_ref, wn_ref, b_ref, o_ref):
        pu = lax.bitcast_convert_type(a_ref[...], jnp.uint32)
        lo = lax.bitcast_convert_type(
            lax.convert_element_type(pu & 0xFFFF, jnp.uint16), jnp.bfloat16)
        hi = lax.bitcast_convert_type(
            lax.convert_element_type(pu >> 16, jnp.uint16), jnp.bfloat16)
        a = jnp.concatenate([lo.astype(jnp.float32), hi.astype(jnp.float32)],
                            axis=0)
        o_ref[...] = (
            lax.dot_general(x_ref[...], ws_ref[...], (((0,), (0,)), ((), ())),
                            preferred_element_type=jnp.float32)
            + lax.dot_general(a, wn_ref[...], (((0,), (0,)), ((), ())),
                              preferred_element_type=jnp.float32)
            + b_ref[...])

    return pl.pallas_call(
        body,
        out_shape=jax.ShapeDtypeStruct((N_NODES, D), jnp.float32),
    )(xT, aggP, W_self, W_neigh, b.reshape(1, D))


def _sc_segmax_packed(hP_flat, epk):
    mesh = plsc.VectorSubcoreMesh(core_axis_name="c", subcore_axis_name="s")

    @functools.partial(
        pl.kernel,
        mesh=mesh,
        compiler_params=pltpu.CompilerParams(use_tc_tiling_on_sc=False,
                                             needs_layout_passes=False),
        out_type=jax.ShapeDtypeStruct((HD * N_NODES,), jnp.int32),
        scratch_types=[
            pltpu.VMEM((N_NODES,), jnp.int32),
            pltpu.VMEM((N_NODES,), jnp.int32),
            pltpu.VMEM((N_NODES,), jnp.int32),
            pltpu.VMEM((N_NODES,), jnp.int32),
            pltpu.VMEM((2, CE), jnp.int32),
            pltpu.SemaphoreType.DMA,
            pltpu.SemaphoreType.DMA,
        ],
    )
    def k(hP_hbm, epk_hbm, out_hbm, h0_v, h1_v, a0_v, a1_v, eb_v, sd0, sd1):
        hps = [h0_v, h1_v]
        aggs = [a0_v, a1_v]
        s_sd = [sd0, sd1]
        wid = lax.axis_index("s") * 2 + lax.axis_index("c")
        base = wid * (PPT * N_NODES)
        for p in range(PPT):
            pltpu.sync_copy(hP_hbm.at[pl.ds(base + p * N_NODES, N_NODES)],
                            hps[p])

        zero = jnp.zeros((L,), jnp.int32)

        def init_body(i, carry):
            for p in range(PPT):
                aggs[p][pl.ds(i * L, L)] = zero
            return carry
        lax.fori_loop(0, N_NODES // L, init_body, 0)

        def fire_sd(slot, j):
            pltpu.async_copy(epk_hbm.at[pl.ds(j * CE, CE)], eb_v.at[slot],
                             s_sd[slot])

        def wait_sd(slot):
            pltpu.make_async_copy(epk_hbm.at[pl.ds(0, CE)], eb_v.at[slot],
                                  s_sd[slot]).wait()

        def pmax(a, b):
            return plsc.bitcast(
                jnp.maximum(plsc.bitcast(a, jnp.bfloat16),
                            plsc.bitcast(b, jnp.bfloat16)), jnp.int32)

        fire_sd(0, 0)

        def blk(jj, carry):
            for u in range(2):
                j = jj * 2 + u

                @pl.when(j + 1 < NCH)
                def _():
                    fire_sd((u + 1) % 2, j + 1)

                wait_sd(u)

                def grp(qq, c2):
                    sds = [None] * GU
                    mss = [None] * GU
                    bads = [None] * GU

                    def load_sd(i):
                        q = qq * GU + i
                        ew = eb_v[u, pl.ds(q * L, L)]
                        sds[i] = (lax.shift_right_logical(ew, 14),
                                  ew & (EB - 1))

                    def gather_h(i):
                        s16, d16 = sds[i]
                        mss[i] = [plsc.load_gather(hps[p], [s16])
                                  for p in range(PPT)]
                        _, last_occ = plsc.scan_count(d16)
                        bads[i] = jnp.logical_not(last_occ)

                    def agg_rmw(i):
                        d16 = sds[i][1]
                        curs = [plsc.load_gather(aggs[p], [d16])
                                for p in range(PPT)]
                        for p in range(PPT):
                            plsc.store_scatter(aggs[p], [d16],
                                               pmax(curs[p], mss[i][p]))

                    load_sd(0)
                    load_sd(1)
                    gather_h(0)
                    for i in range(GU):
                        if i + 2 < GU:
                            load_sd(i + 2)
                        if i + 1 < GU:
                            gather_h(i + 1)
                        agg_rmw(i)

                    dups = bads[0]
                    for i in range(1, GU):
                        dups = dups | bads[i]
                    ndup = plsc.all_reduce_population_count(dups)

                    @pl.when(ndup[0] > 0)
                    def _():
                        for i in range(GU):
                            d16 = sds[i][1]
                            ms = mss[i]

                            def cond(st):
                                return jnp.any(st)

                            def body(st, d16=d16, ms=ms):
                                for p in range(PPT):
                                    cur = plsc.load_gather(aggs[p], [d16])
                                    plsc.store_scatter(aggs[p], [d16],
                                                       pmax(cur, ms[p]),
                                                       mask=st)
                                lost = jnp.zeros((L,), jnp.bool_)
                                for p in range(PPT):
                                    chk = plsc.load_gather(aggs[p], [d16])
                                    lost = lost | (
                                        (chk & 0xFFFF) < (ms[p] & 0xFFFF))
                                    lost = lost | (
                                        lax.shift_right_logical(chk, 16) <
                                        lax.shift_right_logical(ms[p], 16))
                                return lost

                            lax.while_loop(cond, body,
                                           jnp.ones((L,), jnp.bool_))
                    return c2
                lax.fori_loop(0, G16 // GU, grp, 0)
            return carry
        lax.fori_loop(0, NCH // 2, blk, 0)

        for p in range(PPT):
            pltpu.sync_copy(aggs[p],
                            out_hbm.at[pl.ds(base + p * N_NODES, N_NODES)])

    return k(hP_flat, epk)


def kernel(x, edge_index, W_pool, b_pool, W_self, W_neigh, b):
    xT = x.T
    hP = _tc_pool_pack(xT, W_pool, b_pool)
    ei3 = edge_index.reshape(2, N_EDGES // 128, 128)
    epk = _tc_pack_edges(ei3[0], ei3[1]).reshape(N_EDGES)
    aggP_flat = _sc_segmax_packed(hP.reshape(HD * N_NODES), epk)
    return _tc_out_t(xT, aggP_flat.reshape(HD, N_NODES), W_self, W_neigh, b)

# --- scband reference (transcript-rebuilt; emitter-appended) ---
"""Pipeline reference for scband-sagemax-pool-32744830665545 (READ-ONLY COPY).

The authoritative reference and input builder live on the scoring server;
editing this copy changes nothing except your own understanding.
"""

import jax, jax.numpy as jnp
import numpy as np

N_NODES = 10000
N_EDGES = 320000
D_IN = 128
D_OUT = 128


def setup_inputs(seed: int = 0) -> dict:
    key = jax.random.key(seed)
    ks = jax.random.split(key, 8)
    x = jax.random.normal(ks[0], (N_NODES, D_IN), dtype=jnp.float32)
    edge_index = jax.random.randint(ks[1], (2, N_EDGES), 0, N_NODES, dtype=jnp.int32)
    s = 1.0 / np.sqrt(D_IN)
    W_pool = jax.random.normal(ks[2], (D_IN, D_IN), dtype=jnp.float32) * s
    b_pool = jnp.zeros((D_IN,), dtype=jnp.float32)
    W_self = jax.random.normal(ks[3], (D_IN, D_OUT), dtype=jnp.float32) * s
    W_neigh = jax.random.normal(ks[4], (D_IN, D_OUT), dtype=jnp.float32) * s
    b = jnp.zeros((D_OUT,), dtype=jnp.float32)
    return {"x": x, "edge_index": edge_index, "W_pool": W_pool, "b_pool": b_pool,
            "W_self": W_self, "W_neigh": W_neigh, "b": b}


def reference(x, edge_index, W_pool, b_pool, W_self, W_neigh, b):
    # GraphSAGE max-pool aggregator:
    #   h_j = relu(x_j @ W_pool + b_pool)  (per-node pooling MLP)
    #   agg_i = max_{j in N(i)} h_j        (segment max over destination nodes)
    #   out_i = x_i @ W_self + agg_i @ W_neigh + b
    src = edge_index[0]
    dst = edge_index[1]
    h = jax.nn.relu(x @ W_pool + b_pool)
    msgs = jnp.take(h, src, axis=0)  # gather along edges
    agg = jax.ops.segment_max(msgs, dst, num_segments=N_NODES)
    # nodes with no in-edges get -inf from segment_max; replace with 0
    agg = jnp.where(jnp.isfinite(agg), agg, 0.0)
    out = x @ W_self + agg @ W_neigh + b
    return out

if __name__ == "__main__":
    import jax
    _d = setup_inputs()
    print(jax.jit(kernel)(*tuple(_d.values())))

</pallas_src>

<mosaic_0001>
#map = affine_map<(d0, d1) -> (0)>
module attributes {stable_mosaic.version = 14 : i64} {
  func.func @k(%arg0: i32, %arg1: i32, %arg2: memref<640000xi32, #tpu.memory_space<hbm>>, %arg3: memref<320000xi32, #tpu.memory_space<hbm>>, %arg4: memref<640000xi32, #tpu.memory_space<hbm>>, %arg5: memref<10000xi32, #tpu.memory_space<vmem>>, %arg6: memref<10000xi32, #tpu.memory_space<vmem>>, %arg7: memref<10000xi32, #tpu.memory_space<vmem>>, %arg8: memref<10000xi32, #tpu.memory_space<vmem>>, %arg9: memref<2x3200xi32, #tpu.memory_space<vmem>>, %arg10: memref<!tpu.dma_semaphore, #tpu.memory_space<semaphore_mem>>, %arg11: memref<!tpu.dma_semaphore, #tpu.memory_space<semaphore_mem>>) attributes {dimension_semantics = [#tpu.dimension_semantics<core_parallel>, #tpu.dimension_semantics<subcore_parallel>], iteration_bounds = array<i64: 2, 16>, scalar_prefetch = 0 : i64, scratch_operands = 7 : i64, tpu.core_type = #tpu.core_type<sc_vector_subcore>, window_params = [{transform_indices = #map}, {transform_indices = #map}, {transform_indices = #map}]} {
    %mul3A = arith.constant 2 : i32
    %mul3A_0 = arith.muli %arg1, %mul3A : i32
    %add3A = arith.addi %mul3A_0, %arg0 : i32
    %mul3A_1 = arith.constant 20000 : i32
    %mul3A_2 = arith.muli %add3A, %mul3A_1 : i32
    %add3A_3 = arith.constant 0 : i32
    %add3A_4 = arith.addi %mul3A_2, %add3A_3 : i32
    "tpu.region"() ({
      %run_scoped3A = tpu.sem_alloc : memref<!tpu.dma_semaphore, #tpu.memory_space<semaphore_mem>>
      %dma_start3A_33 = tpu.memref_slice %arg2[%add3A_4] : memref<640000xi32, #tpu.memory_space<hbm>> -> memref<10000xi32, #tpu.memory_space<hbm>>
      %dma_start3A_34 = tpu.memref_slice %arg2[%add3A_4] : memref<640000xi32, #tpu.memory_space<hbm>> -> memref<10000xi32, #tpu.memory_space<hbm>>
      tpu.enqueue_dma source(%dma_start3A_34 : memref<10000xi32, #tpu.memory_space<hbm>>) target(%arg5 : memref<10000xi32, #tpu.memory_space<vmem>>) target_semaphore(%run_scoped3A : memref<!tpu.dma_semaphore, #tpu.memory_space<semaphore_mem>>)
      %dma_wait3A = tpu.memref_slice %arg2[%add3A_4] : memref<640000xi32, #tpu.memory_space<hbm>> -> memref<10000xi32, #tpu.memory_space<hbm>>
      %dma_wait3A_35 = tpu.memref_slice %arg2[%add3A_4] : memref<640000xi32, #tpu.memory_space<hbm>> -> memref<10000xi32, #tpu.memory_space<hbm>>
      tpu.wait_dma2 semaphore(%run_scoped3A : memref<!tpu.dma_semaphore, #tpu.memory_space<semaphore_mem>>) src(%dma_wait3A_35 : memref<10000xi32, #tpu.memory_space<hbm>>) dst(%arg5 : memref<10000xi32, #tpu.memory_space<vmem>>)
      tpu.yield
    }) : () -> ()
    %add3A_5 = arith.constant 10000 : i32
    %add3A_6 = arith.addi %mul3A_2, %add3A_5 : i32
    "tpu.region"() ({
      %run_scoped3A = tpu.sem_alloc : memref<!tpu.dma_semaphore, #tpu.memory_space<semaphore_mem>>
      %dma_start3A_33 = tpu.memref_slice %arg2[%add3A_6] : memref<640000xi32, #tpu.memory_space<hbm>> -> memref<10000xi32, #tpu.memory_space<hbm>>
      %dma_start3A_34 = tpu.memref_slice %arg2[%add3A_6] : memref<640000xi32, #tpu.memory_space<hbm>> -> memref<10000xi32, #tpu.memory_space<hbm>>
      tpu.enqueue_dma source(%dma_start3A_34 : memref<10000xi32, #tpu.memory_space<hbm>>) target(%arg6 : memref<10000xi32, #tpu.memory_space<vmem>>) target_semaphore(%run_scoped3A : memref<!tpu.dma_semaphore, #tpu.memory_space<semaphore_mem>>)
      %dma_wait3A = tpu.memref_slice %arg2[%add3A_6] : memref<640000xi32, #tpu.memory_space<hbm>> -> memref<10000xi32, #tpu.memory_space<hbm>>
      %dma_wait3A_35 = tpu.memref_slice %arg2[%add3A_6] : memref<640000xi32, #tpu.memory_space<hbm>> -> memref<10000xi32, #tpu.memory_space<hbm>>
      tpu.wait_dma2 semaphore(%run_scoped3A : memref<!tpu.dma_semaphore, #tpu.memory_space<semaphore_mem>>) src(%dma_wait3A_35 : memref<10000xi32, #tpu.memory_space<hbm>>) dst(%arg6 : memref<10000xi32, #tpu.memory_space<vmem>>)
      tpu.yield
    }) : () -> ()
    %broadcast_in_dim3A = arith.constant 0 : i32
    %broadcast_in_dim3A_7 = vector.broadcast %broadcast_in_dim3A : i32 to vector<16xi32>
    %scan3A = arith.constant 0 : i32
    %scan3A_8 = arith.constant 0 : i32
    %scan3A_9 = arith.constant 625 : i32
    %scan3A_10 = arith.addi %scan3A_8, %scan3A_9 : i32
    %scan3A_11 = arith.constant 1 : i32
    scf.for %scan3A_33 = %scan3A_8 to %scan3A_10 step %scan3A_11  : i32 {
      %mul3A_34 = arith.constant 16 : i32
      %mul3A_35 = arith.muli %scan3A_33, %mul3A_34 : i32
      %swap3A = arith.index_cast %mul3A_35 : i32 to index
      %swap3A_36 = tpu.vector_load %arg7[%swap3A] {strides = array<i32>} : memref<10000xi32, #tpu.memory_space<vmem>>, vector<16xi32>,
      tpu.vector_store %arg7[%swap3A], %broadcast_in_dim3A_7 {strides = array<i32>} : memref<10000xi32, #tpu.memory_space<vmem>>, vector<16xi32>,
      %mul3A_37 = arith.constant 16 : i32
      %mul3A_38 = arith.muli %scan3A_33, %mul3A_37 : i32
      %swap3A_39 = arith.index_cast %mul3A_38 : i32 to index
      %swap3A_40 = tpu.vector_load %arg8[%swap3A_39] {strides = array<i32>} : memref<10000xi32, #tpu.memory_space<vmem>>, vector<16xi32>,
      tpu.vector_store %arg8[%swap3A_39], %broadcast_in_dim3A_7 {strides = array<i32>} : memref<10000xi32, #tpu.memory_space<vmem>>, vector<16xi32>,
    }
    %scan3A_12 = arith.constant 625 : i32
    %dma_start3A = arith.constant 0 : i32
    %dma_start3A_13 = arith.constant 0 : i32
    %dma_start3A_14 = tpu.memref_slice %arg9[%dma_start3A, %dma_start3A_13] : memref<2x3200xi32, #tpu.memory_space<vmem>> -> memref<1x3200xi32, #tpu.memory_space<vmem>>
    %dma_start3A_15 = tpu.memref_squeeze %dma_start3A_14 : memref<1x3200xi32, #tpu.memory_space<vmem>> -> memref<3200xi32, #tpu.memory_space<vmem>>
    %dma_start3A_16 = arith.constant 0 : i32
    %dma_start3A_17 = tpu.memref_slice %arg3[%dma_start3A_16] : memref<320000xi32, #tpu.memory_space<hbm>> -> memref<3200xi32, #tpu.memory_space<hbm>>
    %dma_start3A_18 = arith.constant 0 : i32
    %dma_start3A_19 = tpu.memref_slice %arg9[%dma_start3A, %dma_start3A_18] : memref<2x3200xi32, #tpu.memory_space<vmem>> -> memref<1x3200xi32, #tpu.memory_space<vmem>>
    %dma_start3A_20 = tpu.memref_squeeze %dma_start3A_19 : memref<1x3200xi32, #tpu.memory_space<vmem>> -> memref<3200xi32, #tpu.memory_space<vmem>>
    %dma_start3A_21 = arith.constant 0 : i32
    %dma_start3A_22 = tpu.memref_slice %arg3[%dma_start3A_21] : memref<320000xi32, #tpu.memory_space<hbm>> -> memref<3200xi32, #tpu.memory_space<hbm>>
    tpu.enqueue_dma source(%dma_start3A_22 : memref<3200xi32, #tpu.memory_space<hbm>>) target(%dma_start3A_20 : memref<3200xi32, #tpu.memory_space<vmem>>) target_semaphore(%arg10 : memref<!tpu.dma_semaphore, #tpu.memory_space<semaphore_mem>>)
    %scan3A_23 = arith.constant 0 : i32
    %scan3A_24 = arith.constant 0 : i32
    %scan3A_25 = arith.constant 50 : i32
    %scan3A_26 = arith.addi %scan3A_24, %scan3A_25 : i32
    %scan3A_27 = arith.constant 1 : i32
    scf.for %scan3A_33 = %scan3A_24 to %scan3A_26 step %scan3A_27  : i32 {
      %mul3A_34 = arith.constant 2 : i32
      %mul3A_35 = arith.muli %scan3A_33, %mul3A_34 : i32
      %add3A_36 = arith.constant 0 : i32
      %add3A_37 = arith.addi %mul3A_35, %add3A_36 : i32
      %add3A_38 = arith.constant 1 : i32
      %add3A_39 = arith.addi %add3A_37, %add3A_38 : i32
      %lt3A = arith.constant 100 : i32
      %lt3A_40 = arith.cmpi slt, %add3A_39, %lt3A : i32
      %convert_element_type3A = arith.extui %lt3A_40 : i1 to i32
      %cond3A = arith.constant 0 : i32
      %cond3A_41 = arith.cmpi ne, %convert_element_type3A, %cond3A : i32
      scf.if %cond3A_41 {
        %add3A_86 = arith.constant 1 : i32
        %add3A_87 = arith.addi %add3A_37, %add3A_86 : i32
        %mul3A_88 = arith.constant 3200 : i32
        %mul3A_89 = arith.muli %add3A_87, %mul3A_88 : i32
        %dma_start3A_90 = arith.constant 1 : i32
        %dma_start3A_91 = arith.constant 0 : i32
        %dma_start3A_92 = tpu.memref_slice %arg9[%dma_start3A_90, %dma_start3A_91] : memref<2x3200xi32, #tpu.memory_space<vmem>> -> memref<1x3200xi32, #tpu.memory_space<vmem>>
        %dma_start3A_93 = tpu.memref_squeeze %dma_start3A_92 : memref<1x3200xi32, #tpu.memory_space<vmem>> -> memref<3200xi32, #tpu.memory_space<vmem>>
        %dma_start3A_94 = tpu.memref_slice %arg3[%mul3A_89] : memref<320000xi32, #tpu.memory_space<hbm>> -> memref<3200xi32, #tpu.memory_space<hbm>>
        %dma_start3A_95 = arith.constant 0 : i32
        %dma_start3A_96 = tpu.memref_slice %arg9[%dma_start3A_90, %dma_start3A_95] : memref<2x3200xi32, #tpu.memory_space<vmem>> -> memref<1x3200xi32, #tpu.memory_space<vmem>>
        %dma_start3A_97 = tpu.memref_squeeze %dma_start3A_96 : memref<1x3200xi32, #tpu.memory_space<vmem>> -> memref<3200xi32, #tpu.memory_space<vmem>>
        %dma_start3A_98 = tpu.memref_slice %arg3[%mul3A_89] : memref<320000xi32, #tpu.memory_space<hbm>> -> memref<3200xi32, #tpu.memory_space<hbm>>
        tpu.enqueue_dma source(%dma_start3A_98 : memref<3200xi32, #tpu.memory_space<hbm>>) target(%dma_start3A_97 : memref<3200xi32, #tpu.memory_space<vmem>>) target_semaphore(%arg11 : memref<!tpu.dma_semaphore, #tpu.memory_space<semaphore_mem>>)
      } else {
      }
      %dma_wait3A = arith.constant 0 : i32
      %dma_wait3A_42 = arith.constant 0 : i32
      %dma_wait3A_43 = tpu.memref_slice %arg9[%dma_wait3A, %dma_wait3A_42] : memref<2x3200xi32, #tpu.memory_space<vmem>> -> memref<1x3200xi32, #tpu.memory_space<vmem>>
      %dma_wait3A_44 = tpu.memref_squeeze %dma_wait3A_43 : memref<1x3200xi32, #tpu.memory_space<vmem>> -> memref<3200xi32, #tpu.memory_space<vmem>>
      %dma_wait3A_45 = arith.constant 0 : i32
      %dma_wait3A_46 = tpu.memref_slice %arg3[%dma_wait3A_45] : memref<320000xi32, #tpu.memory_space<hbm>> -> memref<3200xi32, #tpu.memory_space<hbm>>
      %dma_wait3A_47 = arith.constant 0 : i32
      %dma_wait3A_48 = tpu.memref_slice %arg9[%dma_wait3A, %dma_wait3A_47] : memref<2x3200xi32, #tpu.memory_space<vmem>> -> memref<1x3200xi32, #tpu.memory_space<vmem>>
      %dma_wait3A_49 = tpu.memref_squeeze %dma_wait3A_48 : memref<1x3200xi32, #tpu.memory_space<vmem>> -> memref<3200xi32, #tpu.memory_space<vmem>>
      %dma_wait3A_50 = arith.constant 0 : i32
      %dma_wait3A_51 = tpu.memref_slice %arg3[%dma_wait3A_50] : memref<320000xi32, #tpu.memory_space<hbm>> -> memref<3200xi32, #tpu.memory_space<hbm>>
      tpu.wait_dma2 semaphore(%arg10 : memref<!tpu.dma_semaphore, #tpu.memory_space<semaphore_mem>>) src(%dma_wait3A_51 : memref<3200xi32, #tpu.memory_space<hbm>>) dst(%dma_wait3A_49 : memref<3200xi32, #tpu.memory_space<vmem>>)
      %scan3A_52 = arith.constant 0 : i32
      %scan3A_53 = arith.constant 0 : i32
      %scan3A_54 = arith.constant 20 : i32
      %scan3A_55 = arith.addi %scan3A_53, %scan3A_54 : i32
      %scan3A_56 = arith.constant 1 : i32
      scf.for %scan3A_86 = %scan3A_53 to %scan3A_55 step %scan3A_56  : i32 {
        %mul3A_87 = arith.constant 10 : i32
        %mul3A_88 = arith.muli %scan3A_86, %mul3A_87 : i32
        %add3A_89 = arith.constant 0 : i32
        %add3A_90 = arith.addi %mul3A_88, %add3A_89 : i32
        %mul3A_91 = arith.constant 16 : i32
        %mul3A_92 = arith.muli %add3A_90, %mul3A_91 : i32
        %get3A = arith.constant 0 : i32
        %get3A_93 = arith.index_cast %get3A : i32 to index
        %get3A_94 = arith.index_cast %mul3A_92 : i32 to index
        %get3A_95 = tpu.vector_load %arg9[%get3A_93, %get3A_94] {strides = array<i32>} : memref<2x3200xi32, #tpu.memory_space<vmem>>, vector<16xi32>,
        %shift_right_logical3A = arith.constant 14 : i32
        %shift_right_logical3A_96 = vector.broadcast %shift_right_logical3A : i32 to vector<16xi32>
        %shift_right_logical3A_97 = arith.shrui %get3A_95, %shift_right_logical3A_96 : vector<16xi32>
        %and3A = arith.constant 16383 : i32
        %and3A_98 = vector.broadcast %and3A : i32 to vector<16xi32>
        %and3A_99 = arith.andi %get3A_95, %and3A_98 : vector<16xi32>
        %mul3A_100 = arith.constant 10 : i32
        %mul3A_101 = arith.muli %scan3A_86, %mul3A_100 : i32
        %add3A_102 = arith.constant 1 : i32
        %add3A_103 = arith.addi %mul3A_101, %add3A_102 : i32
        %mul3A_104 = arith.constant 16 : i32
        %mul3A_105 = arith.muli %add3A_103, %mul3A_104 : i32
        %get3A_106 = arith.constant 0 : i32
        %get3A_107 = arith.index_cast %get3A_106 : i32 to index
        %get3A_108 = arith.index_cast %mul3A_105 : i32 to index
        %get3A_109 = tpu.vector_load %arg9[%get3A_107, %get3A_108] {strides = array<i32>} : memref<2x3200xi32, #tpu.memory_space<vmem>>, vector<16xi32>,
        %shift_right_logical3A_110 = arith.constant 14 : i32
        %shift_right_logical3A_111 = vector.broadcast %shift_right_logical3A_110 : i32 to vector<16xi32>
        %shift_right_logical3A_112 = arith.shrui %get3A_109, %shift_right_logical3A_111 : vector<16xi32>
        %and3A_113 = arith.constant 16383 : i32
        %and3A_114 = vector.broadcast %and3A_113 : i32 to vector<16xi32>
        %and3A_115 = arith.andi %get3A_109, %and3A_114 : vector<16xi32>
        %gather3A = tpu.vector_load_idx %arg5[%shift_right_logical3A_97] : memref<10000xi32, #tpu.memory_space<vmem>>[vector<16xi32>], vector<16xi32>,
        %gather3A_116 = tpu.vector_load_idx %arg6[%shift_right_logical3A_97] : memref<10000xi32, #tpu.memory_space<vmem>>[vector<16xi32>], vector<16xi32>,
        %broadcast_in_dim3A_117 = arith.constant true
        %broadcast_in_dim3A_118 = vector.broadcast %broadcast_in_dim3A_117 : i1 to vector<16xi1>
        %unique3A, %unique3A_119 = tpu.scan_count mask(%broadcast_in_dim3A_118 : vector<16xi1>) value(%and3A_99 : vector<16xi32>) : vector<16xi1>, vector<16xi32>
        %not3A = arith.constant dense<true> : vector<16xi1>
        %not3A_120 = arith.xori %unique3A, %not3A : vector<16xi1>
        %mul3A_121 = arith.constant 10 : i32
        %mul3A_122 = arith.muli %scan3A_86, %mul3A_121 : i32
        %add3A_123 = arith.constant 2 : i32
        %add3A_124 = arith.addi %mul3A_122, %add3A_123 : i32
        %mul3A_125 = arith.constant 16 : i32
        %mul3A_126 = arith.muli %add3A_124, %mul3A_125 : i32
        %get3A_127 = arith.constant 0 : i32
        %get3A_128 = arith.index_cast %get3A_127 : i32 to index
        %get3A_129 = arith.index_cast %mul3A_126 : i32 to index
        %get3A_130 = tpu.vector_load %arg9[%get3A_128, %get3A_129] {strides = array<i32>} : memref<2x3200xi32, #tpu.memory_space<vmem>>, vector<16xi32>,
        %shift_right_logical3A_131 = arith.constant 14 : i32
        %shift_right_logical3A_132 = vector.broadcast %shift_right_logical3A_131 : i32 to vector<16xi32>
        %shift_right_logical3A_133 = arith.shrui %get3A_130, %shift_right_logical3A_132 : vector<16xi32>
        %and3A_134 = arith.constant 16383 : i32
        %and3A_135 = vector.broadcast %and3A_134 : i32 to vector<16xi32>
        %and3A_136 = arith.andi %get3A_130, %and3A_135 : vector<16xi32>
        %gather3A_137 = tpu.vector_load_idx %arg5[%shift_right_logical3A_112] : memref<10000xi32, #tpu.memory_space<vmem>>[vector<16xi32>], vector<16xi32>,
        %gather3A_138 = tpu.vector_load_idx %arg6[%shift_right_logical3A_112] : memref<10000xi32, #tpu.memory_space<vmem>>[vector<16xi32>], vector<16xi32>,
        %broadcast_in_dim3A_139 = arith.constant true
        %broadcast_in_dim3A_140 = vector.broadcast %broadcast_in_dim3A_139 : i1 to vector<16xi1>
        %unique3A_141, %unique3A_142 = tpu.scan_count mask(%broadcast_in_dim3A_140 : vector<16xi1>) value(%and3A_115 : vector<16xi32>) : vector<16xi1>, vector<16xi32>
        %not3A_143 = arith.constant dense<true> : vector<16xi1>
        %not3A_144 = arith.xori %unique3A_141, %not3A_143 : vector<16xi1>
        %gather3A_145 = tpu.vector_load_idx %arg7[%and3A_99] : memref<10000xi32, #tpu.memory_space<vmem>>[vector<16xi32>], vector<16xi32>,
        %gather3A_146 = tpu.vector_load_idx %arg8[%and3A_99] : memref<10000xi32, #tpu.memory_space<vmem>>[vector<16xi32>], vector<16xi32>,
        %bitcast3A = vector.bitcast %gather3A_145 : vector<16xi32> to vector<32xbf16>
        %bitcast3A_147 = vector.bitcast %gather3A : vector<16xi32> to vector<32xbf16>
        %max3A = arith.maximumf %bitcast3A, %bitcast3A_147 : vector<32xbf16>
        %bitcast3A_148 = vector.bitcast %max3A : vector<32xbf16> to vector<16xi32>
        tpu.vector_store_idx %arg7[%and3A_99], %bitcast3A_148 : memref<10000xi32, #tpu.memory_space<vmem>>[vector<16xi32>], vector<16xi32>,
        %bitcast3A_149 = vector.bitcast %gather3A_146 : vector<16xi32> to vector<32xbf16>
        %bitcast3A_150 = vector.bitcast %gather3A_116 : vector<16xi32> to vector<32xbf16>
        %max3A_151 = arith.maximumf %bitcast3A_149, %bitcast3A_150 : vector<32xbf16>
        %bitcast3A_152 = vector.bitcast %max3A_151 : vector<32xbf16> to vector<16xi32>
        tpu.vector_store_idx %arg8[%and3A_99], %bitcast3A_152 : memref<10000xi32, #tpu.memory_space<vmem>>[vector<16xi32>], vector<16xi32>,
        %mul3A_153 = arith.constant 10 : i32
        %mul3A_154 = arith.muli %scan3A_86, %mul3A_153 : i32
        %add3A_155 = arith.constant 3 : i32
        %add3A_156 = arith.addi %mul3A_154, %add3A_155 : i32
        %mul3A_157 = arith.constant 16 : i32
        %mul3A_158 = arith.muli %add3A_156, %mul3A_157 : i32
        %get3A_159 = arith.constant 0 : i32
        %get3A_160 = arith.index_cast %get3A_159 : i32 to index
        %get3A_161 = arith.index_cast %mul3A_158 : i32 to index
        %get3A_162 = tpu.vector_load %arg9[%get3A_160, %get3A_161] {strides = array<i32>} : memref<2x3200xi32, #tpu.memory_space<vmem>>, vector<16xi32>,
        %shift_right_logical3A_163 = arith.constant 14 : i32
        %shift_right_logical3A_164 = vector.broadcast %shift_right_logical3A_163 : i32 to vector<16xi32>
        %shift_right_logical3A_165 = arith.shrui %get3A_162, %shift_right_logical3A_164 : vector<16xi32>
        %and3A_166 = arith.constant 16383 : i32
        %and3A_167 = vector.broadcast %and3A_166 : i32 to vector<16xi32>
        %and3A_168 = arith.andi %get3A_162, %and3A_167 : vector<16xi32>
        %gather3A_169 = tpu.vector_load_idx %arg5[%shift_right_logical3A_133] : memref<10000xi32, #tpu.memory_space<vmem>>[vector<16xi32>], vector<16xi32>,
        %gather3A_170 = tpu.vector_load_idx %arg6[%shift_right_logical3A_133] : memref<10000xi32, #tpu.memory_space<vmem>>[vector<16xi32>], vector<16xi32>,
        %broadcast_in_dim3A_171 = arith.constant true
        %broadcast_in_dim3A_172 = vector.broadcast %broadcast_in_dim3A_171 : i1 to vector<16xi1>
        %unique3A_173, %unique3A_174 = tpu.scan_count mask(%broadcast_in_dim3A_172 : vector<16xi1>) value(%and3A_136 : vector<16xi32>) : vector<16xi1>, vector<16xi32>
        %not3A_175 = arith.constant dense<true> : vector<16xi1>
        %not3A_176 = arith.xori %unique3A_173, %not3A_175 : vector<16xi1>
        %gather3A_177 = tpu.vector_load_idx %arg7[%and3A_115] : memref<10000xi32, #tpu.memory_space<vmem>>[vector<16xi32>], vector<16xi32>,
        %gather3A_178 = tpu.vector_load_idx %arg8[%and3A_115] : memref<10000xi32, #tpu.memory_space<vmem>>[vector<16xi32>], vector<16xi32>,
        %bitcast3A_179 = vector.bitcast %gather3A_177 : vector<16xi32> to vector<32xbf16>
        %bitcast3A_180 = vector.bitcast %gather3A_137 : vector<16xi32> to vector<32xbf16>
        %max3A_181 = arith.maximumf %bitcast3A_179, %bitcast3A_180 : vector<32xbf16>
        %bitcast3A_182 = vector.bitcast %max3A_181 : vector<32xbf16> to vector<16xi32>
        tpu.vector_store_idx %arg7[%and3A_115], %bitcast3A_182 : memref<10000xi32, #tpu.memory_space<vmem>>[vector<16xi32>], vector<16xi32>,
        %bitcast3A_183 = vector.bitcast %gather3A_178 : vector<16xi32> to vector<32xbf16>
        %bitcast3A_184 = vector.bitcast %gather3A_138 : vector<16xi32> to vector<32xbf16>
        %max3A_185 = arith.maximumf %bitcast3A_183, %bitcast3A_184 : vector<32xbf16>
        %bitcast3A_186 = vector.bitcast %max3A_185 : vector<32xbf16> to vector<16xi32>
        tpu.vector_store_idx %arg8[%and3A_115], %bitcast3A_186 : memref<10000xi32, #tpu.memory_space<vmem>>[vector<16xi32>], vector<16xi32>,
        %mul3A_187 = arith.constant 10 : i32
        %mul3A_188 = arith.muli %scan3A_86, %mul3A_187 : i32
        %add3A_189 = arith.constant 4 : i32
        %add3A_190 = arith.addi %mul3A_188, %add3A_189 : i32
        %mul3A_191 = arith.constant 16 : i32
        %mul3A_192 = arith.muli %add3A_190, %mul3A_191 : i32
        %get3A_193 = arith.constant 0 : i32
        %get3A_194 = arith.index_cast %get3A_193 : i32 to index
        %get3A_195 = arith.index_cast %mul3A_192 : i32 to index
        %get3A_196 = tpu.vector_load %arg9[%get3A_194, %get3A_195] {strides = array<i32>} : memref<2x3200xi32, #tpu.memory_space<vmem>>, vector<16xi32>,
        %shift_right_logical3A_197 = arith.constant 14 : i32
        %shift_right_logical3A_198 = vector.broadcast %shift_right_logical3A_197 : i32 to vector<16xi32>
        %shift_right_logical3A_199 = arith.shrui %get3A_196, %shift_right_logical3A_198 : vector<16xi32>
        %and3A_200 = arith.constant 16383 : i32
        %and3A_201 = vector.broadcast %and3A_200 : i32 to vector<16xi32>
        %and3A_202 = arith.andi %get3A_196, %and3A_201 : vector<16xi32>
        %gather3A_203 = tpu.vector_load_idx %arg5[%shift_right_logical3A_165] : memref<10000xi32, #tpu.memory_space<vmem>>[vector<16xi32>], vector<16xi32>,
        %gather3A_204 = tpu.vector_load_idx %arg6[%shift_right_logical3A_165] : memref<10000xi32, #tpu.memory_space<vmem>>[vector<16xi32>], vector<16xi32>,
        %broadcast_in_dim3A_205 = arith.constant true
        %broadcast_in_dim3A_206 = vector.broadcast %broadcast_in_dim3A_205 : i1 to vector<16xi1>
        %unique3A_207, %unique3A_208 = tpu.scan_count mask(%broadcast_in_dim3A_206 : vector<16xi1>) value(%and3A_168 : vector<16xi32>) : vector<16xi1>, vector<16xi32>
        %not3A_209 = arith.constant dense<true> : vector<16xi1>
        %not3A_210 = arith.xori %unique3A_207, %not3A_209 : vector<16xi1>
        %gather3A_211 = tpu.vector_load_idx %arg7[%and3A_136] : memref<10000xi32, #tpu.memory_space<vmem>>[vector<16xi32>], vector<16xi32>,
        %gather3A_212 = tpu.vector_load_idx %arg8[%and3A_136] : memref<10000xi32, #tpu.memory_space<vmem>>[vector<16xi32>], vector<16xi32>,
        %bitcast3A_213 = vector.bitcast %gather3A_211 : vector<16xi32> to vector<32xbf16>
        %bitcast3A_214 = vector.bitcast %gather3A_169 : vector<16xi32> to vector<32xbf16>
        %max3A_215 = arith.maximumf %bitcast3A_213, %bitcast3A_214 : vector<32xbf16>
        %bitcast3A_216 = vector.bitcast %max3A_215 : vector<32xbf16> to vector<16xi32>
        tpu.vector_store_idx %arg7[%and3A_136], %bitcast3A_216 : memref<10000xi32, #tpu.memory_space<vmem>>[vector<16xi32>], vector<16xi32>,
        %bitcast3A_217 = vector.bitcast %gather3A_212 : vector<16xi32> to vector<32xbf16>
        %bitcast3A_218 = vector.bitcast %gather3A_170 : vector<16xi32> to vector<32xbf16>
        %max3A_219 = arith.maximumf %bitcast3A_217, %bitcast3A_218 : vector<32xbf16>
        %bitcast3A_220 = vector.bitcast %max3A_219 : vector<32xbf16> to vector<16xi32>
        tpu.vector_store_idx %arg8[%and3A_136], %bitcast3A_220 : memref<10000xi32, #tpu.memory_space<vmem>>[vector<16xi32>], vector<16xi32>,
        %mul3A_221 = arith.constant 10 : i32
        %mul3A_222 = arith.muli %scan3A_86, %mul3A_221 : i32
        %add3A_223 = arith.constant 5 : i32
        %add3A_224 = arith.addi %mul3A_222, %add3A_223 : i32
        %mul3A_225 = arith.constant 16 : i32
        %mul3A_226 = arith.muli %add3A_224, %mul3A_225 : i32
        %get3A_227 = arith.constant 0 : i32
        %get3A_228 = arith.index_cast %get3A_227 : i32 to index
        %get3A_229 = arith.index_cast %mul3A_226 : i32 to index
        %get3A_230 = tpu.vector_load %arg9[%get3A_228, %get3A_229] {strides = array<i32>} : memref<2x3200xi32, #tpu.memory_space<vmem>>, vector<16xi32>,
        %shift_right_logical3A_231 = arith.constant 14 : i32
        %shift_right_logical3A_232 = vector.broadcast %shift_right_logical3A_231 : i32 to vector<16xi32>
        %shift_right_logical3A_233 = arith.shrui %get3A_230, %shift_right_logical3A_232 : vector<16xi32>
        %and3A_234 = arith.constant 16383 : i32
        %and3A_235 = vector.broadcast %and3A_234 : i32 to vector<16xi32>
        %and3A_236 = arith.andi %get3A_230, %and3A_235 : vector<16xi32>
        %gather3A_237 = tpu.vector_load_idx %arg5[%shift_right_logical3A_199] : memref<10000xi32, #tpu.memory_space<vmem>>[vector<16xi32>], vector<16xi32>,
        %gather3A_238 = tpu.vector_load_idx %arg6[%shift_right_logical3A_199] : memref<10000xi32, #tpu.memory_space<vmem>>[vector<16xi32>], vector<16xi32>,
        %broadcast_in_dim3A_239 = arith.constant true
        %broadcast_in_dim3A_240 = vector.broadcast %broadcast_in_dim3A_239 : i1 to vector<16xi1>
        %unique3A_241, %unique3A_242 = tpu.scan_count mask(%broadcast_in_dim3A_240 : vector<16xi1>) value(%and3A_202 : vector<16xi32>) : vector<16xi1>, vector<16xi32>
        %not3A_243 = arith.constant dense<true> : vector<16xi1>
        %not3A_244 = arith.xori %unique3A_241, %not3A_243 : vector<16xi1>
        %gather3A_245 = tpu.vector_load_idx %arg7[%and3A_168] : memref<10000xi32, #tpu.memory_space<vmem>>[vector<16xi32>], vector<16xi32>,
        %gather3A_246 = tpu.vector_load_idx %arg8[%and3A_168] : memref<10000xi32, #tpu.memory_space<vmem>>[vector<16xi32>], vector<16xi32>,
        %bitcast3A_247 = vector.bitcast %gather3A_245 : vector<16xi32> to vector<32xbf16>
        %bitcast3A_248 = vector.bitcast %gather3A_203 : vector<16xi32> to vector<32xbf16>
        %max3A_249 = arith.maximumf %bitcast3A_247, %bitcast3A_248 : vector<32xbf16>
        %bitcast3A_250 = vector.bitcast %max3A_249 : vector<32xbf16> to vector<16xi32>
        tpu.vector_store_idx %arg7[%and3A_168], %bitcast3A_250 : memref<10000xi32, #tpu.memory_space<vmem>>[vector<16xi32>], vector<16xi32>,
        %bitcast3A_251 = vector.bitcast %gather3A_246 : vector<16xi32> to vector<32xbf16>
        %bitcast3A_252 = vector.bitcast %gather3A_204 : vector<16xi32> to vector<32xbf16>
        %max3A_253 = arith.maximumf %bitcast3A_251, %bitcast3A_252 : vector<32xbf16>
        %bitcast3A_254 = vector.bitcast %max3A_253 : vector<32xbf16> to vector<16xi32>
        tpu.vector_store_idx %arg8[%and3A_168], %bitcast3A_254 : memref<10000xi32, #tpu.memory_space<vmem>>[vector<16xi32>], vector<16xi32>,
        %mul3A_255 = arith.constant 10 : i32
        %mul3A_256 = arith.muli %scan3A_86, %mul3A_255 : i32
        %add3A_257 = arith.constant 6 : i32
        %add3A_258 = arith.addi %mul3A_256, %add3A_257 : i32
        %mul3A_259 = arith.constant 16 : i32
        %mul3A_260 = arith.muli %add3A_258, %mul3A_259 : i32
        %get3A_261 = arith.constant 0 : i32
        %get3A_262 = arith.index_cast %get3A_261 : i32 to index
        %get3A_263 = arith.index_cast %mul3A_260 : i32 to index
        %get3A_264 = tpu.vector_load %arg9[%get3A_262, %get3A_263] {strides = array<i32>} : memref<2x3200xi32, #tpu.memory_space<vmem>>, vector<16xi32>,
        %shift_right_logical3A_265 = arith.constant 14 : i32
        %shift_right_logical3A_266 = vector.broadcast %shift_right_logical3A_265 : i32 to vector<16xi32>
        %shift_right_logical3A_267 = arith.shrui %get3A_264, %shift_right_logical3A_266 : vector<16xi32>
        %and3A_268 = arith.constant 16383 : i32
        %and3A_269 = vector.broadcast %and3A_268 : i32 to vector<16xi32>
        %and3A_270 = arith.andi %get3A_264, %and3A_269 : vector<16xi32>
        %gather3A_271 = tpu.vector_load_idx %arg5[%shift_right_logical3A_233] : memref<10000xi32, #tpu.memory_space<vmem>>[vector<16xi32>], vector<16xi32>,
        %gather3A_272 = tpu.vector_load_idx %arg6[%shift_right_logical3A_233] : memref<10000xi32, #tpu.memory_space<vmem>>[vector<16xi32>], vector<16xi32>,
        %broadcast_in_dim3A_273 = arith.constant true
        %broadcast_in_dim3A_274 = vector.broadcast %broadcast_in_dim3A_273 : i1 to vector<16xi1>
        %unique3A_275, %unique3A_276 = tpu.scan_count mask(%broadcast_in_dim3A_274 : vector<16xi1>) value(%and3A_236 : vector<16xi32>) : vector<16xi1>, vector<16xi32>
        %not3A_277 = arith.constant dense<true> : vector<16xi1>
        %not3A_278 = arith.xori %unique3A_275, %not3A_277 : vector<16xi1>
        %gather3A_279 = tpu.vector_load_idx %arg7[%and3A_202] : memref<10000xi32, #tpu.memory_space<vmem>>[vector<16xi32>], vector<16xi32>,
        %gather3A_280 = tpu.vector_load_idx %arg8[%and3A_202] : memref<10000xi32, #tpu.memory_space<vmem>>[vector<16xi32>], vector<16xi32>,
        %bitcast3A_281 = vector.bitcast %gather3A_279 : vector<16xi32> to vector<32xbf16>
        %bitcast3A_282 = vector.bitcast %gather3A_237 : vector<16xi32> to vector<32xbf16>
        %max3A_283 = arith.maximumf %bitcast3A_281, %bitcast3A_282 : vector<32xbf16>
        %bitcast3A_284 = vector.bitcast %max3A_283 : vector<32xbf16> to vector<16xi32>
        tpu.vector_store_idx %arg7[%and3A_202], %bitcast3A_284 : memref<10000xi32, #tpu.memory_space<vmem>>[vector<16xi32>], vector<16xi32>,
        %bitcast3A_285 = vector.bitcast %gather3A_280 : vector<16xi32> to vector<32xbf16>
        %bitcast3A_286 = vector.bitcast %gather3A_238 : vector<16xi32> to vector<32xbf16>
        %max3A_287 = arith.maximumf %bitcast3A_285, %bitcast3A_286 : vector<32xbf16>
        %bitcast3A_288 = vector.bitcast %max3A_287 : vector<32xbf16> to vector<16xi32>
        tpu.vector_store_idx %arg8[%and3A_202], %bitcast3A_288 : memref<10000xi32, #tpu.memory_space<vmem>>[vector<16xi32>], vector<16xi32>,
        %mul3A_289 = arith.constant 10 : i32
        %mul3A_290 = arith.muli %scan3A_86, %mul3A_289 : i32
        %add3A_291 = arith.constant 7 : i32
        %add3A_292 = arith.addi %mul3A_290, %add3A_291 : i32
        %mul3A_293 = arith.constant 16 : i32
        %mul3A_294 = arith.muli %add3A_292, %mul3A_293 : i32
        %get3A_295 = arith.constant 0 : i32
        %get3A_296 = arith.index_cast %get3A_295 : i32 to index
        %get3A_297 = arith.index_cast %mul3A_294 : i32 to index
        %get3A_298 = tpu.vector_load %arg9[%get3A_296, %get3A_297] {strides = array<i32>} : memref<2x3200xi32, #tpu.memory_space<vmem>>, vector<16xi32>,
        %shift_right_logical3A_299 = arith.constant 14 : i32
        %shift_right_logical3A_300 = vector.broadcast %shift_right_logical3A_299 : i32 to vector<16xi32>
        %shift_right_logical3A_301 = arith.shrui %get3A_298, %shift_right_logical3A_300 : vector<16xi32>
        %and3A_302 = arith.constant 16383 : i32
        %and3A_303 = vector.broadcast %and3A_302 : i32 to vector<16xi32>
        %and3A_304 = arith.andi %get3A_298, %and3A_303 : vector<16xi32>
        %gather3A_305 = tpu.vector_load_idx %arg5[%shift_right_logical3A_267] : memref<10000xi32, #tpu.memory_space<vmem>>[vector<16xi32>], vector<16xi32>,
        %gather3A_306 = tpu.vector_load_idx %arg6[%shift_right_logical3A_267] : memref<10000xi32, #tpu.memory_space<vmem>>[vector<16xi32>], vector<16xi32>,
        %broadcast_in_dim3A_307 = arith.constant true
        %broadcast_in_dim3A_308 = vector.broadcast %broadcast_in_dim3A_307 : i1 to vector<16xi1>
        %unique3A_309, %unique3A_310 = tpu.scan_count mask(%broadcast_in_dim3A_308 : vector<16xi1>) value(%and3A_270 : vector<16xi32>) : vector<16xi1>, vector<16xi32>
        %not3A_311 = arith.constant dense<true> : vector<16xi1>
        %not3A_312 = arith.xori %unique3A_309, %not3A_311 : vector<16xi1>
        %gather3A_313 = tpu.vector_load_idx %arg7[%and3A_236] : memref<10000xi32, #tpu.memory_space<vmem>>[vector<16xi32>], vector<16xi32>,
        %gather3A_314 = tpu.vector_load_idx %arg8[%and3A_236] : memref<10000xi32, #tpu.memory_space<vmem>>[vector<16xi32>], vector<16xi32>,
        %bitcast3A_315 = vector.bitcast %gather3A_313 : vector<16xi32> to vector<32xbf16>
        %bitcast3A_316 = vector.bitcast %gather3A_271 : vector<16xi32> to vector<32xbf16>
        %max3A_317 = arith.maximumf %bitcast3A_315, %bitcast3A_316 : vector<32xbf16>
        %bitcast3A_318 = vector.bitcast %max3A_317 : vector<32xbf16> to vector<16xi32>
        tpu.vector_store_idx %arg7[%and3A_236], %bitcast3A_318 : memref<10000xi32, #tpu.memory_space<vmem>>[vector<16xi32>], vector<16xi32>,
        %bitcast3A_319 = vector.bitcast %gather3A_314 : vector<16xi32> to vector<32xbf16>
        %bitcast3A_320 = vector.bitcast %gather3A_272 : vector<16xi32> to vector<32xbf16>
        %max3A_321 = arith.maximumf %bitcast3A_319, %bitcast3A_320 : vector<32xbf16>
        %bitcast3A_322 = vector.bitcast %max3A_321 : vector<32xbf16> to vector<16xi32>
        tpu.vector_store_idx %arg8[%and3A_236], %bitcast3A_322 : memref<10000xi32, #tpu.memory_space<vmem>>[vector<16xi32>], vector<16xi32>,
        %mul3A_323 = arith.constant 10 : i32
        %mul3A_324 = arith.muli %scan3A_86, %mul3A_323 : i32
        %add3A_325 = arith.constant 8 : i32
        %add3A_326 = arith.addi %mul3A_324, %add3A_325 : i32
        %mul3A_327 = arith.constant 16 : i32
        %mul3A_328 = arith.muli %add3A_326, %mul3A_327 : i32
        %get3A_329 = arith.constant 0 : i32
        %get3A_330 = arith.index_cast %get3A_329 : i32 to index
        %get3A_331 = arith.index_cast %mul3A_328 : i32 to index
        %get3A_332 = tpu.vector_load %arg9[%get3A_330, %get3A_331] {strides = array<i32>} : memref<2x3200xi32, #tpu.memory_space<vmem>>, vector<16xi32>,
        %shift_right_logical3A_333 = arith.constant 14 : i32
        %shift_right_logical3A_334 = vector.broadcast %shift_right_logical3A_333 : i32 to vector<16xi32>
        %shift_right_logical3A_335 = arith.shrui %get3A_332, %shift_right_logical3A_334 : vector<16xi32>
        %and3A_336 = arith.constant 16383 : i32
        %and3A_337 = vector.broadcast %and3A_336 : i32 to vector<16xi32>
        %and3A_338 = arith.andi %get3A_332, %and3A_337 : vector<16xi32>
        %gather3A_339 = tpu.vector_load_idx %arg5[%shift_right_logical3A_301] : memref<10000xi32, #tpu.memory_space<vmem>>[vector<16xi32>], vector<16xi32>,
        %gather3A_340 = tpu.vector_load_idx %arg6[%shift_right_logical3A_301] : memref<10000xi32, #tpu.memory_space<vmem>>[vector<16xi32>], vector<16xi32>,
        %broadcast_in_dim3A_341 = arith.constant true
        %broadcast_in_dim3A_342 = vector.broadcast %broadcast_in_dim3A_341 : i1 to vector<16xi1>
        %unique3A_343, %unique3A_344 = tpu.scan_count mask(%broadcast_in_dim3A_342 : vector<16xi1>) value(%and3A_304 : vector<16xi32>) : vector<16xi1>, vector<16xi32>
        %not3A_345 = arith.constant dense<true> : vector<16xi1>
        %not3A_346 = arith.xori %unique3A_343, %not3A_345 : vector<16xi1>
        %gather3A_347 = tpu.vector_load_idx %arg7[%and3A_270] : memref<10000xi32, #tpu.memory_space<vmem>>[vector<16xi32>], vector<16xi32>,
        %gather3A_348 = tpu.vector_load_idx %arg8[%and3A_270] : memref<10000xi32, #tpu.memory_space<vmem>>[vector<16xi32>], vector<16xi32>,
        %bitcast3A_349 = vector.bitcast %gather3A_347 : vector<16xi32> to vector<32xbf16>
        %bitcast3A_350 = vector.bitcast %gather3A_305 : vector<16xi32> to vector<32xbf16>
        %max3A_351 = arith.maximumf %bitcast3A_349, %bitcast3A_350 : vector<32xbf16>
        %bitcast3A_352 = vector.bitcast %max3A_351 : vector<32xbf16> to vector<16xi32>
        tpu.vector_store_idx %arg7[%and3A_270], %bitcast3A_352 : memref<10000xi32, #tpu.memory_space<vmem>>[vector<16xi32>], vector<16xi32>,
        %bitcast3A_353 = vector.bitcast %gather3A_348 : vector<16xi32> to vector<32xbf16>
        %bitcast3A_354 = vector.bitcast %gather3A_306 : vector<16xi32> to vector<32xbf16>
        %max3A_355 = arith.maximumf %bitcast3A_353, %bitcast3A_354 : vector<32xbf16>
        %bitcast3A_356 = vector.bitcast %max3A_355 : vector<32xbf16> to vector<16xi32>
        tpu.vector_store_idx %arg8[%and3A_270], %bitcast3A_356 : memref<10000xi32, #tpu.memory_space<vmem>>[vector<16xi32>], vector<16xi32>,
        %mul3A_357 = arith.constant 10 : i32
        %mul3A_358 = arith.muli %scan3A_86, %mul3A_357 : i32
        %add3A_359 = arith.constant 9 : i32
        %add3A_360 = arith.addi %mul3A_358, %add3A_359 : i32
        %mul3A_361 = arith.constant 16 : i32
        %mul3A_362 = arith.muli %add3A_360, %mul3A_361 : i32
        %get3A_363 = arith.constant 0 : i32
        %get3A_364 = arith.index_cast %get3A_363 : i32 to index
        %get3A_365 = arith.index_cast %mul3A_362 : i32 to index
        %get3A_366 = tpu.vector_load %arg9[%get3A_364, %get3A_365] {strides = array<i32>} : memref<2x3200xi32, #tpu.memory_space<vmem>>, vector<16xi32>,
        %shift_right_logical3A_367 = arith.constant 14 : i32
        %shift_right_logical3A_368 = vector.broadcast %shift_right_logical3A_367 : i32 to vector<16xi32>
        %shift_right_logical3A_369 = arith.shrui %get3A_366, %shift_right_logical3A_368 : vector<16xi32>
        %and3A_370 = arith.constant 16383 : i32
        %and3A_371 = vector.broadcast %and3A_370 : i32 to vector<16xi32>
        %and3A_372 = arith.andi %get3A_366, %and3A_371 : vector<16xi32>
        %gather3A_373 = tpu.vector_load_idx %arg5[%shift_right_logical3A_335] : memref<10000xi32, #tpu.memory_space<vmem>>[vector<16xi32>], vector<16xi32>,
        %gather3A_374 = tpu.vector_load_idx %arg6[%shift_right_logical3A_335] : memref<10000xi32, #tpu.memory_space<vmem>>[vector<16xi32>], vector<16xi32>,
        %broadcast_in_dim3A_375 = arith.constant true
        %broadcast_in_dim3A_376 = vector.broadcast %broadcast_in_dim3A_375 : i1 to vector<16xi1>
        %unique3A_377, %unique3A_378 = tpu.scan_count mask(%broadcast_in_dim3A_376 : vector<16xi1>) value(%and3A_338 : vector<16xi32>) : vector<16xi1>, vector<16xi32>
        %not3A_379 = arith.constant dense<true> : vector<16xi1>
        %not3A_380 = arith.xori %unique3A_377, %not3A_379 : vector<16xi1>
        %gather3A_381 = tpu.vector_load_idx %arg7[%and3A_304] : memref<10000xi32, #tpu.memory_space<vmem>>[vector<16xi32>], vector<16xi32>,
        %gather3A_382 = tpu.vector_load_idx %arg8[%and3A_304] : memref<10000xi32, #tpu.memory_space<vmem>>[vector<16xi32>], vector<16xi32>,
        %bitcast3A_383 = vector.bitcast %gather3A_381 : vector<16xi32> to vector<32xbf16>
        %bitcast3A_384 = vector.bitcast %gather3A_339 : vector<16xi32> to vector<32xbf16>
        %max3A_385 = arith.maximumf %bitcast3A_383, %bitcast3A_384 : vector<32xbf16>
        %bitcast3A_386 = vector.bitcast %max3A_385 : vector<32xbf16> to vector<16xi32>
        tpu.vector_store_idx %arg7[%and3A_304], %bitcast3A_386 : memref<10000xi32, #tpu.memory_space<vmem>>[vector<16xi32>], vector<16xi32>,
        %bitcast3A_387 = vector.bitcast %gather3A_382 : vector<16xi32> to vector<32xbf16>
        %bitcast3A_388 = vector.bitcast %gather3A_340 : vector<16xi32> to vector<32xbf16>
        %max3A_389 = arith.maximumf %bitcast3A_387, %bitcast3A_388 : vector<32xbf16>
        %bitcast3A_390 = vector.bitcast %max3A_389 : vector<32xbf16> to vector<16xi32>
        tpu.vector_store_idx %arg8[%and3A_304], %bitcast3A_390 : memref<10000xi32, #tpu.memory_space<vmem>>[vector<16xi32>], vector<16xi32>,
        %gather3A_391 = tpu.vector_load_idx %arg5[%shift_right_logical3A_369] : memref<10000xi32, #tpu.memory_space<vmem>>[vector<16xi32>], vector<16xi32>,
        %gather3A_392 = tpu.vector_load_idx %arg6[%shift_right_logical3A_369] : memref<10000xi32, #tpu.memory_space<vmem>>[vector<16xi32>], vector<16xi32>,
        %broadcast_in_dim3A_393 = arith.constant true
        %broadcast_in_dim3A_394 = vector.broadcast %broadcast_in_dim3A_393 : i1 to vector<16xi1>
        %unique3A_395, %unique3A_396 = tpu.scan_count mask(%broadcast_in_dim3A_394 : vector<16xi1>) value(%and3A_372 : vector<16xi32>) : vector<16xi1>, vector<16xi32>
        %not3A_397 = arith.constant dense<true> : vector<16xi1>
        %not3A_398 = arith.xori %unique3A_395, %not3A_397 : vector<16xi1>
        %gather3A_399 = tpu.vector_load_idx %arg7[%and3A_338] : memref<10000xi32, #tpu.memory_space<vmem>>[vector<16xi32>], vector<16xi32>,
        %gather3A_400 = tpu.vector_load_idx %arg8[%and3A_338] : memref<10000xi32, #tpu.memory_space<vmem>>[vector<16xi32>], vector<16xi32>,
        %bitcast3A_401 = vector.bitcast %gather3A_399 : vector<16xi32> to vector<32xbf16>
        %bitcast3A_402 = vector.bitcast %gather3A_373 : vector<16xi32> to vector<32xbf16>
        %max3A_403 = arith.maximumf %bitcast3A_401, %bitcast3A_402 : vector<32xbf16>
        %bitcast3A_404 = vector.bitcast %max3A_403 : vector<32xbf16> to vector<16xi32>
        tpu.vector_store_idx %arg7[%and3A_338], %bitcast3A_404 : memref<10000xi32, #tpu.memory_space<vmem>>[vector<16xi32>], vector<16xi32>,
        %bitcast3A_405 = vector.bitcast %gather3A_400 : vector<16xi32> to vector<32xbf16>
        %bitcast3A_406 = vector.bitcast %gather3A_374 : vector<16xi32> to vector<32xbf16>
        %max3A_407 = arith.maximumf %bitcast3A_405, %bitcast3A_406 : vector<32xbf16>
        %bitcast3A_408 = vector.bitcast %max3A_407 : vector<32xbf16> to vector<16xi32>
        tpu.vector_store_idx %arg8[%and3A_338], %bitcast3A_408 : memref<10000xi32, #tpu.memory_space<vmem>>[vector<16xi32>], vector<16xi32>,
        %gather3A_409 = tpu.vector_load_idx %arg7[%and3A_372] : memref<10000xi32, #tpu.memory_space<vmem>>[vector<16xi32>], vector<16xi32>,
        %gather3A_410 = tpu.vector_load_idx %arg8[%and3A_372] : memref<10000xi32, #tpu.memory_space<vmem>>[vector<16xi32>], vector<16xi32>,
        %bitcast3A_411 = vector.bitcast %gather3A_409 : vector<16xi32> to vector<32xbf16>
        %bitcast3A_412 = vector.bitcast %gather3A_391 : vector<16xi32> to vector<32xbf16>
        %max3A_413 = arith.maximumf %bitcast3A_411, %bitcast3A_412 : vector<32xbf16>
        %bitcast3A_414 = vector.bitcast %max3A_413 : vector<32xbf16> to vector<16xi32>
        tpu.vector_store_idx %arg7[%and3A_372], %bitcast3A_414 : memref<10000xi32, #tpu.memory_space<vmem>>[vector<16xi32>], vector<16xi32>,
        %bitcast3A_415 = vector.bitcast %gather3A_410 : vector<16xi32> to vector<32xbf16>
        %bitcast3A_416 = vector.bitcast %gather3A_392 : vector<16xi32> to vector<32xbf16>
        %max3A_417 = arith.maximumf %bitcast3A_415, %bitcast3A_416 : vector<32xbf16>
        %bitcast3A_418 = vector.bitcast %max3A_417 : vector<32xbf16> to vector<16xi32>
        tpu.vector_store_idx %arg8[%and3A_372], %bitcast3A_418 : memref<10000xi32, #tpu.memory_space<vmem>>[vector<16xi32>], vector<16xi32>,
        %or3A = arith.ori %not3A_120, %not3A_144 : vector<16xi1>
        %or3A_419 = arith.ori %or3A, %not3A_176 : vector<16xi1>
        %or3A_420 = arith.ori %or3A_419, %not3A_210 : vector<16xi1>
        %or3A_421 = arith.ori %or3A_420, %not3A_244 : vector<16xi1>
        %or3A_422 = arith.ori %or3A_421, %not3A_278 : vector<16xi1>
        %or3A_423 = arith.ori %or3A_422, %not3A_312 : vector<16xi1>
        %or3A_424 = arith.ori %or3A_423, %not3A_346 : vector<16xi1>
        %or3A_425 = arith.ori %or3A_424, %not3A_380 : vector<16xi1>
        %or3A_426 = arith.ori %or3A_425, %not3A_398 : vector<16xi1>
        %all_reduce_population_count3A = tpu.all_reduce %or3A_426 {dim = 0 : i64, kind = #tpu.reduction_kind<sum>} : vector<16xi1> -> vector<16xi32>
        %slice3A = vector.extract_strided_slice %all_reduce_population_count3A {offsets = [0], sizes = [1], strides = [1]} : vector<16xi32> to vector<1xi32>
        %squeeze3A = vector.extract %slice3A[0] : i32 from vector<1xi32>
        %gt3A = arith.constant 0 : i32
        %gt3A_427 = arith.cmpi sgt, %squeeze3A, %gt3A : i32
        %convert_element_type3A_428 = arith.extui %gt3A_427 : i1 to i32
        %cond3A_429 = arith.constant 0 : i32
        %cond3A_430 = arith.cmpi ne, %convert_element_type3A_428, %cond3A_429 : i32
        scf.if %cond3A_430 {
          %broadcast_in_dim3A_431 = arith.constant true
          %broadcast_in_dim3A_432 = vector.broadcast %broadcast_in_dim3A_431 : i1 to vector<16xi1>
          %while3A = scf.while (%while3A_460 = %broadcast_in_dim3A_432) : (vector<16xi1>) -> vector<16xi1> {
            %reduce_or3A = arith.constant 1.000000e+00 : f32
            %reduce_or3A_461 = arith.constant 0.000000e+00 : f32
            %reduce_or3A_462 = vector.broadcast %reduce_or3A : f32 to vector<16xf32>
            %reduce_or3A_463 = vector.broadcast %reduce_or3A_461 : f32 to vector<16xf32>
            %reduce_or3A_464 = arith.select %while3A_460, %reduce_or3A_462, %reduce_or3A_463 : vector<16xi1>, vector<16xf32>
            %reduce_or3A_465 = arith.constant true
            %reduce_or3A_466 = vector.broadcast %reduce_or3A_465 : i1 to vector<16xi1>
            %reduce_or3A_467 = tpu.scan <max>, %reduce_or3A_464 masked %reduce_or3A_466 : vector<16xf32>, vector<16xi1> -> vector<16xf32>
            %reduce_or3A_468 = vector.extract %reduce_or3A_467[15] : f32 from vector<16xf32>
            %reduce_or3A_469 = arith.constant 0.000000e+00 : f32
            %reduce_or3A_470 = arith.cmpf ogt, %reduce_or3A_468, %reduce_or3A_469 : f32
            scf.condition(%reduce_or3A_470) %while3A_460 : vector<16xi1>
          } do {
          ^bb0(%while3A_460: vector<16xi1>):
            %gather3A_461 = tpu.vector_load_idx %arg7[%and3A_99] : memref<10000xi32, #tpu.memory_space<vmem>>[vector<16xi32>], vector<16xi32>,
            %bitcast3A_462 = vector.bitcast %gather3A_461 : vector<16xi32> to vector<32xbf16>
            %bitcast3A_463 = vector.bitcast %gather3A : vector<16xi32> to vector<32xbf16>
            %max3A_464 = arith.maximumf %bitcast3A_462, %bitcast3A_463 : vector<32xbf16>
            %bitcast3A_465 = vector.bitcast %max3A_464 : vector<32xbf16> to vector<16xi32>
            tpu.vector_store_idx %arg7[%and3A_99], %bitcast3A_465 masked %while3A_460 : memref<10000xi32, #tpu.memory_space<vmem>>[vector<16xi32>], vector<16xi32>, vector<16xi1>
            %gather3A_466 = tpu.vector_load_idx %arg8[%and3A_99] : memref<10000xi32, #tpu.memory_space<vmem>>[vector<16xi32>], vector<16xi32>,
            %bitcast3A_467 = vector.bitcast %gather3A_466 : vector<16xi32> to vector<32xbf16>
            %bitcast3A_468 = vector.bitcast %gather3A_116 : vector<16xi32> to vector<32xbf16>
            %max3A_469 = arith.maximumf %bitcast3A_467, %bitcast3A_468 : vector<32xbf16>
            %bitcast3A_470 = vector.bitcast %max3A_469 : vector<32xbf16> to vector<16xi32>
            tpu.vector_store_idx %arg8[%and3A_99], %bitcast3A_470 masked %while3A_460 : memref<10000xi32, #tpu.memory_space<vmem>>[vector<16xi32>], vector<16xi32>, vector<16xi1>
            %broadcast_in_dim3A_471 = arith.constant false
            %broadcast_in_dim3A_472 = vector.broadcast %broadcast_in_dim3A_471 : i1 to vector<16xi1>
            %gather3A_473 = tpu.vector_load_idx %arg7[%and3A_99] : memref<10000xi32, #tpu.memory_space<vmem>>[vector<16xi32>], vector<16xi32>,
            %and3A_474 = arith.constant 65535 : i32
            %and3A_475 = vector.broadcast %and3A_474 : i32 to vector<16xi32>
            %and3A_476 = arith.andi %gather3A_473, %and3A_475 : vector<16xi32>
            %and3A_477 = arith.constant 65535 : i32
            %and3A_478 = vector.broadcast %and3A_477 : i32 to vector<16xi32>
            %and3A_479 = arith.andi %gather3A, %and3A_478 : vector<16xi32>
            %lt3A_480 = arith.cmpi slt, %and3A_476, %and3A_479 : vector<16xi32>
            %or3A_481 = arith.ori %broadcast_in_dim3A_472, %lt3A_480 : vector<16xi1>
            %shift_right_logical3A_482 = arith.constant 16 : i32
            %shift_right_logical3A_483 = vector.broadcast %shift_right_logical3A_482 : i32 to vector<16xi32>
            %shift_right_logical3A_484 = arith.shrui %gather3A_473, %shift_right_logical3A_483 : vector<16xi32>
            %shift_right_logical3A_485 = arith.constant 16 : i32
            %shift_right_logical3A_486 = vector.broadcast %shift_right_logical3A_485 : i32 to vector<16xi32>
            %shift_right_logical3A_487 = arith.shrui %gather3A, %shift_right_logical3A_486 : vector<16xi32>
            %lt3A_488 = arith.cmpi slt, %shift_right_logical3A_484, %shift_right_logical3A_487 : vector<16xi32>
            %or3A_489 = arith.ori %or3A_481, %lt3A_488 : vector<16xi1>
            %gather3A_490 = tpu.vector_load_idx %arg8[%and3A_99] : memref<10000xi32, #tpu.memory_space<vmem>>[vector<16xi32>], vector<16xi32>,
            %and3A_491 = arith.constant 65535 : i32
            %and3A_492 = vector.broadcast %and3A_491 : i32 to vector<16xi32>
            %and3A_493 = arith.andi %gather3A_490, %and3A_492 : vector<16xi32>
            %and3A_494 = arith.constant 65535 : i32
            %and3A_495 = vector.broadcast %and3A_494 : i32 to vector<16xi32>
            %and3A_496 = arith.andi %gather3A_116, %and3A_495 : vector<16xi32>
            %lt3A_497 = arith.cmpi slt, %and3A_493, %and3A_496 : vector<16xi32>
            %or3A_498 = arith.ori %or3A_489, %lt3A_497 : vector<16xi1>
            %shift_right_logical3A_499 = arith.constant 16 : i32
            %shift_right_logical3A_500 = vector.broadcast %shift_right_logical3A_499 : i32 to vector<16xi32>
            %shift_right_logical3A_501 = arith.shrui %gather3A_490, %shift_right_logical3A_500 : vector<16xi32>
            %shift_right_logical3A_502 = arith.constant 16 : i32
            %shift_right_logical3A_503 = vector.broadcast %shift_right_logical3A_502 : i32 to vector<16xi32>
            %shift_right_logical3A_504 = arith.shrui %gather3A_116, %shift_right_logical3A_503 : vector<16xi32>
            %lt3A_505 = arith.cmpi slt, %shift_right_logical3A_501, %shift_right_logical3A_504 : vector<16xi32>
            %or3A_506 = arith.ori %or3A_498, %lt3A_505 : vector<16xi1>
            scf.yield %or3A_506 : vector<16xi1>
          }
          %broadcast_in_dim3A_433 = arith.constant true
          %broadcast_in_dim3A_434 = vector.broadcast %broadcast_in_dim3A_433 : i1 to vector<16xi1>
          %while3A_435 = scf.while (%while3A_460 = %broadcast_in_dim3A_434) : (vector<16xi1>) -> vector<16xi1> {
            %reduce_or3A = arith.constant 1.000000e+00 : f32
            %reduce_or3A_461 = arith.constant 0.000000e+00 : f32
            %reduce_or3A_462 = vector.broadcast %reduce_or3A : f32 to vector<16xf32>
            %reduce_or3A_463 = vector.broadcast %reduce_or3A_461 : f32 to vector<16xf32>
            %reduce_or3A_464 = arith.select %while3A_460, %reduce_or3A_462, %reduce_or3A_463 : vector<16xi1>, vector<16xf32>
            %reduce_or3A_465 = arith.constant true
            %reduce_or3A_466 = vector.broadcast %reduce_or3A_465 : i1 to vector<16xi1>
            %reduce_or3A_467 = tpu.scan <max>, %reduce_or3A_464 masked %reduce_or3A_466 : vector<16xf32>, vector<16xi1> -> vector<16xf32>
            %reduce_or3A_468 = vector.extract %reduce_or3A_467[15] : f32 from vector<16xf32>
            %reduce_or3A_469 = arith.constant 0.000000e+00 : f32
            %reduce_or3A_470 = arith.cmpf ogt, %reduce_or3A_468, %reduce_or3A_469 : f32
            scf.condition(%reduce_or3A_470) %while3A_460 : vector<16xi1>
          } do {
          ^bb0(%while3A_460: vector<16xi1>):
            %gather3A_461 = tpu.vector_load_idx %arg7[%and3A_115] : memref<10000xi32, #tpu.memory_space<vmem>>[vector<16xi32>], vector<16xi32>,
            %bitcast3A_462 = vector.bitcast %gather3A_461 : vector<16xi32> to vector<32xbf16>
            %bitcast3A_463 = vector.bitcast %gather3A_137 : vector<16xi32> to vector<32xbf16>
            %max3A_464 = arith.maximumf %bitcast3A_462, %bitcast3A_463 : vector<32xbf16>
            %bitcast3A_465 = vector.bitcast %max3A_464 : vector<32xbf16> to vector<16xi32>
            tpu.vector_store_idx %arg7[%and3A_115], %bitcast3A_465 masked %while3A_460 : memref<10000xi32, #tpu.memory_space<vmem>>[vector<16xi32>], vector<16xi32>, vector<16xi1>
            %gather3A_466 = tpu.vector_load_idx %arg8[%and3A_115] : memref<10000xi32, #tpu.memory_space<vmem>>[vector<16xi32>], vector<16xi32>,
            %bitcast3A_467 = vector.bitcast %gather3A_466 : vector<16xi32> to vector<32xbf16>
            %bitcast3A_468 = vector.bitcast %gather3A_138 : vector<16xi32> to vector<32xbf16>
            %max3A_469 = arith.maximumf %bitcast3A_467, %bitcast3A_468 : vector<32xbf16>
            %bitcast3A_470 = vector.bitcast %max3A_469 : vector<32xbf16> to vector<16xi32>
            tpu.vector_store_idx %arg8[%and3A_115], %bitcast3A_470 masked %while3A_460 : memref<10000xi32, #tpu.memory_space<vmem>>[vector<16xi32>], vector<16xi32>, vector<16xi1>
            %broadcast_in_dim3A_471 = arith.constant false
            %broadcast_in_dim3A_472 = vector.broadcast %broadcast_in_dim3A_471 : i1 to vector<16xi1>
            %gather3A_473 = tpu.vector_load_idx %arg7[%and3A_115] : memref<10000xi32, #tpu.memory_space<vmem>>[vector<16xi32>], vector<16xi32>,
            %and3A_474 = arith.constant 65535 : i32
            %and3A_475 = vector.broadcast %and3A_474 : i32 to vector<16xi32>
            %and3A_476 = arith.andi %gather3A_473, %and3A_475 : vector<16xi32>
            %and3A_477 = arith.constant 65535 : i32
            %and3A_478 = vector.broadcast %and3A_477 : i32 to vector<16xi32>
            %and3A_479 = arith.andi %gather3A_137, %and3A_478 : vector<16xi32>
            %lt3A_480 = arith.cmpi slt, %and3A_476, %and3A_479 : vector<16xi32>
            %or3A_481 = arith.ori %broadcast_in_dim3A_472, %lt3A_480 : vector<16xi1>
            %shift_right_logical3A_482 = arith.constant 16 : i32
            %shift_right_logical3A_483 = vector.broadcast %shift_right_logical3A_482 : i32 to vector<16xi32>
            %shift_right_logical3A_484 = arith.shrui %gather3A_473, %shift_right_logical3A_483 : vector<16xi32>
            %shift_right_logical3A_485 = arith.constant 16 : i32
            %shift_right_logical3A_486 = vector.broadcast %shift_right_logical3A_485 : i32 to vector<16xi32>
            %shift_right_logical3A_487 = arith.shrui %gather3A_137, %shift_right_logical3A_486 : vector<16xi32>
            %lt3A_488 = arith.cmpi slt, %shift_right_logical3A_484, %shift_right_logical3A_487 : vector<16xi32>
            %or3A_489 = arith.ori %or3A_481, %lt3A_488 : vector<16xi1>
            %gather3A_490 = tpu.vector_load_idx %arg8[%and3A_115] : memref<10000xi32, #tpu.memory_space<vmem>>[vector<16xi32>], vector<16xi32>,
            %and3A_491 = arith.constant 65535 : i32
            %and3A_492 = vector.broadcast %and3A_491 : i32 to vector<16xi32>
            %and3A_493 = arith.andi %gather3A_490, %and3A_492 : vector<16xi32>
            %and3A_494 = arith.constant 65535 : i32
            %and3A_495 = vector.broadcast %and3A_494 : i32 to vector<16xi32>
            %and3A_496 = arith.andi %gather3A_138, %and3A_495 : vector<16xi32>
            %lt3A_497 = arith.cmpi slt, %and3A_493, %and3A_496 : vector<16xi32>
            %or3A_498 = arith.ori %or3A_489, %lt3A_497 : vector<16xi1>
            %shift_right_logical3A_499 = arith.constant 16 : i32
            %shift_right_logical3A_500 = vector.broadcast %shift_right_logical3A_499 : i32 to vector<16xi32>
            %shift_right_logical3A_501 = arith.shrui %gather3A_490, %shift_right_logical3A_500 : vector<16xi32>
            %shift_right_logical3A_502 = arith.constant 16 : i32
            %shift_right_logical3A_503 = vector.broadcast %shift_right_logical3A_502 : i32 to vector<16xi32>
            %shift_right_logical3A_504 = arith.shrui %gather3A_138, %shift_right_logical3A_503 : vector<16xi32>
            %lt3A_505 = arith.cmpi slt, %shift_right_logical3A_501, %shift_right_logical3A_504 : vector<16xi32>
            %or3A_506 = arith.ori %or3A_498, %lt3A_505 : vector<16xi1>
            scf.yield %or3A_506 : vector<16xi1>
          }
          %broadcast_in_dim3A_436 = arith.constant true
          %broadcast_in_dim3A_437 = vector.broadcast %broadcast_in_dim3A_436 : i1 to vector<16xi1>
          %while3A_438 = scf.while (%while3A_460 = %broadcast_in_dim3A_437) : (vector<16xi1>) -> vector<16xi1> {
            %reduce_or3A = arith.constant 1.000000e+00 : f32
            %reduce_or3A_461 = arith.constant 0.000000e+00 : f32
            %reduce_or3A_462 = vector.broadcast %reduce_or3A : f32 to vector<16xf32>
            %reduce_or3A_463 = vector.broadcast %reduce_or3A_461 : f32 to vector<16xf32>
            %reduce_or3A_464 = arith.select %while3A_460, %reduce_or3A_462, %reduce_or3A_463 : vector<16xi1>, vector<16xf32>
            %reduce_or3A_465 = arith.constant true
            %reduce_or3A_466 = vector.broadcast %reduce_or3A_465 : i1 to vector<16xi1>
            %reduce_or3A_467 = tpu.scan <max>, %reduce_or3A_464 masked %reduce_or3A_466 : vector<16xf32>, vector<16xi1> -> vector<16xf32>
            %reduce_or3A_468 = vector.extract %reduce_or3A_467[15] : f32 from vector<16xf32>
            %reduce_or3A_469 = arith.constant 0.000000e+00 : f32
            %reduce_or3A_470 = arith.cmpf ogt, %reduce_or3A_468, %reduce_or3A_469 : f32
            scf.condition(%reduce_or3A_470) %while3A_460 : vector<16xi1>
          } do {
          ^bb0(%while3A_460: vector<16xi1>):
            %gather3A_461 = tpu.vector_load_idx %arg7[%and3A_136] : memref<10000xi32, #tpu.memory_space<vmem>>[vector<16xi32>], vector<16xi32>,
            %bitcast3A_462 = vector.bitcast %gather3A_461 : vector<16xi32> to vector<32xbf16>
            %bitcast3A_463 = vector.bitcast %gather3A_169 : vector<16xi32> to vector<32xbf16>
            %max3A_464 = arith.maximumf %bitcast3A_462, %bitcast3A_463 : vector<32xbf16>
            %bitcast3A_465 = vector.bitcast %max3A_464 : vector<32xbf16> to vector<16xi32>
            tpu.vector_store_idx %arg7[%and3A_136], %bitcast3A_465 masked %while3A_460 : memref<10000xi32, #tpu.memory_space<vmem>>[vector<16xi32>], vector<16xi32>, vector<16xi1>
            %gather3A_466 = tpu.vector_load_idx %arg8[%and3A_136] : memref<10000xi32, #tpu.memory_space<vmem>>[vector<16xi32>], vector<16xi32>,
            %bitcast3A_467 = vector.bitcast %gather3A_466 : vector<16xi32> to vector<32xbf16>
            %bitcast3A_468 = vector.bitcast %gather3A_170 : vector<16xi32> to vector<32xbf16>
            %max3A_469 = arith.maximumf %bitcast3A_467, %bitcast3A_468 : vector<32xbf16>
            %bitcast3A_470 = vector.bitcast %max3A_469 : vector<32xbf16> to vector<16xi32>
            tpu.vector_store_idx %arg8[%and3A_136], %bitcast3A_470 masked %while3A_460 : memref<10000xi32, #tpu.memory_space<vmem>>[vector<16xi32>], vector<16xi32>, vector<16xi1>
            %broadcast_in_dim3A_471 = arith.constant false
            %broadcast_in_dim3A_472 = vector.broadcast %broadcast_in_dim3A_471 : i1 to vector<16xi1>
            %gather3A_473 = tpu.vector_load_idx %arg7[%and3A_136] : memref<10000xi32, #tpu.memory_space<vmem>>[vector<16xi32>], vector<16xi32>,
            %and3A_474 = arith.constant 65535 : i32
            %and3A_475 = vector.broadcast %and3A_474 : i32 to vector<16xi32>
            %and3A_476 = arith.andi %gather3A_473, %and3A_475 : vector<16xi32>
            %and3A_477 = arith.constant 65535 : i32
            %and3A_478 = vector.broadcast %and3A_477 : i32 to vector<16xi32>
            %and3A_479 = arith.andi %gather3A_169, %and3A_478 : vector<16xi32>
            %lt3A_480 = arith.cmpi slt, %and3A_476, %and3A_479 : vector<16xi32>
            %or3A_481 = arith.ori %broadcast_in_dim3A_472, %lt3A_480 : vector<16xi1>
            %shift_right_logical3A_482 = arith.constant 16 : i32
            %shift_right_logical3A_483 = vector.broadcast %shift_right_logical3A_482 : i32 to vector<16xi32>
            %shift_right_logical3A_484 = arith.shrui %gather3A_473, %shift_right_logical3A_483 : vector<16xi32>
            %shift_right_logical3A_485 = arith.constant 16 : i32
            %shift_right_logical3A_486 = vector.broadcast %shift_right_logical3A_485 : i32 to vector<16xi32>
            %shift_right_logical3A_487 = arith.shrui %gather3A_169, %shift_right_logical3A_486 : vector<16xi32>
            %lt3A_488 = arith.cmpi slt, %shift_right_logical3A_484, %shift_right_logical3A_487 : vector<16xi32>
            %or3A_489 = arith.ori %or3A_481, %lt3A_488 : vector<16xi1>
            %gather3A_490 = tpu.vector_load_idx %arg8[%and3A_136] : memref<10000xi32, #tpu.memory_space<vmem>>[vector<16xi32>], vector<16xi32>,
            %and3A_491 = arith.constant 65535 : i32
            %and3A_492 = vector.broadcast %and3A_491 : i32 to vector<16xi32>
            %and3A_493 = arith.andi %gather3A_490, %and3A_492 : vector<16xi32>
            %and3A_494 = arith.constant 65535 : i32
            %and3A_495 = vector.broadcast %and3A_494 : i32 to vector<16xi32>
            %and3A_496 = arith.andi %gather3A_170, %and3A_495 : vector<16xi32>
            %lt3A_497 = arith.cmpi slt, %and3A_493, %and3A_496 : vector<16xi32>
            %or3A_498 = arith.ori %or3A_489, %lt3A_497 : vector<16xi1>
            %shift_right_logical3A_499 = arith.constant 16 : i32
            %shift_right_logical3A_500 = vector.broadcast %shift_right_logical3A_499 : i32 to vector<16xi32>
            %shift_right_logical3A_501 = arith.shrui %gather3A_490, %shift_right_logical3A_500 : vector<16xi32>
            %shift_right_logical3A_502 = arith.constant 16 : i32
            %shift_right_logical3A_503 = vector.broadcast %shift_right_logical3A_502 : i32 to vector<16xi32>
            %shift_right_logical3A_504 = arith.shrui %gather3A_170, %shift_right_logical3A_503 : vector<16xi32>
            %lt3A_505 = arith.cmpi slt, %shift_right_logical3A_501, %shift_right_logical3A_504 : vector<16xi32>
            %or3A_506 = arith.ori %or3A_498, %lt3A_505 : vector<16xi1>
            scf.yield %or3A_506 : vector<16xi1>
          }
          %broadcast_in_dim3A_439 = arith.constant true
          %broadcast_in_dim3A_440 = vector.broadcast %broadcast_in_dim3A_439 : i1 to vector<16xi1>
          %while3A_441 = scf.while (%while3A_460 = %broadcast_in_dim3A_440) : (vector<16xi1>) -> vector<16xi1> {
            %reduce_or3A = arith.constant 1.000000e+00 : f32
            %reduce_or3A_461 = arith.constant 0.000000e+00 : f32
            %reduce_or3A_462 = vector.broadcast %reduce_or3A : f32 to vector<16xf32>
            %reduce_or3A_463 = vector.broadcast %reduce_or3A_461 : f32 to vector<16xf32>
            %reduce_or3A_464 = arith.select %while3A_460, %reduce_or3A_462, %reduce_or3A_463 : vector<16xi1>, vector<16xf32>
            %reduce_or3A_465 = arith.constant true
            %reduce_or3A_466 = vector.broadcast %reduce_or3A_465 : i1 to vector<16xi1>
            %reduce_or3A_467 = tpu.scan <max>, %reduce_or3A_464 masked %reduce_or3A_466 : vector<16xf32>, vector<16xi1> -> vector<16xf32>
            %reduce_or3A_468 = vector.extract %reduce_or3A_467[15] : f32 from vector<16xf32>
            %reduce_or3A_469 = arith.constant 0.000000e+00 : f32
            %reduce_or3A_470 = arith.cmpf ogt, %reduce_or3A_468, %reduce_or3A_469 : f32
            scf.condition(%reduce_or3A_470) %while3A_460 : vector<16xi1>
          } do {
          ^bb0(%while3A_460: vector<16xi1>):
            %gather3A_461 = tpu.vector_load_idx %arg7[%and3A_168] : memref<10000xi32, #tpu.memory_space<vmem>>[vector<16xi32>], vector<16xi32>,
            %bitcast3A_462 = vector.bitcast %gather3A_461 : vector<16xi32> to vector<32xbf16>
            %bitcast3A_463 = vector.bitcast %gather3A_203 : vector<16xi32> to vector<32xbf16>
            %max3A_464 = arith.maximumf %bitcast3A_462, %bitcast3A_463 : vector<32xbf16>
            %bitcast3A_465 = vector.bitcast %max3A_464 : vector<32xbf16> to vector<16xi32>
            tpu.vector_store_idx %arg7[%and3A_168], %bitcast3A_465 masked %while3A_460 : memref<10000xi32, #tpu.memory_space<vmem>>[vector<16xi32>], vector<16xi32>, vector<16xi1>
            %gather3A_466 = tpu.vector_load_idx %arg8[%and3A_168] : memref<10000xi32, #tpu.memory_space<vmem>>[vector<16xi32>], vector<16xi32>,
            %bitcast3A_467 = vector.bitcast %gather3A_466 : vector<16xi32> to vector<32xbf16>
            %bitcast3A_468 = vector.bitcast %gather3A_204 : vector<16xi32> to vector<32xbf16>
            %max3A_469 = arith.maximumf %bitcast3A_467, %bitcast3A_468 : vector<32xbf16>
            %bitcast3A_470 = vector.bitcast %max3A_469 : vector<32xbf16> to vector<16xi32>
            tpu.vector_store_idx %arg8[%and3A_168], %bitcast3A_470 masked %while3A_460 : memref<10000xi32, #tpu.memory_space<vmem>>[vector<16xi32>], vector<16xi32>, vector<16xi1>
            %broadcast_in_dim3A_471 = arith.constant false
            %broadcast_in_dim3A_472 = vector.broadcast %broadcast_in_dim3A_471 : i1 to vector<16xi1>
            %gather3A_473 = tpu.vector_load_idx %arg7[%and3A_168] : memref<10000xi32, #tpu.memory_space<vmem>>[vector<16xi32>], vector<16xi32>,
            %and3A_474 = arith.constant 65535 : i32
            %and3A_475 = vector.broadcast %and3A_474 : i32 to vector<16xi32>
            %and3A_476 = arith.andi %gather3A_473, %and3A_475 : vector<16xi32>
            %and3A_477 = arith.constant 65535 : i32
            %and3A_478 = vector.broadcast %and3A_477 : i32 to vector<16xi32>
            %and3A_479 = arith.andi %gather3A_203, %and3A_478 : vector<16xi32>
            %lt3A_480 = arith.cmpi slt, %and3A_476, %and3A_479 : vector<16xi32>
            %or3A_481 = arith.ori %broadcast_in_dim3A_472, %lt3A_480 : vector<16xi1>
            %shift_right_logical3A_482 = arith.constant 16 : i32
            %shift_right_logical3A_483 = vector.broadcast %shift_right_logical3A_482 : i32 to vector<16xi32>
            %shift_right_logical3A_484 = arith.shrui %gather3A_473, %shift_right_logical3A_483 : vector<16xi32>
            %shift_right_logical3A_485 = arith.constant 16 : i32
            %shift_right_logical3A_486 = vector.broadcast %shift_right_logical3A_485 : i32 to vector<16xi32>
            %shift_right_logical3A_487 = arith.shrui %gather3A_203, %shift_right_logical3A_486 : vector<16xi32>
            %lt3A_488 = arith.cmpi slt, %shift_right_logical3A_484, %shift_right_logical3A_487 : vector<16xi32>
            %or3A_489 = arith.ori %or3A_481, %lt3A_488 : vector<16xi1>
            %gather3A_490 = tpu.vector_load_idx %arg8[%and3A_168] : memref<10000xi32, #tpu.memory_space<vmem>>[vector<16xi32>], vector<16xi32>,
            %and3A_491 = arith.constant 65535 : i32
            %and3A_492 = vector.broadcast %and3A_491 : i32 to vector<16xi32>
            %and3A_493 = arith.andi %gather3A_490, %and3A_492 : vector<16xi32>
            %and3A_494 = arith.constant 65535 : i32
            %and3A_495 = vector.broadcast %and3A_494 : i32 to vector<16xi32>
            %and3A_496 = arith.andi %gather3A_204, %and3A_495 : vector<16xi32>
            %lt3A_497 = arith.cmpi slt, %and3A_493, %and3A_496 : vector<16xi32>
            %or3A_498 = arith.ori %or3A_489, %lt3A_497 : vector<16xi1>
            %shift_right_logical3A_499 = arith.constant 16 : i32
            %shift_right_logical3A_500 = vector.broadcast %shift_right_logical3A_499 : i32 to vector<16xi32>
            %shift_right_logical3A_501 = arith.shrui %gather3A_490, %shift_right_logical3A_500 : vector<16xi32>
            %shift_right_logical3A_502 = arith.constant 16 : i32
            %shift_right_logical3A_503 = vector.broadcast %shift_right_logical3A_502 : i32 to vector<16xi32>
            %shift_right_logical3A_504 = arith.shrui %gather3A_204, %shift_right_logical3A_503 : vector<16xi32>
            %lt3A_505 = arith.cmpi slt, %shift_right_logical3A_501, %shift_right_logical3A_504 : vector<16xi32>
            %or3A_506 = arith.ori %or3A_498, %lt3A_505 : vector<16xi1>
            scf.yield %or3A_506 : vector<16xi1>
          }
          %broadcast_in_dim3A_442 = arith.constant true
          %broadcast_in_dim3A_443 = vector.broadcast %broadcast_in_dim3A_442 : i1 to vector<16xi1>
          %while3A_444 = scf.while (%while3A_460 = %broadcast_in_dim3A_443) : (vector<16xi1>) -> vector<16xi1> {
            %reduce_or3A = arith.constant 1.000000e+00 : f32
            %reduce_or3A_461 = arith.constant 0.000000e+00 : f32
            %reduce_or3A_462 = vector.broadcast %reduce_or3A : f32 to vector<16xf32>
            %reduce_or3A_463 = vector.broadcast %reduce_or3A_461 : f32 to vector<16xf32>
            %reduce_or3A_464 = arith.select %while3A_460, %reduce_or3A_462, %reduce_or3A_463 : vector<16xi1>, vector<16xf32>
            %reduce_or3A_465 = arith.constant true
            %reduce_or3A_466 = vector.broadcast %reduce_or3A_465 : i1 to vector<16xi1>
            %reduce_or3A_467 = tpu.scan <max>, %reduce_or3A_464 masked %reduce_or3A_466 : vector<16xf32>, vector<16xi1> -> vector<16xf32>
            %reduce_or3A_468 = vector.extract %reduce_or3A_467[15] : f32 from vector<16xf32>
            %reduce_or3A_469 = arith.constant 0.000000e+00 : f32
            %reduce_or3A_470 = arith.cmpf ogt, %reduce_or3A_468, %reduce_or3A_469 : f32
            scf.condition(%reduce_or3A_470) %while3A_460 : vector<16xi1>
          } do {
          ^bb0(%while3A_460: vector<16xi1>):
            %gather3A_461 = tpu.vector_load_idx %arg7[%and3A_202] : memref<10000xi32, #tpu.memory_space<vmem>>[vector<16xi32>], vector<16xi32>,
            %bitcast3A_462 = vector.bitcast %gather3A_461 : vector<16xi32> to vector<32xbf16>
            %bitcast3A_463 = vector.bitcast %gather3A_237 : vector<16xi32> to vector<32xbf16>
            %max3A_464 = arith.maximumf %bitcast3A_462, %bitcast3A_463 : vector<32xbf16>
            %bitcast3A_465 = vector.bitcast %max3A_464 : vector<32xbf16> to vector<16xi32>
            tpu.vector_store_idx %arg7[%and3A_202], %bitcast3A_465 masked %while3A_460 : memref<10000xi32, #tpu.memory_space<vmem>>[vector<16xi32>], vector<16xi32>, vector<16xi1>
            %gather3A_466 = tpu.vector_load_idx %arg8[%and3A_202] : memref<10000xi32, #tpu.memory_space<vmem>>[vector<16xi32>], vector<16xi32>,
            %bitcast3A_467 = vector.bitcast %gather3A_466 : vector<16xi32> to vector<32xbf16>
            %bitcast3A_468 = vector.bitcast %gather3A_238 : vector<16xi32> to vector<32xbf16>
            %max3A_469 = arith.maximumf %bitcast3A_467, %bitcast3A_468 : vector<32xbf16>
            %bitcast3A_470 = vector.bitcast %max3A_469 : vector<32xbf16> to vector<16xi32>
            tpu.vector_store_idx %arg8[%and3A_202], %bitcast3A_470 masked %while3A_460 : memref<10000xi32, #tpu.memory_space<vmem>>[vector<16xi32>], vector<16xi32>, vector<16xi1>
            %broadcast_in_dim3A_471 = arith.constant false
            %broadcast_in_dim3A_472 = vector.broadcast %broadcast_in_dim3A_471 : i1 to vector<16xi1>
            %gather3A_473 = tpu.vector_load_idx %arg7[%and3A_202] : memref<10000xi32, #tpu.memory_space<vmem>>[vector<16xi32>], vector<16xi32>,
            %and3A_474 = arith.constant 65535 : i32
            %and3A_475 = vector.broadcast %and3A_474 : i32 to vector<16xi32>
            %and3A_476 = arith.andi %gather3A_473, %and3A_475 : vector<16xi32>
            %and3A_477 = arith.constant 65535 : i32
            %and3A_478 = vector.broadcast %and3A_477 : i32 to vector<16xi32>
            %and3A_479 = arith.andi %gather3A_237, %and3A_478 : vector<16xi32>
            %lt3A_480 = arith.cmpi slt, %and3A_476, %and3A_479 : vector<16xi32>
            %or3A_481 = arith.ori %broadcast_in_dim3A_472, %lt3A_480 : vector<16xi1>
            %shift_right_logical3A_482 = arith.constant 16 : i32
            %shift_right_logical3A_483 = vector.broadcast %shift_right_logical3A_482 : i32 to vector<16xi32>
            %shift_right_logical3A_484 = arith.shrui %gather3A_473, %shift_right_logical3A_483 : vector<16xi32>
            %shift_right_logical3A_485 = arith.constant 16 : i32
            %shift_right_logical3A_486 = vector.broadcast %shift_right_logical3A_485 : i32 to vector<16xi32>
            %shift_right_logical3A_487 = arith.shrui %gather3A_237, %shift_right_logical3A_486 : vector<16xi32>
            %lt3A_488 = arith.cmpi slt, %shift_right_logical3A_484, %shift_right_logical3A_487 : vector<16xi32>
            %or3A_489 = arith.ori %or3A_481, %lt3A_488 : vector<16xi1>
            %gather3A_490 = tpu.vector_load_idx %arg8[%and3A_202] : memref<10000xi32, #tpu.memory_space<vmem>>[vector<16xi32>], vector<16xi32>,
            %and3A_491 = arith.constant 65535 : i32
            %and3A_492 = vector.broadcast %and3A_491 : i32 to vector<16xi32>
            %and3A_493 = arith.andi %gather3A_490, %and3A_492 : vector<16xi32>
            %and3A_494 = arith.constant 65535 : i32
            %and3A_495 = vector.broadcast %and3A_494 : i32 to vector<16xi32>
            %and3A_496 = arith.andi %gather3A_238, %and3A_495 : vector<16xi32>
            %lt3A_497 = arith.cmpi slt, %and3A_493, %and3A_496 : vector<16xi32>
            %or3A_498 = arith.ori %or3A_489, %lt3A_497 : vector<16xi1>
            %shift_right_logical3A_499 = arith.constant 16 : i32
            %shift_right_logical3A_500 = vector.broadcast %shift_right_logical3A_499 : i32 to vector<16xi32>
            %shift_right_logical3A_501 = arith.shrui %gather3A_490, %shift_right_logical3A_500 : vector<16xi32>
            %shift_right_logical3A_502 = arith.constant 16 : i32
            %shift_right_logical3A_503 = vector.broadcast %shift_right_logical3A_502 : i32 to vector<16xi32>
            %shift_right_logical3A_504 = arith.shrui %gather3A_238, %shift_right_logical3A_503 : vector<16xi32>
            %lt3A_505 = arith.cmpi slt, %shift_right_logical3A_501, %shift_right_logical3A_504 : vector<16xi32>
            %or3A_506 = arith.ori %or3A_498, %lt3A_505 : vector<16xi1>
            scf.yield %or3A_506 : vector<16xi1>
          }
          %broadcast_in_dim3A_445 = arith.constant true
          %broadcast_in_dim3A_446 = vector.broadcast %broadcast_in_dim3A_445 : i1 to vector<16xi1>
          %while3A_447 = scf.while (%while3A_460 = %broadcast_in_dim3A_446) : (vector<16xi1>) -> vector<16xi1> {
            %reduce_or3A = arith.constant 1.000000e+00 : f32
            %reduce_or3A_461 = arith.constant 0.000000e+00 : f32
            %reduce_or3A_462 = vector.broadcast %reduce_or3A : f32 to vector<16xf32>
            %reduce_or3A_463 = vector.broadcast %reduce_or3A_461 : f32 to vector<16xf32>
            %reduce_or3A_464 = arith.select %while3A_460, %reduce_or3A_462, %reduce_or3A_463 : vector<16xi1>, vector<16xf32>
            %reduce_or3A_465 = arith.constant true
            %reduce_or3A_466 = vector.broadcast %reduce_or3A_465 : i1 to vector<16xi1>
            %reduce_or3A_467 = tpu.scan <max>, %reduce_or3A_464 masked %reduce_or3A_466 : vector<16xf32>, vector<16xi1> -> vector<16xf32>
            %reduce_or3A_468 = vector.extract %reduce_or3A_467[15] : f32 from vector<16xf32>
            %reduce_or3A_469 = arith.constant 0.000000e+00 : f32
            %reduce_or3A_470 = arith.cmpf ogt, %reduce_or3A_468, %reduce_or3A_469 : f32
            scf.condition(%reduce_or3A_470) %while3A_460 : vector<16xi1>
          } do {
          ^bb0(%while3A_460: vector<16xi1>):
            %gather3A_461 = tpu.vector_load_idx %arg7[%and3A_236] : memref<10000xi32, #tpu.memory_space<vmem>>[vector<16xi32>], vector<16xi32>,
            %bitcast3A_462 = vector.bitcast %gather3A_461 : vector<16xi32> to vector<32xbf16>
            %bitcast3A_463 = vector.bitcast %gather3A_271 : vector<16xi32> to vector<32xbf16>
            %max3A_464 = arith.maximumf %bitcast3A_462, %bitcast3A_463 : vector<32xbf16>
            %bitcast3A_465 = vector.bitcast %max3A_464 : vector<32xbf16> to vector<16xi32>
            tpu.vector_store_idx %arg7[%and3A_236], %bitcast3A_465 masked %while3A_460 : memref<10000xi32, #tpu.memory_space<vmem>>[vector<16xi32>], vector<16xi32>, vector<16xi1>
            %gather3A_466 = tpu.vector_load_idx %arg8[%and3A_236] : memref<10000xi32, #tpu.memory_space<vmem>>[vector<16xi32>], vector<16xi32>,
            %bitcast3A_467 = vector.bitcast %gather3A_466 : vector<16xi32> to vector<32xbf16>
            %bitcast3A_468 = vector.bitcast %gather3A_272 : vector<16xi32> to vector<32xbf16>
            %max3A_469 = arith.maximumf %bitcast3A_467, %bitcast3A_468 : vector<32xbf16>
            %bitcast3A_470 = vector.bitcast %max3A_469 : vector<32xbf16> to vector<16xi32>
            tpu.vector_store_idx %arg8[%and3A_236], %bitcast3A_470 masked %while3A_460 : memref<10000xi32, #tpu.memory_space<vmem>>[vector<16xi32>], vector<16xi32>, vector<16xi1>
            %broadcast_in_dim3A_471 = arith.constant false
            %broadcast_in_dim3A_472 = vector.broadcast %broadcast_in_dim3A_471 : i1 to vector<16xi1>
            %gather3A_473 = tpu.vector_load_idx %arg7[%and3A_236] : memref<10000xi32, #tpu.memory_space<vmem>>[vector<16xi32>], vector<16xi32>,
            %and3A_474 = arith.constant 65535 : i32
            %and3A_475 = vector.broadcast %and3A_474 : i32 to vector<16xi32>
            %and3A_476 = arith.andi %gather3A_473, %and3A_475 : vector<16xi32>
            %and3A_477 = arith.constant 65535 : i32
            %and3A_478 = vector.broadcast %and3A_477 : i32 to vector<16xi32>
            %and3A_479 = arith.andi %gather3A_271, %and3A_478 : vector<16xi32>
            %lt3A_480 = arith.cmpi slt, %and3A_476, %and3A_479 : vector<16xi32>
            %or3A_481 = arith.ori %broadcast_in_dim3A_472, %lt3A_480 : vector<16xi1>
            %shift_right_logical3A_482 = arith.constant 16 : i32
            %shift_right_logical3A_483 = vector.broadcast %shift_right_logical3A_482 : i32 to vector<16xi32>
            %shift_right_logical3A_484 = arith.shrui %gather3A_473, %shift_right_logical3A_483 : vector<16xi32>
            %shift_right_logical3A_485 = arith.constant 16 : i32
            %shift_right_logical3A_486 = vector.broadcast %shift_right_logical3A_485 : i32 to vector<16xi32>
            %shift_right_logical3A_487 = arith.shrui %gather3A_271, %shift_right_logical3A_486 : vector<16xi32>
            %lt3A_488 = arith.cmpi slt, %shift_right_logical3A_484, %shift_right_logical3A_487 : vector<16xi32>
            %or3A_489 = arith.ori %or3A_481, %lt3A_488 : vector<16xi1>
            %gather3A_490 = tpu.vector_load_idx %arg8[%and3A_236] : memref<10000xi32, #tpu.memory_space<vmem>>[vector<16xi32>], vector<16xi32>,
            %and3A_491 = arith.constant 65535 : i32
            %and3A_492 = vector.broadcast %and3A_491 : i32 to vector<16xi32>
            %and3A_493 = arith.andi %gather3A_490, %and3A_492 : vector<16xi32>
            %and3A_494 = arith.constant 65535 : i32
            %and3A_495 = vector.broadcast %and3A_494 : i32 to vector<16xi32>
            %and3A_496 = arith.andi %gather3A_272, %and3A_495 : vector<16xi32>
            %lt3A_497 = arith.cmpi slt, %and3A_493, %and3A_496 : vector<16xi32>
            %or3A_498 = arith.ori %or3A_489, %lt3A_497 : vector<16xi1>
            %shift_right_logical3A_499 = arith.constant 16 : i32
            %shift_right_logical3A_500 = vector.broadcast %shift_right_logical3A_499 : i32 to vector<16xi32>
            %shift_right_logical3A_501 = arith.shrui %gather3A_490, %shift_right_logical3A_500 : vector<16xi32>
            %shift_right_logical3A_502 = arith.constant 16 : i32
            %shift_right_logical3A_503 = vector.broadcast %shift_right_logical3A_502 : i32 to vector<16xi32>
            %shift_right_logical3A_504 = arith.shrui %gather3A_272, %shift_right_logical3A_503 : vector<16xi32>
            %lt3A_505 = arith.cmpi slt, %shift_right_logical3A_501, %shift_right_logical3A_504 : vector<16xi32>
            %or3A_506 = arith.ori %or3A_498, %lt3A_505 : vector<16xi1>
            scf.yield %or3A_506 : vector<16xi1>
          }
          %broadcast_in_dim3A_448 = arith.constant true
          %broadcast_in_dim3A_449 = vector.broadcast %broadcast_in_dim3A_448 : i1 to vector<16xi1>
          %while3A_450 = scf.while (%while3A_460 = %broadcast_in_dim3A_449) : (vector<16xi1>) -> vector<16xi1> {
            %reduce_or3A = arith.constant 1.000000e+00 : f32
            %reduce_or3A_461 = arith.constant 0.000000e+00 : f32
            %reduce_or3A_462 = vector.broadcast %reduce_or3A : f32 to vector<16xf32>
            %reduce_or3A_463 = vector.broadcast %reduce_or3A_461 : f32 to vector<16xf32>
            %reduce_or3A_464 = arith.select %while3A_460, %reduce_or3A_462, %reduce_or3A_463 : vector<16xi1>, vector<16xf32>
            %reduce_or3A_465 = arith.constant true
            %reduce_or3A_466 = vector.broadcast %reduce_or3A_465 : i1 to vector<16xi1>
            %reduce_or3A_467 = tpu.scan <max>, %reduce_or3A_464 masked %reduce_or3A_466 : vector<16xf32>, vector<16xi1> -> vector<16xf32>
            %reduce_or3A_468 = vector.extract %reduce_or3A_467[15] : f32 from vector<16xf32>
            %reduce_or3A_469 = arith.constant 0.000000e+00 : f32
            %reduce_or3A_470 = arith.cmpf ogt, %reduce_or3A_468, %reduce_or3A_469 : f32
            scf.condition(%reduce_or3A_470) %while3A_460 : vector<16xi1>
          } do {
          ^bb0(%while3A_460: vector<16xi1>):
            %gather3A_461 = tpu.vector_load_idx %arg7[%and3A_270] : memref<10000xi32, #tpu.memory_space<vmem>>[vector<16xi32>], vector<16xi32>,
            %bitcast3A_462 = vector.bitcast %gather3A_461 : vector<16xi32> to vector<32xbf16>
            %bitcast3A_463 = vector.bitcast %gather3A_305 : vector<16xi32> to vector<32xbf16>
            %max3A_464 = arith.maximumf %bitcast3A_462, %bitcast3A_463 : vector<32xbf16>
            %bitcast3A_465 = vector.bitcast %max3A_464 : vector<32xbf16> to vector<16xi32>
            tpu.vector_store_idx %arg7[%and3A_270], %bitcast3A_465 masked %while3A_460 : memref<10000xi32, #tpu.memory_space<vmem>>[vector<16xi32>], vector<16xi32>, vector<16xi1>
            %gather3A_466 = tpu.vector_load_idx %arg8[%and3A_270] : memref<10000xi32, #tpu.memory_space<vmem>>[vector<16xi32>], vector<16xi32>,
            %bitcast3A_467 = vector.bitcast %gather3A_466 : vector<16xi32> to vector<32xbf16>
            %bitcast3A_468 = vector.bitcast %gather3A_306 : vector<16xi32> to vector<32xbf16>
            %max3A_469 = arith.maximumf %bitcast3A_467, %bitcast3A_468 : vector<32xbf16>
            %bitcast3A_470 = vector.bitcast %max3A_469 : vector<32xbf16> to vector<16xi32>
            tpu.vector_store_idx %arg8[%and3A_270], %bitcast3A_470 masked %while3A_460 : memref<10000xi32, #tpu.memory_space<vmem>>[vector<16xi32>], vector<16xi32>, vector<16xi1>
            %broadcast_in_dim3A_471 = arith.constant false
            %broadcast_in_dim3A_472 = vector.broadcast %broadcast_in_dim3A_471 : i1 to vector<16xi1>
            %gather3A_473 = tpu.vector_load_idx %arg7[%and3A_270] : memref<10000xi32, #tpu.memory_space<vmem>>[vector<16xi32>], vector<16xi32>,
            %and3A_474 = arith.constant 65535 : i32
            %and3A_475 = vector.broadcast %and3A_474 : i32 to vector<16xi32>
            %and3A_476 = arith.andi %gather3A_473, %and3A_475 : vector<16xi32>
            %and3A_477 = arith.constant 65535 : i32
            %and3A_478 = vector.broadcast %and3A_477 : i32 to vector<16xi32>
            %and3A_479 = arith.andi %gather3A_305, %and3A_478 : vector<16xi32>
            %lt3A_480 = arith.cmpi slt, %and3A_476, %and3A_479 : vector<16xi32>
            %or3A_481 = arith.ori %broadcast_in_dim3A_472, %lt3A_480 : vector<16xi1>
            %shift_right_logical3A_482 = arith.constant 16 : i32
            %shift_right_logical3A_483 = vector.broadcast %shift_right_logical3A_482 : i32 to vector<16xi32>
            %shift_right_logical3A_484 = arith.shrui %gather3A_473, %shift_right_logical3A_483 : vector<16xi32>
            %shift_right_logical3A_485 = arith.constant 16 : i32
            %shift_right_logical3A_486 = vector.broadcast %shift_right_logical3A_485 : i32 to vector<16xi32>
            %shift_right_logical3A_487 = arith.shrui %gather3A_305, %shift_right_logical3A_486 : vector<16xi32>
            %lt3A_488 = arith.cmpi slt, %shift_right_logical3A_484, %shift_right_logical3A_487 : vector<16xi32>
            %or3A_489 = arith.ori %or3A_481, %lt3A_488 : vector<16xi1>
            %gather3A_490 = tpu.vector_load_idx %arg8[%and3A_270] : memref<10000xi32, #tpu.memory_space<vmem>>[vector<16xi32>], vector<16xi32>,
            %and3A_491 = arith.constant 65535 : i32
            %and3A_492 = vector.broadcast %and3A_491 : i32 to vector<16xi32>
            %and3A_493 = arith.andi %gather3A_490, %and3A_492 : vector<16xi32>
            %and3A_494 = arith.constant 65535 : i32
            %and3A_495 = vector.broadcast %and3A_494 : i32 to vector<16xi32>
            %and3A_496 = arith.andi %gather3A_306, %and3A_495 : vector<16xi32>
            %lt3A_497 = arith.cmpi slt, %and3A_493, %and3A_496 : vector<16xi32>
            %or3A_498 = arith.ori %or3A_489, %lt3A_497 : vector<16xi1>
            %shift_right_logical3A_499 = arith.constant 16 : i32
            %shift_right_logical3A_500 = vector.broadcast %shift_right_logical3A_499 : i32 to vector<16xi32>
            %shift_right_logical3A_501 = arith.shrui %gather3A_490, %shift_right_logical3A_500 : vector<16xi32>
            %shift_right_logical3A_502 = arith.constant 16 : i32
            %shift_right_logical3A_503 = vector.broadcast %shift_right_logical3A_502 : i32 to vector<16xi32>
            %shift_right_logical3A_504 = arith.shrui %gather3A_306, %shift_right_logical3A_503 : vector<16xi32>
            %lt3A_505 = arith.cmpi slt, %shift_right_logical3A_501, %shift_right_logical3A_504 : vector<16xi32>
            %or3A_506 = arith.ori %or3A_498, %lt3A_505 : vector<16xi1>
            scf.yield %or3A_506 : vector<16xi1>
          }
          %broadcast_in_dim3A_451 = arith.constant true
          %broadcast_in_dim3A_452 = vector.broadcast %broadcast_in_dim3A_451 : i1 to vector<16xi1>
          %while3A_453 = scf.while (%while3A_460 = %broadcast_in_dim3A_452) : (vector<16xi1>) -> vector<16xi1> {
            %reduce_or3A = arith.constant 1.000000e+00 : f32
            %reduce_or3A_461 = arith.constant 0.000000e+00 : f32
            %reduce_or3A_462 = vector.broadcast %reduce_or3A : f32 to vector<16xf32>
            %reduce_or3A_463 = vector.broadcast %reduce_or3A_461 : f32 to vector<16xf32>
            %reduce_or3A_464 = arith.select %while3A_460, %reduce_or3A_462, %reduce_or3A_463 : vector<16xi1>, vector<16xf32>
            %reduce_or3A_465 = arith.constant true
            %reduce_or3A_466 = vector.broadcast %reduce_or3A_465 : i1 to vector<16xi1>
            %reduce_or3A_467 = tpu.scan <max>, %reduce_or3A_464 masked %reduce_or3A_466 : vector<16xf32>, vector<16xi1> -> vector<16xf32>
            %reduce_or3A_468 = vector.extract %reduce_or3A_467[15] : f32 from vector<16xf32>
            %reduce_or3A_469 = arith.constant 0.000000e+00 : f32
            %reduce_or3A_470 = arith.cmpf ogt, %reduce_or3A_468, %reduce_or3A_469 : f32
            scf.condition(%reduce_or3A_470) %while3A_460 : vector<16xi1>
          } do {
          ^bb0(%while3A_460: vector<16xi1>):
            %gather3A_461 = tpu.vector_load_idx %arg7[%and3A_304] : memref<10000xi32, #tpu.memory_space<vmem>>[vector<16xi32>], vector<16xi32>,
            %bitcast3A_462 = vector.bitcast %gather3A_461 : vector<16xi32> to vector<32xbf16>
            %bitcast3A_463 = vector.bitcast %gather3A_339 : vector<16xi32> to vector<32xbf16>
            %max3A_464 = arith.maximumf %bitcast3A_462, %bitcast3A_463 : vector<32xbf16>
            %bitcast3A_465 = vector.bitcast %max3A_464 : vector<32xbf16> to vector<16xi32>
            tpu.vector_store_idx %arg7[%and3A_304], %bitcast3A_465 masked %while3A_460 : memref<10000xi32, #tpu.memory_space<vmem>>[vector<16xi32>], vector<16xi32>, vector<16xi1>
            %gather3A_466 = tpu.vector_load_idx %arg8[%and3A_304] : memref<10000xi32, #tpu.memory_space<vmem>>[vector<16xi32>], vector<16xi32>,
            %bitcast3A_467 = vector.bitcast %gather3A_466 : vector<16xi32> to vector<32xbf16>
            %bitcast3A_468 = vector.bitcast %gather3A_340 : vector<16xi32> to vector<32xbf16>
            %max3A_469 = arith.maximumf %bitcast3A_467, %bitcast3A_468 : vector<32xbf16>
            %bitcast3A_470 = vector.bitcast %max3A_469 : vector<32xbf16> to vector<16xi32>
            tpu.vector_store_idx %arg8[%and3A_304], %bitcast3A_470 masked %while3A_460 : memref<10000xi32, #tpu.memory_space<vmem>>[vector<16xi32>], vector<16xi32>, vector<16xi1>
            %broadcast_in_dim3A_471 = arith.constant false
            %broadcast_in_dim3A_472 = vector.broadcast %broadcast_in_dim3A_471 : i1 to vector<16xi1>
            %gather3A_473 = tpu.vector_load_idx %arg7[%and3A_304] : memref<10000xi32, #tpu.memory_space<vmem>>[vector<16xi32>], vector<16xi32>,
            %and3A_474 = arith.constant 65535 : i32
            %and3A_475 = vector.broadcast %and3A_474 : i32 to vector<16xi32>
            %and3A_476 = arith.andi %gather3A_473, %and3A_475 : vector<16xi32>
            %and3A_477 = arith.constant 65535 : i32
            %and3A_478 = vector.broadcast %and3A_477 : i32 to vector<16xi32>
            %and3A_479 = arith.andi %gather3A_339, %and3A_478 : vector<16xi32>
            %lt3A_480 = arith.cmpi slt, %and3A_476, %and3A_479 : vector<16xi32>
            %or3A_481 = arith.ori %broadcast_in_dim3A_472, %lt3A_480 : vector<16xi1>
            %shift_right_logical3A_482 = arith.constant 16 : i32
            %shift_right_logical3A_483 = vector.broadcast %shift_right_logical3A_482 : i32 to vector<16xi32>
            %shift_right_logical3A_484 = arith.shrui %gather3A_473, %shift_right_logical3A_483 : vector<16xi32>
            %shift_right_logical3A_485 = arith.constant 16 : i32
            %shift_right_logical3A_486 = vector.broadcast %shift_right_logical3A_485 : i32 to vector<16xi32>
            %shift_right_logical3A_487 = arith.shrui %gather3A_339, %shift_right_logical3A_486 : vector<16xi32>
            %lt3A_488 = arith.cmpi slt, %shift_right_logical3A_484, %shift_right_logical3A_487 : vector<16xi32>
            %or3A_489 = arith.ori %or3A_481, %lt3A_488 : vector<16xi1>
            %gather3A_490 = tpu.vector_load_idx %arg8[%and3A_304] : memref<10000xi32, #tpu.memory_space<vmem>>[vector<16xi32>], vector<16xi32>,
            %and3A_491 = arith.constant 65535 : i32
            %and3A_492 = vector.broadcast %and3A_491 : i32 to vector<16xi32>
            %and3A_493 = arith.andi %gather3A_490, %and3A_492 : vector<16xi32>
            %and3A_494 = arith.constant 65535 : i32
            %and3A_495 = vector.broadcast %and3A_494 : i32 to vector<16xi32>
            %and3A_496 = arith.andi %gather3A_340, %and3A_495 : vector<16xi32>
            %lt3A_497 = arith.cmpi slt, %and3A_493, %and3A_496 : vector<16xi32>
            %or3A_498 = arith.ori %or3A_489, %lt3A_497 : vector<16xi1>
            %shift_right_logical3A_499 = arith.constant 16 : i32
            %shift_right_logical3A_500 = vector.broadcast %shift_right_logical3A_499 : i32 to vector<16xi32>
            %shift_right_logical3A_501 = arith.shrui %gather3A_490, %shift_right_logical3A_500 : vector<16xi32>
            %shift_right_logical3A_502 = arith.constant 16 : i32
            %shift_right_logical3A_503 = vector.broadcast %shift_right_logical3A_502 : i32 to vector<16xi32>
            %shift_right_logical3A_504 = arith.shrui %gather3A_340, %shift_right_logical3A_503 : vector<16xi32>
            %lt3A_505 = arith.cmpi slt, %shift_right_logical3A_501, %shift_right_logical3A_504 : vector<16xi32>
            %or3A_506 = arith.ori %or3A_498, %lt3A_505 : vector<16xi1>
            scf.yield %or3A_506 : vector<16xi1>
          }
          %broadcast_in_dim3A_454 = arith.constant true
          %broadcast_in_dim3A_455 = vector.broadcast %broadcast_in_dim3A_454 : i1 to vector<16xi1>
          %while3A_456 = scf.while (%while3A_460 = %broadcast_in_dim3A_455) : (vector<16xi1>) -> vector<16xi1> {
            %reduce_or3A = arith.constant 1.000000e+00 : f32
            %reduce_or3A_461 = arith.constant 0.000000e+00 : f32
            %reduce_or3A_462 = vector.broadcast %reduce_or3A : f32 to vector<16xf32>
            %reduce_or3A_463 = vector.broadcast %reduce_or3A_461 : f32 to vector<16xf32>
            %reduce_or3A_464 = arith.select %while3A_460, %reduce_or3A_462, %reduce_or3A_463 : vector<16xi1>, vector<16xf32>
            %reduce_or3A_465 = arith.constant true
            %reduce_or3A_466 = vector.broadcast %reduce_or3A_465 : i1 to vector<16xi1>
            %reduce_or3A_467 = tpu.scan <max>, %reduce_or3A_464 masked %reduce_or3A_466 : vector<16xf32>, vector<16xi1> -> vector<16xf32>
            %reduce_or3A_468 = vector.extract %reduce_or3A_467[15] : f32 from vector<16xf32>
            %reduce_or3A_469 = arith.constant 0.000000e+00 : f32
            %reduce_or3A_470 = arith.cmpf ogt, %reduce_or3A_468, %reduce_or3A_469 : f32
            scf.condition(%reduce_or3A_470) %while3A_460 : vector<16xi1>
          } do {
          ^bb0(%while3A_460: vector<16xi1>):
            %gather3A_461 = tpu.vector_load_idx %arg7[%and3A_338] : memref<10000xi32, #tpu.memory_space<vmem>>[vector<16xi32>], vector<16xi32>,
            %bitcast3A_462 = vector.bitcast %gather3A_461 : vector<16xi32> to vector<32xbf16>
            %bitcast3A_463 = vector.bitcast %gather3A_373 : vector<16xi32> to vector<32xbf16>
            %max3A_464 = arith.maximumf %bitcast3A_462, %bitcast3A_463 : vector<32xbf16>
            %bitcast3A_465 = vector.bitcast %max3A_464 : vector<32xbf16> to vector<16xi32>
            tpu.vector_store_idx %arg7[%and3A_338], %bitcast3A_465 masked %while3A_460 : memref<10000xi32, #tpu.memory_space<vmem>>[vector<16xi32>], vector<16xi32>, vector<16xi1>
            %gather3A_466 = tpu.vector_load_idx %arg8[%and3A_338] : memref<10000xi32, #tpu.memory_space<vmem>>[vector<16xi32>], vector<16xi32>,
            %bitcast3A_467 = vector.bitcast %gather3A_466 : vector<16xi32> to vector<32xbf16>
            %bitcast3A_468 = vector.bitcast %gather3A_374 : vector<16xi32> to vector<32xbf16>
            %max3A_469 = arith.maximumf %bitcast3A_467, %bitcast3A_468 : vector<32xbf16>
            %bitcast3A_470 = vector.bitcast %max3A_469 : vector<32xbf16> to vector<16xi32>
            tpu.vector_store_idx %arg8[%and3A_338], %bitcast3A_470 masked %while3A_460 : memref<10000xi32, #tpu.memory_space<vmem>>[vector<16xi32>], vector<16xi32>, vector<16xi1>
            %broadcast_in_dim3A_471 = arith.constant false
            %broadcast_in_dim3A_472 = vector.broadcast %broadcast_in_dim3A_471 : i1 to vector<16xi1>
            %gather3A_473 = tpu.vector_load_idx %arg7[%and3A_338] : memref<10000xi32, #tpu.memory_space<vmem>>[vector<16xi32>], vector<16xi32>,
            %and3A_474 = arith.constant 65535 : i32
            %and3A_475 = vector.broadcast %and3A_474 : i32 to vector<16xi32>
            %and3A_476 = arith.andi %gather3A_473, %and3A_475 : vector<16xi32>
            %and3A_477 = arith.constant 65535 : i32
            %and3A_478 = vector.broadcast %and3A_477 : i32 to vector<16xi32>
            %and3A_479 = arith.andi %gather3A_373, %and3A_478 : vector<16xi32>
            %lt3A_480 = arith.cmpi slt, %and3A_476, %and3A_479 : vector<16xi32>
            %or3A_481 = arith.ori %broadcast_in_dim3A_472, %lt3A_480 : vector<16xi1>
            %shift_right_logical3A_482 = arith.constant 16 : i32
            %shift_right_logical3A_483 = vector.broadcast %shift_right_logical3A_482 : i32 to vector<16xi32>
            %shift_right_logical3A_484 = arith.shrui %gather3A_473, %shift_right_logical3A_483 : vector<16xi32>
            %shift_right_logical3A_485 = arith.constant 16 : i32
            %shift_right_logical3A_486 = vector.broadcast %shift_right_logical3A_485 : i32 to vector<16xi32>
            %shift_right_logical3A_487 = arith.shrui %gather3A_373, %shift_right_logical3A_486 : vector<16xi32>
            %lt3A_488 = arith.cmpi slt, %shift_right_logical3A_484, %shift_right_logical3A_487 : vector<16xi32>
            %or3A_489 = arith.ori %or3A_481, %lt3A_488 : vector<16xi1>
            %gather3A_490 = tpu.vector_load_idx %arg8[%and3A_338] : memref<10000xi32, #tpu.memory_space<vmem>>[vector<16xi32>], vector<16xi32>,
            %and3A_491 = arith.constant 65535 : i32
            %and3A_492 = vector.broadcast %and3A_491 : i32 to vector<16xi32>
            %and3A_493 = arith.andi %gather3A_490, %and3A_492 : vector<16xi32>
            %and3A_494 = arith.constant 65535 : i32
            %and3A_495 = vector.broadcast %and3A_494 : i32 to vector<16xi32>
            %and3A_496 = arith.andi %gather3A_374, %and3A_495 : vector<16xi32>
            %lt3A_497 = arith.cmpi slt, %and3A_493, %and3A_496 : vector<16xi32>
            %or3A_498 = arith.ori %or3A_489, %lt3A_497 : vector<16xi1>
            %shift_right_logical3A_499 = arith.constant 16 : i32
            %shift_right_logical3A_500 = vector.broadcast %shift_right_logical3A_499 : i32 to vector<16xi32>
            %shift_right_logical3A_501 = arith.shrui %gather3A_490, %shift_right_logical3A_500 : vector<16xi32>
            %shift_right_logical3A_502 = arith.constant 16 : i32
            %shift_right_logical3A_503 = vector.broadcast %shift_right_logical3A_502 : i32 to vector<16xi32>
            %shift_right_logical3A_504 = arith.shrui %gather3A_374, %shift_right_logical3A_503 : vector<16xi32>
            %lt3A_505 = arith.cmpi slt, %shift_right_logical3A_501, %shift_right_logical3A_504 : vector<16xi32>
            %or3A_506 = arith.ori %or3A_498, %lt3A_505 : vector<16xi1>
            scf.yield %or3A_506 : vector<16xi1>
          }
          %broadcast_in_dim3A_457 = arith.constant true
          %broadcast_in_dim3A_458 = vector.broadcast %broadcast_in_dim3A_457 : i1 to vector<16xi1>
          %while3A_459 = scf.while (%while3A_460 = %broadcast_in_dim3A_458) : (vector<16xi1>) -> vector<16xi1> {
            %reduce_or3A = arith.constant 1.000000e+00 : f32
            %reduce_or3A_461 = arith.constant 0.000000e+00 : f32
            %reduce_or3A_462 = vector.broadcast %reduce_or3A : f32 to vector<16xf32>
            %reduce_or3A_463 = vector.broadcast %reduce_or3A_461 : f32 to vector<16xf32>
            %reduce_or3A_464 = arith.select %while3A_460, %reduce_or3A_462, %reduce_or3A_463 : vector<16xi1>, vector<16xf32>
            %reduce_or3A_465 = arith.constant true
            %reduce_or3A_466 = vector.broadcast %reduce_or3A_465 : i1 to vector<16xi1>
            %reduce_or3A_467 = tpu.scan <max>, %reduce_or3A_464 masked %reduce_or3A_466 : vector<16xf32>, vector<16xi1> -> vector<16xf32>
            %reduce_or3A_468 = vector.extract %reduce_or3A_467[15] : f32 from vector<16xf32>
            %reduce_or3A_469 = arith.constant 0.000000e+00 : f32
            %reduce_or3A_470 = arith.cmpf ogt, %reduce_or3A_468, %reduce_or3A_469 : f32
            scf.condition(%reduce_or3A_470) %while3A_460 : vector<16xi1>
          } do {
          ^bb0(%while3A_460: vector<16xi1>):
            %gather3A_461 = tpu.vector_load_idx %arg7[%and3A_372] : memref<10000xi32, #tpu.memory_space<vmem>>[vector<16xi32>], vector<16xi32>,
            %bitcast3A_462 = vector.bitcast %gather3A_461 : vector<16xi32> to vector<32xbf16>
            %bitcast3A_463 = vector.bitcast %gather3A_391 : vector<16xi32> to vector<32xbf16>
            %max3A_464 = arith.maximumf %bitcast3A_462, %bitcast3A_463 : vector<32xbf16>
            %bitcast3A_465 = vector.bitcast %max3A_464 : vector<32xbf16> to vector<16xi32>
            tpu.vector_store_idx %arg7[%and3A_372], %bitcast3A_465 masked %while3A_460 : memref<10000xi32, #tpu.memory_space<vmem>>[vector<16xi32>], vector<16xi32>, vector<16xi1>
            %gather3A_466 = tpu.vector_load_idx %arg8[%and3A_372] : memref<10000xi32, #tpu.memory_space<vmem>>[vector<16xi32>], vector<16xi32>,
            %bitcast3A_467 = vector.bitcast %gather3A_466 : vector<16xi32> to vector<32xbf16>
            %bitcast3A_468 = vector.bitcast %gather3A_392 : vector<16xi32> to vector<32xbf16>
            %max3A_469 = arith.maximumf %bitcast3A_467, %bitcast3A_468 : vector<32xbf16>
            %bitcast3A_470 = vector.bitcast %max3A_469 : vector<32xbf16> to vector<16xi32>
            tpu.vector_store_idx %arg8[%and3A_372], %bitcast3A_470 masked %while3A_460 : memref<10000xi32, #tpu.memory_space<vmem>>[vector<16xi32>], vector<16xi32>, vector<16xi1>
            %broadcast_in_dim3A_471 = arith.constant false
            %broadcast_in_dim3A_472 = vector.broadcast %broadcast_in_dim3A_471 : i1 to vector<16xi1>
            %gather3A_473 = tpu.vector_load_idx %arg7[%and3A_372] : memref<10000xi32, #tpu.memory_space<vmem>>[vector<16xi32>], vector<16xi32>,
            %and3A_474 = arith.constant 65535 : i32
            %and3A_475 = vector.broadcast %and3A_474 : i32 to vector<16xi32>
            %and3A_476 = arith.andi %gather3A_473, %and3A_475 : vector<16xi32>
            %and3A_477 = arith.constant 65535 : i32
            %and3A_478 = vector.broadcast %and3A_477 : i32 to vector<16xi32>
            %and3A_479 = arith.andi %gather3A_391, %and3A_478 : vector<16xi32>
            %lt3A_480 = arith.cmpi slt, %and3A_476, %and3A_479 : vector<16xi32>
            %or3A_481 = arith.ori %broadcast_in_dim3A_472, %lt3A_480 : vector<16xi1>
            %shift_right_logical3A_482 = arith.constant 16 : i32
            %shift_right_logical3A_483 = vector.broadcast %shift_right_logical3A_482 : i32 to vector<16xi32>
            %shift_right_logical3A_484 = arith.shrui %gather3A_473, %shift_right_logical3A_483 : vector<16xi32>
            %shift_right_logical3A_485 = arith.constant 16 : i32
            %shift_right_logical3A_486 = vector.broadcast %shift_right_logical3A_485 : i32 to vector<16xi32>
            %shift_right_logical3A_487 = arith.shrui %gather3A_391, %shift_right_logical3A_486 : vector<16xi32>
            %lt3A_488 = arith.cmpi slt, %shift_right_logical3A_484, %shift_right_logical3A_487 : vector<16xi32>
            %or3A_489 = arith.ori %or3A_481, %lt3A_488 : vector<16xi1>
            %gather3A_490 = tpu.vector_load_idx %arg8[%and3A_372] : memref<10000xi32, #tpu.memory_space<vmem>>[vector<16xi32>], vector<16xi32>,
            %and3A_491 = arith.constant 65535 : i32
            %and3A_492 = vector.broadcast %and3A_491 : i32 to vector<16xi32>
            %and3A_493 = arith.andi %gather3A_490, %and3A_492 : vector<16xi32>
            %and3A_494 = arith.constant 65535 : i32
            %and3A_495 = vector.broadcast %and3A_494 : i32 to vector<16xi32>
            %and3A_496 = arith.andi %gather3A_392, %and3A_495 : vector<16xi32>
            %lt3A_497 = arith.cmpi slt, %and3A_493, %and3A_496 : vector<16xi32>
            %or3A_498 = arith.ori %or3A_489, %lt3A_497 : vector<16xi1>
            %shift_right_logical3A_499 = arith.constant 16 : i32
            %shift_right_logical3A_500 = vector.broadcast %shift_right_logical3A_499 : i32 to vector<16xi32>
            %shift_right_logical3A_501 = arith.shrui %gather3A_490, %shift_right_logical3A_500 : vector<16xi32>
            %shift_right_logical3A_502 = arith.constant 16 : i32
            %shift_right_logical3A_503 = vector.broadcast %shift_right_logical3A_502 : i32 to vector<16xi32>
            %shift_right_logical3A_504 = arith.shrui %gather3A_392, %shift_right_logical3A_503 : vector<16xi32>
            %lt3A_505 = arith.cmpi slt, %shift_right_logical3A_501, %shift_right_logical3A_504 : vector<16xi32>
            %or3A_506 = arith.ori %or3A_498, %lt3A_505 : vector<16xi1>
            scf.yield %or3A_506 : vector<16xi1>
          }
        } else {
        }
      }
      %scan3A_57 = arith.constant 20 : i32
      %mul3A_58 = arith.constant 2 : i32
      %mul3A_59 = arith.muli %scan3A_33, %mul3A_58 : i32
      %add3A_60 = arith.constant 1 : i32
      %add3A_61 = arith.addi %mul3A_59, %add3A_60 : i32
      %add3A_62 = arith.constant 1 : i32
      %add3A_63 = arith.addi %add3A_61, %add3A_62 : i32
      %lt3A_64 = arith.constant 100 : i32
      %lt3A_65 = arith.cmpi slt, %add3A_63, %lt3A_64 : i32
      %convert_element_type3A_66 = arith.extui %lt3A_65 : i1 to i32
      %cond3A_67 = arith.constant 0 : i32
      %cond3A_68 = arith.cmpi ne, %convert_element_type3A_66, %cond3A_67 : i32
      scf.if %cond3A_68 {
        %add3A_86 = arith.constant 1 : i32
        %add3A_87 = arith.addi %add3A_61, %add3A_86 : i32
        %mul3A_88 = arith.constant 3200 : i32
        %mul3A_89 = arith.muli %add3A_87, %mul3A_88 : i32
        %dma_start3A_90 = arith.constant 0 : i32
        %dma_start3A_91 = arith.constant 0 : i32
        %dma_start3A_92 = tpu.memref_slice %arg9[%dma_start3A_90, %dma_start3A_91] : memref<2x3200xi32, #tpu.memory_space<vmem>> -> memref<1x3200xi32, #tpu.memory_space<vmem>>
        %dma_start3A_93 = tpu.memref_squeeze %dma_start3A_92 : memref<1x3200xi32, #tpu.memory_space<vmem>> -> memref<3200xi32, #tpu.memory_space<vmem>>
        %dma_start3A_94 = tpu.memref_slice %arg3[%mul3A_89] : memref<320000xi32, #tpu.memory_space<hbm>> -> memref<3200xi32, #tpu.memory_space<hbm>>
        %dma_start3A_95 = arith.constant 0 : i32
        %dma_start3A_96 = tpu.memref_slice %arg9[%dma_start3A_90, %dma_start3A_95] : memref<2x3200xi32, #tpu.memory_space<vmem>> -> memref<1x3200xi32, #tpu.memory_space<vmem>>
        %dma_start3A_97 = tpu.memref_squeeze %dma_start3A_96 : memref<1x3200xi32, #tpu.memory_space<vmem>> -> memref<3200xi32, #tpu.memory_space<vmem>>
        %dma_start3A_98 = tpu.memref_slice %arg3[%mul3A_89] : memref<320000xi32, #tpu.memory_space<hbm>> -> memref<3200xi32, #tpu.memory_space<hbm>>
        tpu.enqueue_dma source(%dma_start3A_98 : memref<3200xi32, #tpu.memory_space<hbm>>) target(%dma_start3A_97 : memref<3200xi32, #tpu.memory_space<vmem>>) target_semaphore(%arg10 : memref<!tpu.dma_semaphore, #tpu.memory_space<semaphore_mem>>)
      } else {
      }
      %dma_wait3A_69 = arith.constant 1 : i32
      %dma_wait3A_70 = arith.constant 0 : i32
      %dma_wait3A_71 = tpu.memref_slice %arg9[%dma_wait3A_69, %dma_wait3A_70] : memref<2x3200xi32, #tpu.memory_space<vmem>> -> memref<1x3200xi32, #tpu.memory_space<vmem>>
      %dma_wait3A_72 = tpu.memref_squeeze %dma_wait3A_71 : memref<1x3200xi32, #tpu.memory_space<vmem>> -> memref<3200xi32, #tpu.memory_space<vmem>>
      %dma_wait3A_73 = arith.constant 0 : i32
      %dma_wait3A_74 = tpu.memref_slice %arg3[%dma_wait3A_73] : memref<320000xi32, #tpu.memory_space<hbm>> -> memref<3200xi32, #tpu.memory_space<hbm>>
      %dma_wait3A_75 = arith.constant 0 : i32
      %dma_wait3A_76 = tpu.memref_slice %arg9[%dma_wait3A_69, %dma_wait3A_75] : memref<2x3200xi32, #tpu.memory_space<vmem>> -> memref<1x3200xi32, #tpu.memory_space<vmem>>
      %dma_wait3A_77 = tpu.memref_squeeze %dma_wait3A_76 : memref<1x3200xi32, #tpu.memory_space<vmem>> -> memref<3200xi32, #tpu.memory_space<vmem>>
      %dma_wait3A_78 = arith.constant 0 : i32
      %dma_wait3A_79 = tpu.memref_slice %arg3[%dma_wait3A_78] : memref<320000xi32, #tpu.memory_space<hbm>> -> memref<3200xi32, #tpu.memory_space<hbm>>
      tpu.wait_dma2 semaphore(%arg11 : memref<!tpu.dma_semaphore, #tpu.memory_space<semaphore_mem>>) src(%dma_wait3A_79 : memref<3200xi32, #tpu.memory_space<hbm>>) dst(%dma_wait3A_77 : memref<3200xi32, #tpu.memory_space<vmem>>)
      %scan3A_80 = arith.constant 0 : i32
      %scan3A_81 = arith.constant 0 : i32
      %scan3A_82 = arith.constant 20 : i32
      %scan3A_83 = arith.addi %scan3A_81, %scan3A_82 : i32
      %scan3A_84 = arith.constant 1 : i32
      scf.for %scan3A_86 = %scan3A_81 to %scan3A_83 step %scan3A_84  : i32 {
        %mul3A_87 = arith.constant 10 : i32
        %mul3A_88 = arith.muli %scan3A_86, %mul3A_87 : i32
        %add3A_89 = arith.constant 0 : i32
        %add3A_90 = arith.addi %mul3A_88, %add3A_89 : i32
        %mul3A_91 = arith.constant 16 : i32
        %mul3A_92 = arith.muli %add3A_90, %mul3A_91 : i32
        %get3A = arith.constant 1 : i32
        %get3A_93 = arith.index_cast %get3A : i32 to index
        %get3A_94 = arith.index_cast %mul3A_92 : i32 to index
        %get3A_95 = tpu.vector_load %arg9[%get3A_93, %get3A_94] {strides = array<i32>} : memref<2x3200xi32, #tpu.memory_space<vmem>>, vector<16xi32>,
        %shift_right_logical3A = arith.constant 14 : i32
        %shift_right_logical3A_96 = vector.broadcast %shift_right_logical3A : i32 to vector<16xi32>
        %shift_right_logical3A_97 = arith.shrui %get3A_95, %shift_right_logical3A_96 : vector<16xi32>
        %and3A = arith.constant 16383 : i32
        %and3A_98 = vector.broadcast %and3A : i32 to vector<16xi32>
        %and3A_99 = arith.andi %get3A_95, %and3A_98 : vector<16xi32>
        %mul3A_100 = arith.constant 10 : i32
        %mul3A_101 = arith.muli %scan3A_86, %mul3A_100 : i32
        %add3A_102 = arith.constant 1 : i32
        %add3A_103 = arith.addi %mul3A_101, %add3A_102 : i32
        %mul3A_104 = arith.constant 16 : i32
        %mul3A_105 = arith.muli %add3A_103, %mul3A_104 : i32
        %get3A_106 = arith.constant 1 : i32
        %get3A_107 = arith.index_cast %get3A_106 : i32 to index
        %get3A_108 = arith.index_cast %mul3A_105 : i32 to index
        %get3A_109 = tpu.vector_load %arg9[%get3A_107, %get3A_108] {strides = array<i32>} : memref<2x3200xi32, #tpu.memory_space<vmem>>, vector<16xi32>,
        %shift_right_logical3A_110 = arith.constant 14 : i32
        %shift_right_logical3A_111 = vector.broadcast %shift_right_logical3A_110 : i32 to vector<16xi32>
        %shift_right_logical3A_112 = arith.shrui %get3A_109, %shift_right_logical3A_111 : vector<16xi32>
        %and3A_113 = arith.constant 16383 : i32
        %and3A_114 = vector.broadcast %and3A_113 : i32 to vector<16xi32>
        %and3A_115 = arith.andi %get3A_109, %and3A_114 : vector<16xi32>
        %gather3A = tpu.vector_load_idx %arg5[%shift_right_logical3A_97] : memref<10000xi32, #tpu.memory_space<vmem>>[vector<16xi32>], vector<16xi32>,
        %gather3A_116 = tpu.vector_load_idx %arg6[%shift_right_logical3A_97] : memref<10000xi32, #tpu.memory_space<vmem>>[vector<16xi32>], vector<16xi32>,
        %broadcast_in_dim3A_117 = arith.constant true
        %broadcast_in_dim3A_118 = vector.broadcast %broadcast_in_dim3A_117 : i1 to vector<16xi1>
        %unique3A, %unique3A_119 = tpu.scan_count mask(%broadcast_in_dim3A_118 : vector<16xi1>) value(%and3A_99 : vector<16xi32>) : vector<16xi1>, vector<16xi32>
        %not3A = arith.constant dense<true> : vector<16xi1>
        %not3A_120 = arith.xori %unique3A, %not3A : vector<16xi1>
        %mul3A_121 = arith.constant 10 : i32
        %mul3A_122 = arith.muli %scan3A_86, %mul3A_121 : i32
        %add3A_123 = arith.constant 2 : i32
        %add3A_124 = arith.addi %mul3A_122, %add3A_123 : i32
        %mul3A_125 = arith.constant 16 : i32
        %mul3A_126 = arith.muli %add3A_124, %mul3A_125 : i32
        %get3A_127 = arith.constant 1 : i32
        %get3A_128 = arith.index_cast %get3A_127 : i32 to index
        %get3A_129 = arith.index_cast %mul3A_126 : i32 to index
        %get3A_130 = tpu.vector_load %arg9[%get3A_128, %get3A_129] {strides = array<i32>} : memref<2x3200xi32, #tpu.memory_space<vmem>>, vector<16xi32>,
        %shift_right_logical3A_131 = arith.constant 14 : i32
        %shift_right_logical3A_132 = vector.broadcast %shift_right_logical3A_131 : i32 to vector<16xi32>
        %shift_right_logical3A_133 = arith.shrui %get3A_130, %shift_right_logical3A_132 : vector<16xi32>
        %and3A_134 = arith.constant 16383 : i32
        %and3A_135 = vector.broadcast %and3A_134 : i32 to vector<16xi32>
        %and3A_136 = arith.andi %get3A_130, %and3A_135 : vector<16xi32>
        %gather3A_137 = tpu.vector_load_idx %arg5[%shift_right_logical3A_112] : memref<10000xi32, #tpu.memory_space<vmem>>[vector<16xi32>], vector<16xi32>,
        %gather3A_138 = tpu.vector_load_idx %arg6[%shift_right_logical3A_112] : memref<10000xi32, #tpu.memory_space<vmem>>[vector<16xi32>], vector<16xi32>,
        %broadcast_in_dim3A_139 = arith.constant true
        %broadcast_in_dim3A_140 = vector.broadcast %broadcast_in_dim3A_139 : i1 to vector<16xi1>
        %unique3A_141, %unique3A_142 = tpu.scan_count mask(%broadcast_in_dim3A_140 : vector<16xi1>) value(%and3A_115 : vector<16xi32>) : vector<16xi1>, vector<16xi32>
        %not3A_143 = arith.constant dense<true> : vector<16xi1>
        %not3A_144 = arith.xori %unique3A_141, %not3A_143 : vector<16xi1>
        %gather3A_145 = tpu.vector_load_idx %arg7[%and3A_99] : memref<10000xi32, #tpu.memory_space<vmem>>[vector<16xi32>], vector<16xi32>,
        %gather3A_146 = tpu.vector_load_idx %arg8[%and3A_99] : memref<10000xi32, #tpu.memory_space<vmem>>[vector<16xi32>], vector<16xi32>,
        %bitcast3A = vector.bitcast %gather3A_145 : vector<16xi32> to vector<32xbf16>
        %bitcast3A_147 = vector.bitcast %gather3A : vector<16xi32> to vector<32xbf16>
        %max3A = arith.maximumf %bitcast3A, %bitcast3A_147 : vector<32xbf16>
        %bitcast3A_148 = vector.bitcast %max3A : vector<32xbf16> to vector<16xi32>
        tpu.vector_store_idx %arg7[%and3A_99], %bitcast3A_148 : memref<10000xi32, #tpu.memory_space<vmem>>[vector<16xi32>], vector<16xi32>,
        %bitcast3A_149 = vector.bitcast %gather3A_146 : vector<16xi32> to vector<32xbf16>
        %bitcast3A_150 = vector.bitcast %gather3A_116 : vector<16xi32> to vector<32xbf16>
        %max3A_151 = arith.maximumf %bitcast3A_149, %bitcast3A_150 : vector<32xbf16>
        %bitcast3A_152 = vector.bitcast %max3A_151 : vector<32xbf16> to vector<16xi32>
        tpu.vector_store_idx %arg8[%and3A_99], %bitcast3A_152 : memref<10000xi32, #tpu.memory_space<vmem>>[vector<16xi32>], vector<16xi32>,
        %mul3A_153 = arith.constant 10 : i32
        %mul3A_154 = arith.muli %scan3A_86, %mul3A_153 : i32
        %add3A_155 = arith.constant 3 : i32
        %add3A_156 = arith.addi %mul3A_154, %add3A_155 : i32
        %mul3A_157 = arith.constant 16 : i32
        %mul3A_158 = arith.muli %add3A_156, %mul3A_157 : i32
        %get3A_159 = arith.constant 1 : i32
        %get3A_160 = arith.index_cast %get3A_159 : i32 to index
        %get3A_161 = arith.index_cast %mul3A_158 : i32 to index
        %get3A_162 = tpu.vector_load %arg9[%get3A_160, %get3A_161] {strides = array<i32>} : memref<2x3200xi32, #tpu.memory_space<vmem>>, vector<16xi32>,
        %shift_right_logical3A_163 = arith.constant 14 : i32
        %shift_right_logical3A_164 = vector.broadcast %shift_right_logical3A_163 : i32 to vector<16xi32>
        %shift_right_logical3A_165 = arith.shrui %get3A_162, %shift_right_logical3A_164 : vector<16xi32>
        %and3A_166 = arith.constant 16383 : i32
        %and3A_167 = vector.broadcast %and3A_166 : i32 to vector<16xi32>
        %and3A_168 = arith.andi %get3A_162, %and3A_167 : vector<16xi32>
        %gather3A_169 = tpu.vector_load_idx %arg5[%shift_right_logical3A_133] : memref<10000xi32, #tpu.memory_space<vmem>>[vector<16xi32>], vector<16xi32>,
        %gather3A_170 = tpu.vector_load_idx %arg6[%shift_right_logical3A_133] : memref<10000xi32, #tpu.memory_space<vmem>>[vector<16xi32>], vector<16xi32>,
        %broadcast_in_dim3A_171 = arith.constant true
        %broadcast_in_dim3A_172 = vector.broadcast %broadcast_in_dim3A_171 : i1 to vector<16xi1>
        %unique3A_173, %unique3A_174 = tpu.scan_count mask(%broadcast_in_dim3A_172 : vector<16xi1>) value(%and3A_136 : vector<16xi32>) : vector<16xi1>, vector<16xi32>
        %not3A_175 = arith.constant dense<true> : vector<16xi1>
        %not3A_176 = arith.xori %unique3A_173, %not3A_175 : vector<16xi1>
        %gather3A_177 = tpu.vector_load_idx %arg7[%and3A_115] : memref<10000xi32, #tpu.memory_space<vmem>>[vector<16xi32>], vector<16xi32>,
        %gather3A_178 = tpu.vector_load_idx %arg8[%and3A_115] : memref<10000xi32, #tpu.memory_space<vmem>>[vector<16xi32>], vector<16xi32>,
        %bitcast3A_179 = vector.bitcast %gather3A_177 : vector<16xi32> to vector<32xbf16>
        %bitcast3A_180 = vector.bitcast %gather3A_137 : vector<16xi32> to vector<32xbf16>
        %max3A_181 = arith.maximumf %bitcast3A_179, %bitcast3A_180 : vector<32xbf16>
        %bitcast3A_182 = vector.bitcast %max3A_181 : vector<32xbf16> to vector<16xi32>
        tpu.vector_store_idx %arg7[%and3A_115], %bitcast3A_182 : memref<10000xi32, #tpu.memory_space<vmem>>[vector<16xi32>], vector<16xi32>,
        %bitcast3A_183 = vector.bitcast %gather3A_178 : vector<16xi32> to vector<32xbf16>
        %bitcast3A_184 = vector.bitcast %gather3A_138 : vector<16xi32> to vector<32xbf16>
        %max3A_185 = arith.maximumf %bitcast3A_183, %bitcast3A_184 : vector<32xbf16>
        %bitcast3A_186 = vector.bitcast %max3A_185 : vector<32xbf16> to vector<16xi32>
        tpu.vector_store_idx %arg8[%and3A_115], %bitcast3A_186 : memref<10000xi32, #tpu.memory_space<vmem>>[vector<16xi32>], vector<16xi32>,
        %mul3A_187 = arith.constant 10 : i32
        %mul3A_188 = arith.muli %scan3A_86, %mul3A_187 : i32
        %add3A_189 = arith.constant 4 : i32
        %add3A_190 = arith.addi %mul3A_188, %add3A_189 : i32
        %mul3A_191 = arith.constant 16 : i32
        %mul3A_192 = arith.muli %add3A_190, %mul3A_191 : i32
        %get3A_193 = arith.constant 1 : i32
        %get3A_194 = arith.index_cast %get3A_193 : i32 to index
        %get3A_195 = arith.index_cast %mul3A_192 : i32 to index
        %get3A_196 = tpu.vector_load %arg9[%get3A_194, %get3A_195] {strides = array<i32>} : memref<2x3200xi32, #tpu.memory_space<vmem>>, vector<16xi32>,
        %shift_right_logical3A_197 = arith.constant 14 : i32
        %shift_right_logical3A_198 = vector.broadcast %shift_right_logical3A_197 : i32 to vector<16xi32>
        %shift_right_logical3A_199 = arith.shrui %get3A_196, %shift_right_logical3A_198 : vector<16xi32>
        %and3A_200 = arith.constant 16383 : i32
        %and3A_201 = vector.broadcast %and3A_200 : i32 to vector<16xi32>
        %and3A_202 = arith.andi %get3A_196, %and3A_201 : vector<16xi32>
        %gather3A_203 = tpu.vector_load_idx %arg5[%shift_right_logical3A_165] : memref<10000xi32, #tpu.memory_space<vmem>>[vector<16xi32>], vector<16xi32>,
        %gather3A_204 = tpu.vector_load_idx %arg6[%shift_right_logical3A_165] : memref<10000xi32, #tpu.memory_space<vmem>>[vector<16xi32>], vector<16xi32>,
        %broadcast_in_dim3A_205 = arith.constant true
        %broadcast_in_dim3A_206 = vector.broadcast %broadcast_in_dim3A_205 : i1 to vector<16xi1>
        %unique3A_207, %unique3A_208 = tpu.scan_count mask(%broadcast_in_dim3A_206 : vector<16xi1>) value(%and3A_168 : vector<16xi32>) : vector<16xi1>, vector<16xi32>
        %not3A_209 = arith.constant dense<true> : vector<16xi1>
        %not3A_210 = arith.xori %unique3A_207, %not3A_209 : vector<16xi1>
        %gather3A_211 = tpu.vector_load_idx %arg7[%and3A_136] : memref<10000xi32, #tpu.memory_space<vmem>>[vector<16xi32>], vector<16xi32>,
        %gather3A_212 = tpu.vector_load_idx %arg8[%and3A_136] : memref<10000xi32, #tpu.memory_space<vmem>>[vector<16xi32>], vector<16xi32>,
        %bitcast3A_213 = vector.bitcast %gather3A_211 : vector<16xi32> to vector<32xbf16>
        %bitcast3A_214 = vector.bitcast %gather3A_169 : vector<16xi32> to vector<32xbf16>
        %max3A_215 = arith.maximumf %bitcast3A_213, %bitcast3A_214 : vector<32xbf16>
        %bitcast3A_216 = vector.bitcast %max3A_215 : vector<32xbf16> to vector<16xi32>
        tpu.vector_store_idx %arg7[%and3A_136], %bitcast3A_216 : memref<10000xi32, #tpu.memory_space<vmem>>[vector<16xi32>], vector<16xi32>,
        %bitcast3A_217 = vector.bitcast %gather3A_212 : vector<16xi32> to vector<32xbf16>
        %bitcast3A_218 = vector.bitcast %gather3A_170 : vector<16xi32> to vector<32xbf16>
        %max3A_219 = arith.maximumf %bitcast3A_217, %bitcast3A_218 : vector<32xbf16>
        %bitcast3A_220 = vector.bitcast %max3A_219 : vector<32xbf16> to vector<16xi32>
        tpu.vector_store_idx %arg8[%and3A_136], %bitcast3A_220 : memref<10000xi32, #tpu.memory_space<vmem>>[vector<16xi32>], vector<16xi32>,
        %mul3A_221 = arith.constant 10 : i32
        %mul3A_222 = arith.muli %scan3A_86, %mul3A_221 : i32
        %add3A_223 = arith.constant 5 : i32
        %add3A_224 = arith.addi %mul3A_222, %add3A_223 : i32
        %mul3A_225 = arith.constant 16 : i32
        %mul3A_226 = arith.muli %add3A_224, %mul3A_225 : i32
        %get3A_227 = arith.constant 1 : i32
        %get3A_228 = arith.index_cast %get3A_227 : i32 to index
        %get3A_229 = arith.index_cast %mul3A_226 : i32 to index
        %get3A_230 = tpu.vector_load %arg9[%get3A_228, %get3A_229] {strides = array<i32>} : memref<2x3200xi32, #tpu.memory_space<vmem>>, vector<16xi32>,
        %shift_right_logical3A_231 = arith.constant 14 : i32
        %shift_right_logical3A_232 = vector.broadcast %shift_right_logical3A_231 : i32 to vector<16xi32>
        %shift_right_logical3A_233 = arith.shrui %get3A_230, %shift_right_logical3A_232 : vector<16xi32>
        %and3A_234 = arith.constant 16383 : i32
        %and3A_235 = vector.broadcast %and3A_234 : i32 to vector<16xi32>
        %and3A_236 = arith.andi %get3A_230, %and3A_235 : vector<16xi32>
        %gather3A_237 = tpu.vector_load_idx %arg5[%shift_right_logical3A_199] : memref<10000xi32, #tpu.memory_space<vmem>>[vector<16xi32>], vector<16xi32>,
        %gather3A_238 = tpu.vector_load_idx %arg6[%shift_right_logical3A_199] : memref<10000xi32, #tpu.memory_space<vmem>>[vector<16xi32>], vector<16xi32>,
        %broadcast_in_dim3A_239 = arith.constant true
        %broadcast_in_dim3A_240 = vector.broadcast %broadcast_in_dim3A_239 : i1 to vector<16xi1>
        %unique3A_241, %unique3A_242 = tpu.scan_count mask(%broadcast_in_dim3A_240 : vector<16xi1>) value(%and3A_202 : vector<16xi32>) : vector<16xi1>, vector<16xi32>
        %not3A_243 = arith.constant dense<true> : vector<16xi1>
        %not3A_244 = arith.xori %unique3A_241, %not3A_243 : vector<16xi1>
        %gather3A_245 = tpu.vector_load_idx %arg7[%and3A_168] : memref<10000xi32, #tpu.memory_space<vmem>>[vector<16xi32>], vector<16xi32>,
        %gather3A_246 = tpu.vector_load_idx %arg8[%and3A_168] : memref<10000xi32, #tpu.memory_space<vmem>>[vector<16xi32>], vector<16xi32>,
        %bitcast3A_247 = vector.bitcast %gather3A_245 : vector<16xi32> to vector<32xbf16>
        %bitcast3A_248 = vector.bitcast %gather3A_203 : vector<16xi32> to vector<32xbf16>
        %max3A_249 = arith.maximumf %bitcast3A_247, %bitcast3A_248 : vector<32xbf16>
        %bitcast3A_250 = vector.bitcast %max3A_249 : vector<32xbf16> to vector<16xi32>
        tpu.vector_store_idx %arg7[%and3A_168], %bitcast3A_250 : memref<10000xi32, #tpu.memory_space<vmem>>[vector<16xi32>], vector<16xi32>,
        %bitcast3A_251 = vector.bitcast %gather3A_246 : vector<16xi32> to vector<32xbf16>
        %bitcast3A_252 = vector.bitcast %gather3A_204 : vector<16xi32> to vector<32xbf16>
        %max3A_253 = arith.maximumf %bitcast3A_251, %bitcast3A_252 : vector<32xbf16>
        %bitcast3A_254 = vector.bitcast %max3A_253 : vector<32xbf16> to vector<16xi32>
        tpu.vector_store_idx %arg8[%and3A_168], %bitcast3A_254 : memref<10000xi32, #tpu.memory_space<vmem>>[vector<16xi32>], vector<16xi32>,
        %mul3A_255 = arith.constant 10 : i32
        %mul3A_256 = arith.muli %scan3A_86, %mul3A_255 : i32
        %add3A_257 = arith.constant 6 : i32
        %add3A_258 = arith.addi %mul3A_256, %add3A_257 : i32
        %mul3A_259 = arith.constant 16 : i32
        %mul3A_260 = arith.muli %add3A_258, %mul3A_259 : i32
        %get3A_261 = arith.constant 1 : i32
        %get3A_262 = arith.index_cast %get3A_261 : i32 to index
        %get3A_263 = arith.index_cast %mul3A_260 : i32 to index
        %get3A_264 = tpu.vector_load %arg9[%get3A_262, %get3A_263] {strides = array<i32>} : memref<2x3200xi32, #tpu.memory_space<vmem>>, vector<16xi32>,
        %shift_right_logical3A_265 = arith.constant 14 : i32
        %shift_right_logical3A_266 = vector.broadcast %shift_right_logical3A_265 : i32 to vector<16xi32>
        %shift_right_logical3A_267 = arith.shrui %get3A_264, %shift_right_logical3A_266 : vector<16xi32>
        %and3A_268 = arith.constant 16383 : i32
        %and3A_269 = vector.broadcast %and3A_268 : i32 to vector<16xi32>
        %and3A_270 = arith.andi %get3A_264, %and3A_269 : vector<16xi32>
        %gather3A_271 = tpu.vector_load_idx %arg5[%shift_right_logical3A_233] : memref<10000xi32, #tpu.memory_space<vmem>>[vector<16xi32>], vector<16xi32>,
        %gather3A_272 = tpu.vector_load_idx %arg6[%shift_right_logical3A_233] : memref<10000xi32, #tpu.memory_space<vmem>>[vector<16xi32>], vector<16xi32>,
        %broadcast_in_dim3A_273 = arith.constant true
        %broadcast_in_dim3A_274 = vector.broadcast %broadcast_in_dim3A_273 : i1 to vector<16xi1>
        %unique3A_275, %unique3A_276 = tpu.scan_count mask(%broadcast_in_dim3A_274 : vector<16xi1>) value(%and3A_236 : vector<16xi32>) : vector<16xi1>, vector<16xi32>
        %not3A_277 = arith.constant dense<true> : vector<16xi1>
        %not3A_278 = arith.xori %unique3A_275, %not3A_277 : vector<16xi1>
        %gather3A_279 = tpu.vector_load_idx %arg7[%and3A_202] : memref<10000xi32, #tpu.memory_space<vmem>>[vector<16xi32>], vector<16xi32>,
        %gather3A_280 = tpu.vector_load_idx %arg8[%and3A_202] : memref<10000xi32, #tpu.memory_space<vmem>>[vector<16xi32>], vector<16xi32>,
        %bitcast3A_281 = vector.bitcast %gather3A_279 : vector<16xi32> to vector<32xbf16>
        %bitcast3A_282 = vector.bitcast %gather3A_237 : vector<16xi32> to vector<32xbf16>
        %max3A_283 = arith.maximumf %bitcast3A_281, %bitcast3A_282 : vector<32xbf16>
        %bitcast3A_284 = vector.bitcast %max3A_283 : vector<32xbf16> to vector<16xi32>
        tpu.vector_store_idx %arg7[%and3A_202], %bitcast3A_284 : memref<10000xi32, #tpu.memory_space<vmem>>[vector<16xi32>], vector<16xi32>,
        %bitcast3A_285 = vector.bitcast %gather3A_280 : vector<16xi32> to vector<32xbf16>
        %bitcast3A_286 = vector.bitcast %gather3A_238 : vector<16xi32> to vector<32xbf16>
        %max3A_287 = arith.maximumf %bitcast3A_285, %bitcast3A_286 : vector<32xbf16>
        %bitcast3A_288 = vector.bitcast %max3A_287 : vector<32xbf16> to vector<16xi32>
        tpu.vector_store_idx %arg8[%and3A_202], %bitcast3A_288 : memref<10000xi32, #tpu.memory_space<vmem>>[vector<16xi32>], vector<16xi32>,
        %mul3A_289 = arith.constant 10 : i32
        %mul3A_290 = arith.muli %scan3A_86, %mul3A_289 : i32
        %add3A_291 = arith.constant 7 : i32
        %add3A_292 = arith.addi %mul3A_290, %add3A_291 : i32
        %mul3A_293 = arith.constant 16 : i32
        %mul3A_294 = arith.muli %add3A_292, %mul3A_293 : i32
        %get3A_295 = arith.constant 1 : i32
        %get3A_296 = arith.index_cast %get3A_295 : i32 to index
        %get3A_297 = arith.index_cast %mul3A_294 : i32 to index
        %get3A_298 = tpu.vector_load %arg9[%get3A_296, %get3A_297] {strides = array<i32>} : memref<2x3200xi32, #tpu.memory_space<vmem>>, vector<16xi32>,
        %shift_right_logical3A_299 = arith.constant 14 : i32
        %shift_right_logical3A_300 = vector.broadcast %shift_right_logical3A_299 : i32 to vector<16xi32>
        %shift_right_logical3A_301 = arith.shrui %get3A_298, %shift_right_logical3A_300 : vector<16xi32>
        %and3A_302 = arith.constant 16383 : i32
        %and3A_303 = vector.broadcast %and3A_302 : i32 to vector<16xi32>
        %and3A_304 = arith.andi %get3A_298, %and3A_303 : vector<16xi32>
        %gather3A_305 = tpu.vector_load_idx %arg5[%shift_right_logical3A_267] : memref<10000xi32, #tpu.memory_space<vmem>>[vector<16xi32>], vector<16xi32>,
        %gather3A_306 = tpu.vector_load_idx %arg6[%shift_right_logical3A_267] : memref<10000xi32, #tpu.memory_space<vmem>>[vector<16xi32>], vector<16xi32>,
        %broadcast_in_dim3A_307 = arith.constant true
        %broadcast_in_dim3A_308 = vector.broadcast %broadcast_in_dim3A_307 : i1 to vector<16xi1>
        %unique3A_309, %unique3A_310 = tpu.scan_count mask(%broadcast_in_dim3A_308 : vector<16xi1>) value(%and3A_270 : vector<16xi32>) : vector<16xi1>, vector<16xi32>
        %not3A_311 = arith.constant dense<true> : vector<16xi1>
        %not3A_312 = arith.xori %unique3A_309, %not3A_311 : vector<16xi1>
        %gather3A_313 = tpu.vector_load_idx %arg7[%and3A_236] : memref<10000xi32, #tpu.memory_space<vmem>>[vector<16xi32>], vector<16xi32>,
        %gather3A_314 = tpu.vector_load_idx %arg8[%and3A_236] : memref<10000xi32, #tpu.memory_space<vmem>>[vector<16xi32>], vector<16xi32>,
        %bitcast3A_315 = vector.bitcast %gather3A_313 : vector<16xi32> to vector<32xbf16>
        %bitcast3A_316 = vector.bitcast %gather3A_271 : vector<16xi32> to vector<32xbf16>
        %max3A_317 = arith.maximumf %bitcast3A_315, %bitcast3A_316 : vector<32xbf16>
        %bitcast3A_318 = vector.bitcast %max3A_317 : vector<32xbf16> to vector<16xi32>
        tpu.vector_store_idx %arg7[%and3A_236], %bitcast3A_318 : memref<10000xi32, #tpu.memory_space<vmem>>[vector<16xi32>], vector<16xi32>,
        %bitcast3A_319 = vector.bitcast %gather3A_314 : vector<16xi32> to vector<32xbf16>
        %bitcast3A_320 = vector.bitcast %gather3A_272 : vector<16xi32> to vector<32xbf16>
        %max3A_321 = arith.maximumf %bitcast3A_319, %bitcast3A_320 : vector<32xbf16>
        %bitcast3A_322 = vector.bitcast %max3A_321 : vector<32xbf16> to vector<16xi32>
        tpu.vector_store_idx %arg8[%and3A_236], %bitcast3A_322 : memref<10000xi32, #tpu.memory_space<vmem>>[vector<16xi32>], vector<16xi32>,
        %mul3A_323 = arith.constant 10 : i32
        %mul3A_324 = arith.muli %scan3A_86, %mul3A_323 : i32
        %add3A_325 = arith.constant 8 : i32
        %add3A_326 = arith.addi %mul3A_324, %add3A_325 : i32
        %mul3A_327 = arith.constant 16 : i32
        %mul3A_328 = arith.muli %add3A_326, %mul3A_327 : i32
        %get3A_329 = arith.constant 1 : i32
        %get3A_330 = arith.index_cast %get3A_329 : i32 to index
        %get3A_331 = arith.index_cast %mul3A_328 : i32 to index
        %get3A_332 = tpu.vector_load %arg9[%get3A_330, %get3A_331] {strides = array<i32>} : memref<2x3200xi32, #tpu.memory_space<vmem>>, vector<16xi32>,
        %shift_right_logical3A_333 = arith.constant 14 : i32
        %shift_right_logical3A_334 = vector.broadcast %shift_right_logical3A_333 : i32 to vector<16xi32>
        %shift_right_logical3A_335 = arith.shrui %get3A_332, %shift_right_logical3A_334 : vector<16xi32>
        %and3A_336 = arith.constant 16383 : i32
        %and3A_337 = vector.broadcast %and3A_336 : i32 to vector<16xi32>
        %and3A_338 = arith.andi %get3A_332, %and3A_337 : vector<16xi32>
        %gather3A_339 = tpu.vector_load_idx %arg5[%shift_right_logical3A_301] : memref<10000xi32, #tpu.memory_space<vmem>>[vector<16xi32>], vector<16xi32>,
        %gather3A_340 = tpu.vector_load_idx %arg6[%shift_right_logical3A_301] : memref<10000xi32, #tpu.memory_space<vmem>>[vector<16xi32>], vector<16xi32>,
        %broadcast_in_dim3A_341 = arith.constant true
        %broadcast_in_dim3A_342 = vector.broadcast %broadcast_in_dim3A_341 : i1 to vector<16xi1>
        %unique3A_343, %unique3A_344 = tpu.scan_count mask(%broadcast_in_dim3A_342 : vector<16xi1>) value(%and3A_304 : vector<16xi32>) : vector<16xi1>, vector<16xi32>
        %not3A_345 = arith.constant dense<true> : vector<16xi1>
        %not3A_346 = arith.xori %unique3A_343, %not3A_345 : vector<16xi1>
        %gather3A_347 = tpu.vector_load_idx %arg7[%and3A_270] : memref<10000xi32, #tpu.memory_space<vmem>>[vector<16xi32>], vector<16xi32>,
        %gather3A_348 = tpu.vector_load_idx %arg8[%and3A_270] : memref<10000xi32, #tpu.memory_space<vmem>>[vector<16xi32>], vector<16xi32>,
        %bitcast3A_349 = vector.bitcast %gather3A_347 : vector<16xi32> to vector<32xbf16>
        %bitcast3A_350 = vector.bitcast %gather3A_305 : vector<16xi32> to vector<32xbf16>
        %max3A_351 = arith.maximumf %bitcast3A_349, %bitcast3A_350 : vector<32xbf16>
        %bitcast3A_352 = vector.bitcast %max3A_351 : vector<32xbf16> to vector<16xi32>
        tpu.vector_store_idx %arg7[%and3A_270], %bitcast3A_352 : memref<10000xi32, #tpu.memory_space<vmem>>[vector<16xi32>], vector<16xi32>,
        %bitcast3A_353 = vector.bitcast %gather3A_348 : vector<16xi32> to vector<32xbf16>
        %bitcast3A_354 = vector.bitcast %gather3A_306 : vector<16xi32> to vector<32xbf16>
        %max3A_355 = arith.maximumf %bitcast3A_353, %bitcast3A_354 : vector<32xbf16>
        %bitcast3A_356 = vector.bitcast %max3A_355 : vector<32xbf16> to vector<16xi32>
        tpu.vector_store_idx %arg8[%and3A_270], %bitcast3A_356 : memref<10000xi32, #tpu.memory_space<vmem>>[vector<16xi32>], vector<16xi32>,
        %mul3A_357 = arith.constant 10 : i32
        %mul3A_358 = arith.muli %scan3A_86, %mul3A_357 : i32
        %add3A_359 = arith.constant 9 : i32
        %add3A_360 = arith.addi %mul3A_358, %add3A_359 : i32
        %mul3A_361 = arith.constant 16 : i32
        %mul3A_362 = arith.muli %add3A_360, %mul3A_361 : i32
        %get3A_363 = arith.constant 1 : i32
        %get3A_364 = arith.index_cast %get3A_363 : i32 to index
        %get3A_365 = arith.index_cast %mul3A_362 : i32 to index
        %get3A_366 = tpu.vector_load %arg9[%get3A_364, %get3A_365] {strides = array<i32>} : memref<2x3200xi32, #tpu.memory_space<vmem>>, vector<16xi32>,
        %shift_right_logical3A_367 = arith.constant 14 : i32
        %shift_right_logical3A_368 = vector.broadcast %shift_right_logical3A_367 : i32 to vector<16xi32>
        %shift_right_logical3A_369 = arith.shrui %get3A_366, %shift_right_logical3A_368 : vector<16xi32>
        %and3A_370 = arith.constant 16383 : i32
        %and3A_371 = vector.broadcast %and3A_370 : i32 to vector<16xi32>
        %and3A_372 = arith.andi %get3A_366, %and3A_371 : vector<16xi32>
        %gather3A_373 = tpu.vector_load_idx %arg5[%shift_right_logical3A_335] : memref<10000xi32, #tpu.memory_space<vmem>>[vector<16xi32>], vector<16xi32>,
        %gather3A_374 = tpu.vector_load_idx %arg6[%shift_right_logical3A_335] : memref<10000xi32, #tpu.memory_space<vmem>>[vector<16xi32>], vector<16xi32>,
        %broadcast_in_dim3A_375 = arith.constant true
        %broadcast_in_dim3A_376 = vector.broadcast %broadcast_in_dim3A_375 : i1 to vector<16xi1>
        %unique3A_377, %unique3A_378 = tpu.scan_count mask(%broadcast_in_dim3A_376 : vector<16xi1>) value(%and3A_338 : vector<16xi32>) : vector<16xi1>, vector<16xi32>
        %not3A_379 = arith.constant dense<true> : vector<16xi1>
        %not3A_380 = arith.xori %unique3A_377, %not3A_379 : vector<16xi1>
        %gather3A_381 = tpu.vector_load_idx %arg7[%and3A_304] : memref<10000xi32, #tpu.memory_space<vmem>>[vector<16xi32>], vector<16xi32>,
        %gather3A_382 = tpu.vector_load_idx %arg8[%and3A_304] : memref<10000xi32, #tpu.memory_space<vmem>>[vector<16xi32>], vector<16xi32>,
        %bitcast3A_383 = vector.bitcast %gather3A_381 : vector<16xi32> to vector<32xbf16>
        %bitcast3A_384 = vector.bitcast %gather3A_339 : vector<16xi32> to vector<32xbf16>
        %max3A_385 = arith.maximumf %bitcast3A_383, %bitcast3A_384 : vector<32xbf16>
        %bitcast3A_386 = vector.bitcast %max3A_385 : vector<32xbf16> to vector<16xi32>
        tpu.vector_store_idx %arg7[%and3A_304], %bitcast3A_386 : memref<10000xi32, #tpu.memory_space<vmem>>[vector<16xi32>], vector<16xi32>,
        %bitcast3A_387 = vector.bitcast %gather3A_382 : vector<16xi32> to vector<32xbf16>
        %bitcast3A_388 = vector.bitcast %gather3A_340 : vector<16xi32> to vector<32xbf16>
        %max3A_389 = arith.maximumf %bitcast3A_387, %bitcast3A_388 : vector<32xbf16>
        %bitcast3A_390 = vector.bitcast %max3A_389 : vector<32xbf16> to vector<16xi32>
        tpu.vector_store_idx %arg8[%and3A_304], %bitcast3A_390 : memref<10000xi32, #tpu.memory_space<vmem>>[vector<16xi32>], vector<16xi32>,
        %gather3A_391 = tpu.vector_load_idx %arg5[%shift_right_logical3A_369] : memref<10000xi32, #tpu.memory_space<vmem>>[vector<16xi32>], vector<16xi32>,
        %gather3A_392 = tpu.vector_load_idx %arg6[%shift_right_logical3A_369] : memref<10000xi32, #tpu.memory_space<vmem>>[vector<16xi32>], vector<16xi32>,
        %broadcast_in_dim3A_393 = arith.constant true
        %broadcast_in_dim3A_394 = vector.broadcast %broadcast_in_dim3A_393 : i1 to vector<16xi1>
        %unique3A_395, %unique3A_396 = tpu.scan_count mask(%broadcast_in_dim3A_394 : vector<16xi1>) value(%and3A_372 : vector<16xi32>) : vector<16xi1>, vector<16xi32>
        %not3A_397 = arith.constant dense<true> : vector<16xi1>
        %not3A_398 = arith.xori %unique3A_395, %not3A_397 : vector<16xi1>
        %gather3A_399 = tpu.vector_load_idx %arg7[%and3A_338] : memref<10000xi32, #tpu.memory_space<vmem>>[vector<16xi32>], vector<16xi32>,
        %gather3A_400 = tpu.vector_load_idx %arg8[%and3A_338] : memref<10000xi32, #tpu.memory_space<vmem>>[vector<16xi32>], vector<16xi32>,
        %bitcast3A_401 = vector.bitcast %gather3A_399 : vector<16xi32> to vector<32xbf16>
        %bitcast3A_402 = vector.bitcast %gather3A_373 : vector<16xi32> to vector<32xbf16>
        %max3A_403 = arith.maximumf %bitcast3A_401, %bitcast3A_402 : vector<32xbf16>
        %bitcast3A_404 = vector.bitcast %max3A_403 : vector<32xbf16> to vector<16xi32>
        tpu.vector_store_idx %arg7[%and3A_338], %bitcast3A_404 : memref<10000xi32, #tpu.memory_space<vmem>>[vector<16xi32>], vector<16xi32>,
        %bitcast3A_405 = vector.bitcast %gather3A_400 : vector<16xi32> to vector<32xbf16>
        %bitcast3A_406 = vector.bitcast %gather3A_374 : vector<16xi32> to vector<32xbf16>
        %max3A_407 = arith.maximumf %bitcast3A_405, %bitcast3A_406 : vector<32xbf16>
        %bitcast3A_408 = vector.bitcast %max3A_407 : vector<32xbf16> to vector<16xi32>
        tpu.vector_store_idx %arg8[%and3A_338], %bitcast3A_408 : memref<10000xi32, #tpu.memory_space<vmem>>[vector<16xi32>], vector<16xi32>,
        %gather3A_409 = tpu.vector_load_idx %arg7[%and3A_372] : memref<10000xi32, #tpu.memory_space<vmem>>[vector<16xi32>], vector<16xi32>,
        %gather3A_410 = tpu.vector_load_idx %arg8[%and3A_372] : memref<10000xi32, #tpu.memory_space<vmem>>[vector<16xi32>], vector<16xi32>,
        %bitcast3A_411 = vector.bitcast %gather3A_409 : vector<16xi32> to vector<32xbf16>
        %bitcast3A_412 = vector.bitcast %gather3A_391 : vector<16xi32> to vector<32xbf16>
        %max3A_413 = arith.maximumf %bitcast3A_411, %bitcast3A_412 : vector<32xbf16>
        %bitcast3A_414 = vector.bitcast %max3A_413 : vector<32xbf16> to vector<16xi32>
        tpu.vector_store_idx %arg7[%and3A_372], %bitcast3A_414 : memref<10000xi32, #tpu.memory_space<vmem>>[vector<16xi32>], vector<16xi32>,
        %bitcast3A_415 = vector.bitcast %gather3A_410 : vector<16xi32> to vector<32xbf16>
        %bitcast3A_416 = vector.bitcast %gather3A_392 : vector<16xi32> to vector<32xbf16>
        %max3A_417 = arith.maximumf %bitcast3A_415, %bitcast3A_416 : vector<32xbf16>
        %bitcast3A_418 = vector.bitcast %max3A_417 : vector<32xbf16> to vector<16xi32>
        tpu.vector_store_idx %arg8[%and3A_372], %bitcast3A_418 : memref<10000xi32, #tpu.memory_space<vmem>>[vector<16xi32>], vector<16xi32>,
        %or3A = arith.ori %not3A_120, %not3A_144 : vector<16xi1>
        %or3A_419 = arith.ori %or3A, %not3A_176 : vector<16xi1>
        %or3A_420 = arith.ori %or3A_419, %not3A_210 : vector<16xi1>
        %or3A_421 = arith.ori %or3A_420, %not3A_244 : vector<16xi1>
        %or3A_422 = arith.ori %or3A_421, %not3A_278 : vector<16xi1>
        %or3A_423 = arith.ori %or3A_422, %not3A_312 : vector<16xi1>
        %or3A_424 = arith.ori %or3A_423, %not3A_346 : vector<16xi1>
        %or3A_425 = arith.ori %or3A_424, %not3A_380 : vector<16xi1>
        %or3A_426 = arith.ori %or3A_425, %not3A_398 : vector<16xi1>
        %all_reduce_population_count3A = tpu.all_reduce %or3A_426 {dim = 0 : i64, kind = #tpu.reduction_kind<sum>} : vector<16xi1> -> vector<16xi32>
        %slice3A = vector.extract_strided_slice %all_reduce_population_count3A {offsets = [0], sizes = [1], strides = [1]} : vector<16xi32> to vector<1xi32>
        %squeeze3A = vector.extract %slice3A[0] : i32 from vector<1xi32>
        %gt3A = arith.constant 0 : i32
        %gt3A_427 = arith.cmpi sgt, %squeeze3A, %gt3A : i32
        %convert_element_type3A_428 = arith.extui %gt3A_427 : i1 to i32
        %cond3A_429 = arith.constant 0 : i32
        %cond3A_430 = arith.cmpi ne, %convert_element_type3A_428, %cond3A_429 : i32
        scf.if %cond3A_430 {
          %broadcast_in_dim3A_431 = arith.constant true
          %broadcast_in_dim3A_432 = vector.broadcast %broadcast_in_dim3A_431 : i1 to vector<16xi1>
          %while3A = scf.while (%while3A_460 = %broadcast_in_dim3A_432) : (vector<16xi1>) -> vector<16xi1> {
            %reduce_or3A = arith.constant 1.000000e+00 : f32
            %reduce_or3A_461 = arith.constant 0.000000e+00 : f32
            %reduce_or3A_462 = vector.broadcast %reduce_or3A : f32 to vector<16xf32>
            %reduce_or3A_463 = vector.broadcast %reduce_or3A_461 : f32 to vector<16xf32>
            %reduce_or3A_464 = arith.select %while3A_460, %reduce_or3A_462, %reduce_or3A_463 : vector<16xi1>, vector<16xf32>
            %reduce_or3A_465 = arith.constant true
            %reduce_or3A_466 = vector.broadcast %reduce_or3A_465 : i1 to vector<16xi1>
            %reduce_or3A_467 = tpu.scan <max>, %reduce_or3A_464 masked %reduce_or3A_466 : vector<16xf32>, vector<16xi1> -> vector<16xf32>
            %reduce_or3A_468 = vector.extract %reduce_or3A_467[15] : f32 from vector<16xf32>
            %reduce_or3A_469 = arith.constant 0.000000e+00 : f32
            %reduce_or3A_470 = arith.cmpf ogt, %reduce_or3A_468, %reduce_or3A_469 : f32
            scf.condition(%reduce_or3A_470) %while3A_460 : vector<16xi1>
          } do {
          ^bb0(%while3A_460: vector<16xi1>):
            %gather3A_461 = tpu.vector_load_idx %arg7[%and3A_99] : memref<10000xi32, #tpu.memory_space<vmem>>[vector<16xi32>], vector<16xi32>,
            %bitcast3A_462 = vector.bitcast %gather3A_461 : vector<16xi32> to vector<32xbf16>
            %bitcast3A_463 = vector.bitcast %gather3A : vector<16xi32> to vector<32xbf16>
            %max3A_464 = arith.maximumf %bitcast3A_462, %bitcast3A_463 : vector<32xbf16>
            %bitcast3A_465 = vector.bitcast %max3A_464 : vector<32xbf16> to vector<16xi32>
            tpu.vector_store_idx %arg7[%and3A_99], %bitcast3A_465 masked %while3A_460 : memref<10000xi32, #tpu.memory_space<vmem>>[vector<16xi32>], vector<16xi32>, vector<16xi1>
            %gather3A_466 = tpu.vector_load_idx %arg8[%and3A_99] : memref<10000xi32, #tpu.memory_space<vmem>>[vector<16xi32>], vector<16xi32>,
            %bitcast3A_467 = vector.bitcast %gather3A_466 : vector<16xi32> to vector<32xbf16>
            %bitcast3A_468 = vector.bitcast %gather3A_116 : vector<16xi32> to vector<32xbf16>
            %max3A_469 = arith.maximumf %bitcast3A_467, %bitcast3A_468 : vector<32xbf16>
            %bitcast3A_470 = vector.bitcast %max3A_469 : vector<32xbf16> to vector<16xi32>
            tpu.vector_store_idx %arg8[%and3A_99], %bitcast3A_470 masked %while3A_460 : memref<10000xi32, #tpu.memory_space<vmem>>[vector<16xi32>], vector<16xi32>, vector<16xi1>
            %broadcast_in_dim3A_471 = arith.constant false
            %broadcast_in_dim3A_472 = vector.broadcast %broadcast_in_dim3A_471 : i1 to vector<16xi1>
            %gather3A_473 = tpu.vector_load_idx %arg7[%and3A_99] : memref<10000xi32, #tpu.memory_space<vmem>>[vector<16xi32>], vector<16xi32>,
            %and3A_474 = arith.constant 65535 : i32
            %and3A_475 = vector.broadcast %and3A_474 : i32 to vector<16xi32>
            %and3A_476 = arith.andi %gather3A_473, %and3A_475 : vector<16xi32>
            %and3A_477 = arith.constant 65535 : i32
            %and3A_478 = vector.broadcast %and3A_477 : i32 to vector<16xi32>
            %and3A_479 = arith.andi %gather3A, %and3A_478 : vector<16xi32>
            %lt3A_480 = arith.cmpi slt, %and3A_476, %and3A_479 : vector<16xi32>
            %or3A_481 = arith.ori %broadcast_in_dim3A_472, %lt3A_480 : vector<16xi1>
            %shift_right_logical3A_482 = arith.constant 16 : i32
            %shift_right_logical3A_483 = vector.broadcast %shift_right_logical3A_482 : i32 to vector<16xi32>
            %shift_right_logical3A_484 = arith.shrui %gather3A_473, %shift_right_logical3A_483 : vector<16xi32>
            %shift_right_logical3A_485 = arith.constant 16 : i32
            %shift_right_logical3A_486 = vector.broadcast %shift_right_logical3A_485 : i32 to vector<16xi32>
            %shift_right_logical3A_487 = arith.shrui %gather3A, %shift_right_logical3A_486 : vector<16xi32>
            %lt3A_488 = arith.cmpi slt, %shift_right_logical3A_484, %shift_right_logical3A_487 : vector<16xi32>
            %or3A_489 = arith.ori %or3A_481, %lt3A_488 : vector<16xi1>
            %gather3A_490 = tpu.vector_load_idx %arg8[%and3A_99] : memref<10000xi32, #tpu.memory_space<vmem>>[vector<16xi32>], vector<16xi32>,
            %and3A_491 = arith.constant 65535 : i32
            %and3A_492 = vector.broadcast %and3A_491 : i32 to vector<16xi32>
            %and3A_493 = arith.andi %gather3A_490, %and3A_492 : vector<16xi32>
            %and3A_494 = arith.constant 65535 : i32
            %and3A_495 = vector.broadcast %and3A_494 : i32 to vector<16xi32>
            %and3A_496 = arith.andi %gather3A_116, %and3A_495 : vector<16xi32>
            %lt3A_497 = arith.cmpi slt, %and3A_493, %and3A_496 : vector<16xi32>
            %or3A_498 = arith.ori %or3A_489, %lt3A_497 : vector<16xi1>
            %shift_right_logical3A_499 = arith.constant 16 : i32
            %shift_right_logical3A_500 = vector.broadcast %shift_right_logical3A_499 : i32 to vector<16xi32>
            %shift_right_logical3A_501 = arith.shrui %gather3A_490, %shift_right_logical3A_500 : vector<16xi32>
            %shift_right_logical3A_502 = arith.constant 16 : i32
            %shift_right_logical3A_503 = vector.broadcast %shift_right_logical3A_502 : i32 to vector<16xi32>
            %shift_right_logical3A_504 = arith.shrui %gather3A_116, %shift_right_logical3A_503 : vector<16xi32>
            %lt3A_505 = arith.cmpi slt, %shift_right_logical3A_501, %shift_right_logical3A_504 : vector<16xi32>
            %or3A_506 = arith.ori %or3A_498, %lt3A_505 : vector<16xi1>
            scf.yield %or3A_506 : vector<16xi1>
          }
          %broadcast_in_dim3A_433 = arith.constant true
          %broadcast_in_dim3A_434 = vector.broadcast %broadcast_in_dim3A_433 : i1 to vector<16xi1>
          %while3A_435 = scf.while (%while3A_460 = %broadcast_in_dim3A_434) : (vector<16xi1>) -> vector<16xi1> {
            %reduce_or3A = arith.constant 1.000000e+00 : f32
            %reduce_or3A_461 = arith.constant 0.000000e+00 : f32
            %reduce_or3A_462 = vector.broadcast %reduce_or3A : f32 to vector<16xf32>
            %reduce_or3A_463 = vector.broadcast %reduce_or3A_461 : f32 to vector<16xf32>
            %reduce_or3A_464 = arith.select %while3A_460, %reduce_or3A_462, %reduce_or3A_463 : vector<16xi1>, vector<16xf32>
            %reduce_or3A_465 = arith.constant true
            %reduce_or3A_466 = vector.broadcast %reduce_or3A_465 : i1 to vector<16xi1>
            %reduce_or3A_467 = tpu.scan <max>, %reduce_or3A_464 masked %reduce_or3A_466 : vector<16xf32>, vector<16xi1> -> vector<16xf32>
            %reduce_or3A_468 = vector.extract %reduce_or3A_467[15] : f32 from vector<16xf32>
            %reduce_or3A_469 = arith.constant 0.000000e+00 : f32
            %reduce_or3A_470 = arith.cmpf ogt, %reduce_or3A_468, %reduce_or3A_469 : f32
            scf.condition(%reduce_or3A_470) %while3A_460 : vector<16xi1>
          } do {
          ^bb0(%while3A_460: vector<16xi1>):
            %gather3A_461 = tpu.vector_load_idx %arg7[%and3A_115] : memref<10000xi32, #tpu.memory_space<vmem>>[vector<16xi32>], vector<16xi32>,
            %bitcast3A_462 = vector.bitcast %gather3A_461 : vector<16xi32> to vector<32xbf16>
            %bitcast3A_463 = vector.bitcast %gather3A_137 : vector<16xi32> to vector<32xbf16>
            %max3A_464 = arith.maximumf %bitcast3A_462, %bitcast3A_463 : vector<32xbf16>
            %bitcast3A_465 = vector.bitcast %max3A_464 : vector<32xbf16> to vector<16xi32>
            tpu.vector_store_idx %arg7[%and3A_115], %bitcast3A_465 masked %while3A_460 : memref<10000xi32, #tpu.memory_space<vmem>>[vector<16xi32>], vector<16xi32>, vector<16xi1>
            %gather3A_466 = tpu.vector_load_idx %arg8[%and3A_115] : memref<10000xi32, #tpu.memory_space<vmem>>[vector<16xi32>], vector<16xi32>,
            %bitcast3A_467 = vector.bitcast %gather3A_466 : vector<16xi32> to vector<32xbf16>
            %bitcast3A_468 = vector.bitcast %gather3A_138 : vector<16xi32> to vector<32xbf16>
            %max3A_469 = arith.maximumf %bitcast3A_467, %bitcast3A_468 : vector<32xbf16>
            %bitcast3A_470 = vector.bitcast %max3A_469 : vector<32xbf16> to vector<16xi32>
            tpu.vector_store_idx %arg8[%and3A_115], %bitcast3A_470 masked %while3A_460 : memref<10000xi32, #tpu.memory_space<vmem>>[vector<16xi32>], vector<16xi32>, vector<16xi1>
            %broadcast_in_dim3A_471 = arith.constant false
            %broadcast_in_dim3A_472 = vector.broadcast %broadcast_in_dim3A_471 : i1 to vector<16xi1>
            %gather3A_473 = tpu.vector_load_idx %arg7[%and3A_115] : memref<10000xi32, #tpu.memory_space<vmem>>[vector<16xi32>], vector<16xi32>,
            %and3A_474 = arith.constant 65535 : i32
            %and3A_475 = vector.broadcast %and3A_474 : i32 to vector<16xi32>
            %and3A_476 = arith.andi %gather3A_473, %and3A_475 : vector<16xi32>
            %and3A_477 = arith.constant 65535 : i32
            %and3A_478 = vector.broadcast %and3A_477 : i32 to vector<16xi32>
            %and3A_479 = arith.andi %gather3A_137, %and3A_478 : vector<16xi32>
            %lt3A_480 = arith.cmpi slt, %and3A_476, %and3A_479 : vector<16xi32>
            %or3A_481 = arith.ori %broadcast_in_dim3A_472, %lt3A_480 : vector<16xi1>
            %shift_right_logical3A_482 = arith.constant 16 : i32
            %shift_right_logical3A_483 = vector.broadcast %shift_right_logical3A_482 : i32 to vector<16xi32>
            %shift_right_logical3A_484 = arith.shrui %gather3A_473, %shift_right_logical3A_483 : vector<16xi32>
            %shift_right_logical3A_485 = arith.constant 16 : i32
            %shift_right_logical3A_486 = vector.broadcast %shift_right_logical3A_485 : i32 to vector<16xi32>
            %shift_right_logical3A_487 = arith.shrui %gather3A_137, %shift_right_logical3A_486 : vector<16xi32>
            %lt3A_488 = arith.cmpi slt, %shift_right_logical3A_484, %shift_right_logical3A_487 : vector<16xi32>
            %or3A_489 = arith.ori %or3A_481, %lt3A_488 : vector<16xi1>
            %gather3A_490 = tpu.vector_load_idx %arg8[%and3A_115] : memref<10000xi32, #tpu.memory_space<vmem>>[vector<16xi32>], vector<16xi32>,
            %and3A_491 = arith.constant 65535 : i32
            %and3A_492 = vector.broadcast %and3A_491 : i32 to vector<16xi32>
            %and3A_493 = arith.andi %gather3A_490, %and3A_492 : vector<16xi32>
            %and3A_494 = arith.constant 65535 : i32
            %and3A_495 = vector.broadcast %and3A_494 : i32 to vector<16xi32>
            %and3A_496 = arith.andi %gather3A_138, %and3A_495 : vector<16xi32>
            %lt3A_497 = arith.cmpi slt, %and3A_493, %and3A_496 : vector<16xi32>
            %or3A_498 = arith.ori %or3A_489, %lt3A_497 : vector<16xi1>
            %shift_right_logical3A_499 = arith.constant 16 : i32
            %shift_right_logical3A_500 = vector.broadcast %shift_right_logical3A_499 : i32 to vector<16xi32>
            %shift_right_logical3A_501 = arith.shrui %gather3A_490, %shift_right_logical3A_500 : vector<16xi32>
            %shift_right_logical3A_502 = arith.constant 16 : i32
            %shift_right_logical3A_503 = vector.broadcast %shift_right_logical3A_502 : i32 to vector<16xi32>
            %shift_right_logical3A_504 = arith.shrui %gather3A_138, %shift_right_logical3A_503 : vector<16xi32>
            %lt3A_505 = arith.cmpi slt, %shift_right_logical3A_501, %shift_right_logical3A_504 : vector<16xi32>
            %or3A_506 = arith.ori %or3A_498, %lt3A_505 : vector<16xi1>
            scf.yield %or3A_506 : vector<16xi1>
          }
          %broadcast_in_dim3A_436 = arith.constant true
          %broadcast_in_dim3A_437 = vector.broadcast %broadcast_in_dim3A_436 : i1 to vector<16xi1>
          %while3A_438 = scf.while (%while3A_460 = %broadcast_in_dim3A_437) : (vector<16xi1>) -> vector<16xi1> {
            %reduce_or3A = arith.constant 1.000000e+00 : f32
            %reduce_or3A_461 = arith.constant 0.000000e+00 : f32
            %reduce_or3A_462 = vector.broadcast %reduce_or3A : f32 to vector<16xf32>
            %reduce_or3A_463 = vector.broadcast %reduce_or3A_461 : f32 to vector<16xf32>
            %reduce_or3A_464 = arith.select %while3A_460, %reduce_or3A_462, %reduce_or3A_463 : vector<16xi1>, vector<16xf32>
            %reduce_or3A_465 = arith.constant true
            %reduce_or3A_466 = vector.broadcast %reduce_or3A_465 : i1 to vector<16xi1>
            %reduce_or3A_467 = tpu.scan <max>, %reduce_or3A_464 masked %reduce_or3A_466 : vector<16xf32>, vector<16xi1> -> vector<16xf32>
            %reduce_or3A_468 = vector.extract %reduce_or3A_467[15] : f32 from vector<16xf32>
            %reduce_or3A_469 = arith.constant 0.000000e+00 : f32
            %reduce_or3A_470 = arith.cmpf ogt, %reduce_or3A_468, %reduce_or3A_469 : f32
            scf.condition(%reduce_or3A_470) %while3A_460 : vector<16xi1>
          } do {
          ^bb0(%while3A_460: vector<16xi1>):
            %gather3A_461 = tpu.vector_load_idx %arg7[%and3A_136] : memref<10000xi32, #tpu.memory_space<vmem>>[vector<16xi32>], vector<16xi32>,
            %bitcast3A_462 = vector.bitcast %gather3A_461 : vector<16xi32> to vector<32xbf16>
            %bitcast3A_463 = vector.bitcast %gather3A_169 : vector<16xi32> to vector<32xbf16>
            %max3A_464 = arith.maximumf %bitcast3A_462, %bitcast3A_463 : vector<32xbf16>
            %bitcast3A_465 = vector.bitcast %max3A_464 : vector<32xbf16> to vector<16xi32>
            tpu.vector_store_idx %arg7[%and3A_136], %bitcast3A_465 masked %while3A_460 : memref<10000xi32, #tpu.memory_space<vmem>>[vector<16xi32>], vector<16xi32>, vector<16xi1>
            %gather3A_466 = tpu.vector_load_idx %arg8[%and3A_136] : memref<10000xi32, #tpu.memory_space<vmem>>[vector<16xi32>], vector<16xi32>,
            %bitcast3A_467 = vector.bitcast %gather3A_466 : vector<16xi32> to vector<32xbf16>
            %bitcast3A_468 = vector.bitcast %gather3A_170 : vector<16xi32> to vector<32xbf16>
            %max3A_469 = arith.maximumf %bitcast3A_467, %bitcast3A_468 : vector<32xbf16>
            %bitcast3A_470 = vector.bitcast %max3A_469 : vector<32xbf16> to vector<16xi32>
            tpu.vector_store_idx %arg8[%and3A_136], %bitcast3A_470 masked %while3A_460 : memref<10000xi32, #tpu.memory_space<vmem>>[vector<16xi32>], vector<16xi32>, vector<16xi1>
            %broadcast_in_dim3A_471 = arith.constant false
            %broadcast_in_dim3A_472 = vector.broadcast %broadcast_in_dim3A_471 : i1 to vector<16xi1>
            %gather3A_473 = tpu.vector_load_idx %arg7[%and3A_136] : memref<10000xi32, #tpu.memory_space<vmem>>[vector<16xi32>], vector<16xi32>,
            %and3A_474 = arith.constant 65535 : i32
            %and3A_475 = vector.broadcast %and3A_474 : i32 to vector<16xi32>
            %and3A_476 = arith.andi %gather3A_473, %and3A_475 : vector<16xi32>
            %and3A_477 = arith.constant 65535 : i32
            %and3A_478 = vector.broadcast %and3A_477 : i32 to vector<16xi32>
            %and3A_479 = arith.andi %gather3A_169, %and3A_478 : vector<16xi32>
            %lt3A_480 = arith.cmpi slt, %and3A_476, %and3A_479 : vector<16xi32>
            %or3A_481 = arith.ori %broadcast_in_dim3A_472, %lt3A_480 : vector<16xi1>
            %shift_right_logical3A_482 = arith.constant 16 : i32
            %shift_right_logical3A_483 = vector.broadcast %shift_right_logical3A_482 : i32 to vector<16xi32>
            %shift_right_logical3A_484 = arith.shrui %gather3A_473, %shift_right_logical3A_483 : vector<16xi32>
            %shift_right_logical3A_485 = arith.constant 16 : i32
            %shift_right_logical3A_486 = vector.broadcast %shift_right_logical3A_485 : i32 to vector<16xi32>
            %shift_right_logical3A_487 = arith.shrui %gather3A_169, %shift_right_logical3A_486 : vector<16xi32>
            %lt3A_488 = arith.cmpi slt, %shift_right_logical3A_484, %shift_right_logical3A_487 : vector<16xi32>
            %or3A_489 = arith.ori %or3A_481, %lt3A_488 : vector<16xi1>
            %gather3A_490 = tpu.vector_load_idx %arg8[%and3A_136] : memref<10000xi32, #tpu.memory_space<vmem>>[vector<16xi32>], vector<16xi32>,
            %and3A_491 = arith.constant 65535 : i32
            %and3A_492 = vector.broadcast %and3A_491 : i32 to vector<16xi32>
            %and3A_493 = arith.andi %gather3A_490, %and3A_492 : vector<16xi32>
            %and3A_494 = arith.constant 65535 : i32
            %and3A_495 = vector.broadcast %and3A_494 : i32 to vector<16xi32>
            %and3A_496 = arith.andi %gather3A_170, %and3A_495 : vector<16xi32>
            %lt3A_497 = arith.cmpi slt, %and3A_493, %and3A_496 : vector<16xi32>
            %or3A_498 = arith.ori %or3A_489, %lt3A_497 : vector<16xi1>
            %shift_right_logical3A_499 = arith.constant 16 : i32
            %shift_right_logical3A_500 = vector.broadcast %shift_right_logical3A_499 : i32 to vector<16xi32>
            %shift_right_logical3A_501 = arith.shrui %gather3A_490, %shift_right_logical3A_500 : vector<16xi32>
            %shift_right_logical3A_502 = arith.constant 16 : i32
            %shift_right_logical3A_503 = vector.broadcast %shift_right_logical3A_502 : i32 to vector<16xi32>
            %shift_right_logical3A_504 = arith.shrui %gather3A_170, %shift_right_logical3A_503 : vector<16xi32>
            %lt3A_505 = arith.cmpi slt, %shift_right_logical3A_501, %shift_right_logical3A_504 : vector<16xi32>
            %or3A_506 = arith.ori %or3A_498, %lt3A_505 : vector<16xi1>
            scf.yield %or3A_506 : vector<16xi1>
          }
          %broadcast_in_dim3A_439 = arith.constant true
          %broadcast_in_dim3A_440 = vector.broadcast %broadcast_in_dim3A_439 : i1 to vector<16xi1>
          %while3A_441 = scf.while (%while3A_460 = %broadcast_in_dim3A_440) : (vector<16xi1>) -> vector<16xi1> {
            %reduce_or3A = arith.constant 1.000000e+00 : f32
            %reduce_or3A_461 = arith.constant 0.000000e+00 : f32
            %reduce_or3A_462 = vector.broadcast %reduce_or3A : f32 to vector<16xf32>
            %reduce_or3A_463 = vector.broadcast %reduce_or3A_461 : f32 to vector<16xf32>
            %reduce_or3A_464 = arith.select %while3A_460, %reduce_or3A_462, %reduce_or3A_463 : vector<16xi1>, vector<16xf32>
            %reduce_or3A_465 = arith.constant true
            %reduce_or3A_466 = vector.broadcast %reduce_or3A_465 : i1 to vector<16xi1>
            %reduce_or3A_467 = tpu.scan <max>, %reduce_or3A_464 masked %reduce_or3A_466 : vector<16xf32>, vector<16xi1> -> vector<16xf32>
            %reduce_or3A_468 = vector.extract %reduce_or3A_467[15] : f32 from vector<16xf32>
            %reduce_or3A_469 = arith.constant 0.000000e+00 : f32
            %reduce_or3A_470 = arith.cmpf ogt, %reduce_or3A_468, %reduce_or3A_469 : f32
            scf.condition(%reduce_or3A_470) %while3A_460 : vector<16xi1>
          } do {
          ^bb0(%while3A_460: vector<16xi1>):
            %gather3A_461 = tpu.vector_load_idx %arg7[%and3A_168] : memref<10000xi32, #tpu.memory_space<vmem>>[vector<16xi32>], vector<16xi32>,
            %bitcast3A_462 = vector.bitcast %gather3A_461 : vector<16xi32> to vector<32xbf16>
            %bitcast3A_463 = vector.bitcast %gather3A_203 : vector<16xi32> to vector<32xbf16>
            %max3A_464 = arith.maximumf %bitcast3A_462, %bitcast3A_463 : vector<32xbf16>
            %bitcast3A_465 = vector.bitcast %max3A_464 : vector<32xbf16> to vector<16xi32>
            tpu.vector_store_idx %arg7[%and3A_168], %bitcast3A_465 masked %while3A_460 : memref<10000xi32, #tpu.memory_space<vmem>>[vector<16xi32>], vector<16xi32>, vector<16xi1>
            %gather3A_466 = tpu.vector_load_idx %arg8[%and3A_168] : memref<10000xi32, #tpu.memory_space<vmem>>[vector<16xi32>], vector<16xi32>,
            %bitcast3A_467 = vector.bitcast %gather3A_466 : vector<16xi32> to vector<32xbf16>
            %bitcast3A_468 = vector.bitcast %gather3A_204 : vector<16xi32> to vector<32xbf16>
            %max3A_469 = arith.maximumf %bitcast3A_467, %bitcast3A_468 : vector<32xbf16>
            %bitcast3A_470 = vector.bitcast %max3A_469 : vector<32xbf16> to vector<16xi32>
            tpu.vector_store_idx %arg8[%and3A_168], %bitcast3A_470 masked %while3A_460 : memref<10000xi32, #tpu.memory_space<vmem>>[vector<16xi32>], vector<16xi32>, vector<16xi1>
            %broadcast_in_dim3A_471 = arith.constant false
            %broadcast_in_dim3A_472 = vector.broadcast %broadcast_in_dim3A_471 : i1 to vector<16xi1>
            %gather3A_473 = tpu.vector_load_idx %arg7[%and3A_168] : memref<10000xi32, #tpu.memory_space<vmem>>[vector<16xi32>], vector<16xi32>,
            %and3A_474 = arith.constant 65535 : i32
            %and3A_475 = vector.broadcast %and3A_474 : i32 to vector<16xi32>
            %and3A_476 = arith.andi %gather3A_473, %and3A_475 : vector<16xi32>
            %and3A_477 = arith.constant 65535 : i32
            %and3A_478 = vector.broadcast %and3A_477 : i32 to vector<16xi32>
            %and3A_479 = arith.andi %gather3A_203, %and3A_478 : vector<16xi32>
            %lt3A_480 = arith.cmpi slt, %and3A_476, %and3A_479 : vector<16xi32>
            %or3A_481 = arith.ori %broadcast_in_dim3A_472, %lt3A_480 : vector<16xi1>
            %shift_right_logical3A_482 = arith.constant 16 : i32
            %shift_right_logical3A_483 = vector.broadcast %shift_right_logical3A_482 : i32 to vector<16xi32>
            %shift_right_logical3A_484 = arith.shrui %gather3A_473, %shift_right_logical3A_483 : vector<16xi32>
            %shift_right_logical3A_485 = arith.constant 16 : i32
            %shift_right_logical3A_486 = vector.broadcast %shift_right_logical3A_485 : i32 to vector<16xi32>
            %shift_right_logical3A_487 = arith.shrui %gather3A_203, %shift_right_logical3A_486 : vector<16xi32>
            %lt3A_488 = arith.cmpi slt, %shift_right_logical3A_484, %shift_right_logical3A_487 : vector<16xi32>
            %or3A_489 = arith.ori %or3A_481, %lt3A_488 : vector<16xi1>
            %gather3A_490 = tpu.vector_load_idx %arg8[%and3A_168] : memref<10000xi32, #tpu.memory_space<vmem>>[vector<16xi32>], vector<16xi32>,
            %and3A_491 = arith.constant 65535 : i32
            %and3A_492 = vector.broadcast %and3A_491 : i32 to vector<16xi32>
            %and3A_493 = arith.andi %gather3A_490, %and3A_492 : vector<16xi32>
            %and3A_494 = arith.constant 65535 : i32
            %and3A_495 = vector.broadcast %and3A_494 : i32 to vector<16xi32>
            %and3A_496 = arith.andi %gather3A_204, %and3A_495 : vector<16xi32>
            %lt3A_497 = arith.cmpi slt, %and3A_493, %and3A_496 : vector<16xi32>
            %or3A_498 = arith.ori %or3A_489, %lt3A_497 : vector<16xi1>
            %shift_right_logical3A_499 = arith.constant 16 : i32
            %shift_right_logical3A_500 = vector.broadcast %shift_right_logical3A_499 : i32 to vector<16xi32>
            %shift_right_logical3A_501 = arith.shrui %gather3A_490, %shift_right_logical3A_500 : vector<16xi32>
            %shift_right_logical3A_502 = arith.constant 16 : i32
            %shift_right_logical3A_503 = vector.broadcast %shift_right_logical3A_502 : i32 to vector<16xi32>
            %shift_right_logical3A_504 = arith.shrui %gather3A_204, %shift_right_logical3A_503 : vector<16xi32>
            %lt3A_505 = arith.cmpi slt, %shift_right_logical3A_501, %shift_right_logical3A_504 : vector<16xi32>
            %or3A_506 = arith.ori %or3A_498, %lt3A_505 : vector<16xi1>
            scf.yield %or3A_506 : vector<16xi1>
          }
          %broadcast_in_dim3A_442 = arith.constant true
          %broadcast_in_dim3A_443 = vector.broadcast %broadcast_in_dim3A_442 : i1 to vector<16xi1>
          %while3A_444 = scf.while (%while3A_460 = %broadcast_in_dim3A_443) : (vector<16xi1>) -> vector<16xi1> {
            %reduce_or3A = arith.constant 1.000000e+00 : f32
            %reduce_or3A_461 = arith.constant 0.000000e+00 : f32
            %reduce_or3A_462 = vector.broadcast %reduce_or3A : f32 to vector<16xf32>
            %reduce_or3A_463 = vector.broadcast %reduce_or3A_461 : f32 to vector<16xf32>
            %reduce_or3A_464 = arith.select %while3A_460, %reduce_or3A_462, %reduce_or3A_463 : vector<16xi1>, vector<16xf32>
            %reduce_or3A_465 = arith.constant true
            %reduce_or3A_466 = vector.broadcast %reduce_or3A_465 : i1 to vector<16xi1>
            %reduce_or3A_467 = tpu.scan <max>, %reduce_or3A_464 masked %reduce_or3A_466 : vector<16xf32>, vector<16xi1> -> vector<16xf32>
            %reduce_or3A_468 = vector.extract %reduce_or3A_467[15] : f32 from vector<16xf32>
            %reduce_or3A_469 = arith.constant 0.000000e+00 : f32
            %reduce_or3A_470 = arith.cmpf ogt, %reduce_or3A_468, %reduce_or3A_469 : f32
            scf.condition(%reduce_or3A_470) %while3A_460 : vector<16xi1>
          } do {
          ^bb0(%while3A_460: vector<16xi1>):
            %gather3A_461 = tpu.vector_load_idx %arg7[%and3A_202] : memref<10000xi32, #tpu.memory_space<vmem>>[vector<16xi32>], vector<16xi32>,
            %bitcast3A_462 = vector.bitcast %gather3A_461 : vector<16xi32> to vector<32xbf16>
            %bitcast3A_463 = vector.bitcast %gather3A_237 : vector<16xi32> to vector<32xbf16>
            %max3A_464 = arith.maximumf %bitcast3A_462, %bitcast3A_463 : vector<32xbf16>
            %bitcast3A_465 = vector.bitcast %max3A_464 : vector<32xbf16> to vector<16xi32>
            tpu.vector_store_idx %arg7[%and3A_202], %bitcast3A_465 masked %while3A_460 : memref<10000xi32, #tpu.memory_space<vmem>>[vector<16xi32>], vector<16xi32>, vector<16xi1>
            %gather3A_466 = tpu.vector_load_idx %arg8[%and3A_202] : memref<10000xi32, #tpu.memory_space<vmem>>[vector<16xi32>], vector<16xi32>,
            %bitcast3A_467 = vector.bitcast %gather3A_466 : vector<16xi32> to vector<32xbf16>
            %bitcast3A_468 = vector.bitcast %gather3A_238 : vector<16xi32> to vector<32xbf16>
            %max3A_469 = arith.maximumf %bitcast3A_467, %bitcast3A_468 : vector<32xbf16>
            %bitcast3A_470 = vector.bitcast %max3A_469 : vector<32xbf16> to vector<16xi32>
            tpu.vector_store_idx %arg8[%and3A_202], %bitcast3A_470 masked %while3A_460 : memref<10000xi32, #tpu.memory_space<vmem>>[vector<16xi32>], vector<16xi32>, vector<16xi1>
            %broadcast_in_dim3A_471 = arith.constant false
            %broadcast_in_dim3A_472 = vector.broadcast %broadcast_in_dim3A_471 : i1 to vector<16xi1>
            %gather3A_473 = tpu.vector_load_idx %arg7[%and3A_202] : memref<10000xi32, #tpu.memory_space<vmem>>[vector<16xi32>], vector<16xi32>,
            %and3A_474 = arith.constant 65535 : i32
            %and3A_475 = vector.broadcast %and3A_474 : i32 to vector<16xi32>
            %and3A_476 = arith.andi %gather3A_473, %and3A_475 : vector<16xi32>
            %and3A_477 = arith.constant 65535 : i32
            %and3A_478 = vector.broadcast %and3A_477 : i32 to vector<16xi32>
            %and3A_479 = arith.andi %gather3A_237, %and3A_478 : vector<16xi32>
            %lt3A_480 = arith.cmpi slt, %and3A_476, %and3A_479 : vector<16xi32>
            %or3A_481 = arith.ori %broadcast_in_dim3A_472, %lt3A_480 : vector<16xi1>
            %shift_right_logical3A_482 = arith.constant 16 : i32
            %shift_right_logical3A_483 = vector.broadcast %shift_right_logical3A_482 : i32 to vector<16xi32>
            %shift_right_logical3A_484 = arith.shrui %gather3A_473, %shift_right_logical3A_483 : vector<16xi32>
            %shift_right_logical3A_485 = arith.constant 16 : i32
            %shift_right_logical3A_486 = vector.broadcast %shift_right_logical3A_485 : i32 to vector<16xi32>
            %shift_right_logical3A_487 = arith.shrui %gather3A_237, %shift_right_logical3A_486 : vector<16xi32>
            %lt3A_488 = arith.cmpi slt, %shift_right_logical3A_484, %shift_right_logical3A_487 : vector<16xi32>
            %or3A_489 = arith.ori %or3A_481, %lt3A_488 : vector<16xi1>
            %gather3A_490 = tpu.vector_load_idx %arg8[%and3A_202] : memref<10000xi32, #tpu.memory_space<vmem>>[vector<16xi32>], vector<16xi32>,
            %and3A_491 = arith.constant 65535 : i32
            %and3A_492 = vector.broadcast %and3A_491 : i32 to vector<16xi32>
            %and3A_493 = arith.andi %gather3A_490, %and3A_492 : vector<16xi32>
            %and3A_494 = arith.constant 65535 : i32
            %and3A_495 = vector.broadcast %and3A_494 : i32 to vector<16xi32>
            %and3A_496 = arith.andi %gather3A_238, %and3A_495 : vector<16xi32>
            %lt3A_497 = arith.cmpi slt, %and3A_493, %and3A_496 : vector<16xi32>
            %or3A_498 = arith.ori %or3A_489, %lt3A_497 : vector<16xi1>
            %shift_right_logical3A_499 = arith.constant 16 : i32
            %shift_right_logical3A_500 = vector.broadcast %shift_right_logical3A_499 : i32 to vector<16xi32>
            %shift_right_logical3A_501 = arith.shrui %gather3A_490, %shift_right_logical3A_500 : vector<16xi32>
            %shift_right_logical3A_502 = arith.constant 16 : i32
            %shift_right_logical3A_503 = vector.broadcast %shift_right_logical3A_502 : i32 to vector<16xi32>
            %shift_right_logical3A_504 = arith.shrui %gather3A_238, %shift_right_logical3A_503 : vector<16xi32>
            %lt3A_505 = arith.cmpi slt, %shift_right_logical3A_501, %shift_right_logical3A_504 : vector<16xi32>
            %or3A_506 = arith.ori %or3A_498, %lt3A_505 : vector<16xi1>
            scf.yield %or3A_506 : vector<16xi1>
          }
          %broadcast_in_dim3A_445 = arith.constant true
          %broadcast_in_dim3A_446 = vector.broadcast %broadcast_in_dim3A_445 : i1 to vector<16xi1>
          %while3A_447 = scf.while (%while3A_460 = %broadcast_in_dim3A_446) : (vector<16xi1>) -> vector<16xi1> {
            %reduce_or3A = arith.constant 1.000000e+00 : f32
            %reduce_or3A_461 = arith.constant 0.000000e+00 : f32
            %reduce_or3A_462 = vector.broadcast %reduce_or3A : f32 to vector<16xf32>
            %reduce_or3A_463 = vector.broadcast %reduce_or3A_461 : f32 to vector<16xf32>
            %reduce_or3A_464 = arith.select %while3A_460, %reduce_or3A_462, %reduce_or3A_463 : vector<16xi1>, vector<16xf32>
            %reduce_or3A_465 = arith.constant true
            %reduce_or3A_466 = vector.broadcast %reduce_or3A_465 : i1 to vector<16xi1>
            %reduce_or3A_467 = tpu.scan <max>, %reduce_or3A_464 masked %reduce_or3A_466 : vector<16xf32>, vector<16xi1> -> vector<16xf32>
            %reduce_or3A_468 = vector.extract %reduce_or3A_467[15] : f32 from vector<16xf32>
            %reduce_or3A_469 = arith.constant 0.000000e+00 : f32
            %reduce_or3A_470 = arith.cmpf ogt, %reduce_or3A_468, %reduce_or3A_469 : f32
            scf.condition(%reduce_or3A_470) %while3A_460 : vector<16xi1>
          } do {
          ^bb0(%while3A_460: vector<16xi1>):
            %gather3A_461 = tpu.vector_load_idx %arg7[%and3A_236] : memref<10000xi32, #tpu.memory_space<vmem>>[vector<16xi32>], vector<16xi32>,
            %bitcast3A_462 = vector.bitcast %gather3A_461 : vector<16xi32> to vector<32xbf16>
            %bitcast3A_463 = vector.bitcast %gather3A_271 : vector<16xi32> to vector<32xbf16>
            %max3A_464 = arith.maximumf %bitcast3A_462, %bitcast3A_463 : vector<32xbf16>
            %bitcast3A_465 = vector.bitcast %max3A_464 : vector<32xbf16> to vector<16xi32>
            tpu.vector_store_idx %arg7[%and3A_236], %bitcast3A_465 masked %while3A_460 : memref<10000xi32, #tpu.memory_space<vmem>>[vector<16xi32>], vector<16xi32>, vector<16xi1>
            %gather3A_466 = tpu.vector_load_idx %arg8[%and3A_236] : memref<10000xi32, #tpu.memory_space<vmem>>[vector<16xi32>], vector<16xi32>,
            %bitcast3A_467 = vector.bitcast %gather3A_466 : vector<16xi32> to vector<32xbf16>
            %bitcast3A_468 = vector.bitcast %gather3A_272 : vector<16xi32> to vector<32xbf16>
            %max3A_469 = arith.maximumf %bitcast3A_467, %bitcast3A_468 : vector<32xbf16>
            %bitcast3A_470 = vector.bitcast %max3A_469 : vector<32xbf16> to vector<16xi32>
            tpu.vector_store_idx %arg8[%and3A_236], %bitcast3A_470 masked %while3A_460 : memref<10000xi32, #tpu.memory_space<vmem>>[vector<16xi32>], vector<16xi32>, vector<16xi1>
            %broadcast_in_dim3A_471 = arith.constant false
            %broadcast_in_dim3A_472 = vector.broadcast %broadcast_in_dim3A_471 : i1 to vector<16xi1>
            %gather3A_473 = tpu.vector_load_idx %arg7[%and3A_236] : memref<10000xi32, #tpu.memory_space<vmem>>[vector<16xi32>], vector<16xi32>,
            %and3A_474 = arith.constant 65535 : i32
            %and3A_475 = vector.broadcast %and3A_474 : i32 to vector<16xi32>
            %and3A_476 = arith.andi %gather3A_473, %and3A_475 : vector<16xi32>
            %and3A_477 = arith.constant 65535 : i32
            %and3A_478 = vector.broadcast %and3A_477 : i32 to vector<16xi32>
            %and3A_479 = arith.andi %gather3A_271, %and3A_478 : vector<16xi32>
            %lt3A_480 = arith.cmpi slt, %and3A_476, %and3A_479 : vector<16xi32>
            %or3A_481 = arith.ori %broadcast_in_dim3A_472, %lt3A_480 : vector<16xi1>
            %shift_right_logical3A_482 = arith.constant 16 : i32
            %shift_right_logical3A_483 = vector.broadcast %shift_right_logical3A_482 : i32 to vector<16xi32>
            %shift_right_logical3A_484 = arith.shrui %gather3A_473, %shift_right_logical3A_483 : vector<16xi32>
            %shift_right_logical3A_485 = arith.constant 16 : i32
            %shift_right_logical3A_486 = vector.broadcast %shift_right_logical3A_485 : i32 to vector<16xi32>
            %shift_right_logical3A_487 = arith.shrui %gather3A_271, %shift_right_logical3A_486 : vector<16xi32>
            %lt3A_488 = arith.cmpi slt, %shift_right_logical3A_484, %shift_right_logical3A_487 : vector<16xi32>
            %or3A_489 = arith.ori %or3A_481, %lt3A_488 : vector<16xi1>
            %gather3A_490 = tpu.vector_load_idx %arg8[%and3A_236] : memref<10000xi32, #tpu.memory_space<vmem>>[vector<16xi32>], vector<16xi32>,
            %and3A_491 = arith.constant 65535 : i32
            %and3A_492 = vector.broadcast %and3A_491 : i32 to vector<16xi32>
            %and3A_493 = arith.andi %gather3A_490, %and3A_492 : vector<16xi32>
            %and3A_494 = arith.constant 65535 : i32
            %and3A_495 = vector.broadcast %and3A_494 : i32 to vector<16xi32>
            %and3A_496 = arith.andi %gather3A_272, %and3A_495 : vector<16xi32>
            %lt3A_497 = arith.cmpi slt, %and3A_493, %and3A_496 : vector<16xi32>
            %or3A_498 = arith.ori %or3A_489, %lt3A_497 : vector<16xi1>
            %shift_right_logical3A_499 = arith.constant 16 : i32
            %shift_right_logical3A_500 = vector.broadcast %shift_right_logical3A_499 : i32 to vector<16xi32>
            %shift_right_logical3A_501 = arith.shrui %gather3A_490, %shift_right_logical3A_500 : vector<16xi32>
            %shift_right_logical3A_502 = arith.constant 16 : i32
            %shift_right_logical3A_503 = vector.broadcast %shift_right_logical3A_502 : i32 to vector<16xi32>
            %shift_right_logical3A_504 = arith.shrui %gather3A_272, %shift_right_logical3A_503 : vector<16xi32>
            %lt3A_505 = arith.cmpi slt, %shift_right_logical3A_501, %shift_right_logical3A_504 : vector<16xi32>
            %or3A_506 = arith.ori %or3A_498, %lt3A_505 : vector<16xi1>
            scf.yield %or3A_506 : vector<16xi1>
          }
          %broadcast_in_dim3A_448 = arith.constant true
          %broadcast_in_dim3A_449 = vector.broadcast %broadcast_in_dim3A_448 : i1 to vector<16xi1>
          %while3A_450 = scf.while (%while3A_460 = %broadcast_in_dim3A_449) : (vector<16xi1>) -> vector<16xi1> {
            %reduce_or3A = arith.constant 1.000000e+00 : f32
            %reduce_or3A_461 = arith.constant 0.000000e+00 : f32
            %reduce_or3A_462 = vector.broadcast %reduce_or3A : f32 to vector<16xf32>
            %reduce_or3A_463 = vector.broadcast %reduce_or3A_461 : f32 to vector<16xf32>
            %reduce_or3A_464 = arith.select %while3A_460, %reduce_or3A_462, %reduce_or3A_463 : vector<16xi1>, vector<16xf32>
            %reduce_or3A_465 = arith.constant true
            %reduce_or3A_466 = vector.broadcast %reduce_or3A_465 : i1 to vector<16xi1>
            %reduce_or3A_467 = tpu.scan <max>, %reduce_or3A_464 masked %reduce_or3A_466 : vector<16xf32>, vector<16xi1> -> vector<16xf32>
            %reduce_or3A_468 = vector.extract %reduce_or3A_467[15] : f32 from vector<16xf32>
            %reduce_or3A_469 = arith.constant 0.000000e+00 : f32
            %reduce_or3A_470 = arith.cmpf ogt, %reduce_or3A_468, %reduce_or3A_469 : f32
            scf.condition(%reduce_or3A_470) %while3A_460 : vector<16xi1>
          } do {
          ^bb0(%while3A_460: vector<16xi1>):
            %gather3A_461 = tpu.vector_load_idx %arg7[%and3A_270] : memref<10000xi32, #tpu.memory_space<vmem>>[vector<16xi32>], vector<16xi32>,
            %bitcast3A_462 = vector.bitcast %gather3A_461 : vector<16xi32> to vector<32xbf16>
            %bitcast3A_463 = vector.bitcast %gather3A_305 : vector<16xi32> to vector<32xbf16>
            %max3A_464 = arith.maximumf %bitcast3A_462, %bitcast3A_463 : vector<32xbf16>
            %bitcast3A_465 = vector.bitcast %max3A_464 : vector<32xbf16> to vector<16xi32>
            tpu.vector_store_idx %arg7[%and3A_270], %bitcast3A_465 masked %while3A_460 : memref<10000xi32, #tpu.memory_space<vmem>>[vector<16xi32>], vector<16xi32>, vector<16xi1>
            %gather3A_466 = tpu.vector_load_idx %arg8[%and3A_270] : memref<10000xi32, #tpu.memory_space<vmem>>[vector<16xi32>], vector<16xi32>,
            %bitcast3A_467 = vector.bitcast %gather3A_466 : vector<16xi32> to vector<32xbf16>
            %bitcast3A_468 = vector.bitcast %gather3A_306 : vector<16xi32> to vector<32xbf16>
            %max3A_469 = arith.maximumf %bitcast3A_467, %bitcast3A_468 : vector<32xbf16>
            %bitcast3A_470 = vector.bitcast %max3A_469 : vector<32xbf16> to vector<16xi32>
            tpu.vector_store_idx %arg8[%and3A_270], %bitcast3A_470 masked %while3A_460 : memref<10000xi32, #tpu.memory_space<vmem>>[vector<16xi32>], vector<16xi32>, vector<16xi1>
            %broadcast_in_dim3A_471 = arith.constant false
            %broadcast_in_dim3A_472 = vector.broadcast %broadcast_in_dim3A_471 : i1 to vector<16xi1>
            %gather3A_473 = tpu.vector_load_idx %arg7[%and3A_270] : memref<10000xi32, #tpu.memory_space<vmem>>[vector<16xi32>], vector<16xi32>,
            %and3A_474 = arith.constant 65535 : i32
            %and3A_475 = vector.broadcast %and3A_474 : i32 to vector<16xi32>
            %and3A_476 = arith.andi %gather3A_473, %and3A_475 : vector<16xi32>
            %and3A_477 = arith.constant 65535 : i32
            %and3A_478 = vector.broadcast %and3A_477 : i32 to vector<16xi32>
            %and3A_479 = arith.andi %gather3A_305, %and3A_478 : vector<16xi32>
            %lt3A_480 = arith.cmpi slt, %and3A_476, %and3A_479 : vector<16xi32>
            %or3A_481 = arith.ori %broadcast_in_dim3A_472, %lt3A_480 : vector<16xi1>
            %shift_right_logical3A_482 = arith.constant 16 : i32
            %shift_right_logical3A_483 = vector.broadcast %shift_right_logical3A_482 : i32 to vector<16xi32>
            %shift_right_logical3A_484 = arith.shrui %gather3A_473, %shift_right_logical3A_483 : vector<16xi32>
            %shift_right_logical3A_485 = arith.constant 16 : i32
            %shift_right_logical3A_486 = vector.broadcast %shift_right_logical3A_485 : i32 to vector<16xi32>
            %shift_right_logical3A_487 = arith.shrui %gather3A_305, %shift_right_logical3A_486 : vector<16xi32>
            %lt3A_488 = arith.cmpi slt, %shift_right_logical3A_484, %shift_right_logical3A_487 : vector<16xi32>
            %or3A_489 = arith.ori %or3A_481, %lt3A_488 : vector<16xi1>
            %gather3A_490 = tpu.vector_load_idx %arg8[%and3A_270] : memref<10000xi32, #tpu.memory_space<vmem>>[vector<16xi32>], vector<16xi32>,
            %and3A_491 = arith.constant 65535 : i32
            %and3A_492 = vector.broadcast %and3A_491 : i32 to vector<16xi32>
            %and3A_493 = arith.andi %gather3A_490, %and3A_492 : vector<16xi32>
            %and3A_494 = arith.constant 65535 : i32
            %and3A_495 = vector.broadcast %and3A_494 : i32 to vector<16xi32>
            %and3A_496 = arith.andi %gather3A_306, %and3A_495 : vector<16xi32>
            %lt3A_497 = arith.cmpi slt, %and3A_493, %and3A_496 : vector<16xi32>
            %or3A_498 = arith.ori %or3A_489, %lt3A_497 : vector<16xi1>
            %shift_right_logical3A_499 = arith.constant 16 : i32
            %shift_right_logical3A_500 = vector.broadcast %shift_right_logical3A_499 : i32 to vector<16xi32>
            %shift_right_logical3A_501 = arith.shrui %gather3A_490, %shift_right_logical3A_500 : vector<16xi32>
            %shift_right_logical3A_502 = arith.constant 16 : i32
            %shift_right_logical3A_503 = vector.broadcast %shift_right_logical3A_502 : i32 to vector<16xi32>
            %shift_right_logical3A_504 = arith.shrui %gather3A_306, %shift_right_logical3A_503 : vector<16xi32>
            %lt3A_505 = arith.cmpi slt, %shift_right_logical3A_501, %shift_right_logical3A_504 : vector<16xi32>
            %or3A_506 = arith.ori %or3A_498, %lt3A_505 : vector<16xi1>
            scf.yield %or3A_506 : vector<16xi1>
          }
          %broadcast_in_dim3A_451 = arith.constant true
          %broadcast_in_dim3A_452 = vector.broadcast %broadcast_in_dim3A_451 : i1 to vector<16xi1>
          %while3A_453 = scf.while (%while3A_460 = %broadcast_in_dim3A_452) : (vector<16xi1>) -> vector<16xi1> {
            %reduce_or3A = arith.constant 1.000000e+00 : f32
            %reduce_or3A_461 = arith.constant 0.000000e+00 : f32
            %reduce_or3A_462 = vector.broadcast %reduce_or3A : f32 to vector<16xf32>
            %reduce_or3A_463 = vector.broadcast %reduce_or3A_461 : f32 to vector<16xf32>
            %reduce_or3A_464 = arith.select %while3A_460, %reduce_or3A_462, %reduce_or3A_463 : vector<16xi1>, vector<16xf32>
            %reduce_or3A_465 = arith.constant true
            %reduce_or3A_466 = vector.broadcast %reduce_or3A_465 : i1 to vector<16xi1>
            %reduce_or3A_467 = tpu.scan <max>, %reduce_or3A_464 masked %reduce_or3A_466 : vector<16xf32>, vector<16xi1> -> vector<16xf32>
            %reduce_or3A_468 = vector.extract %reduce_or3A_467[15] : f32 from vector<16xf32>
            %reduce_or3A_469 = arith.constant 0.000000e+00 : f32
            %reduce_or3A_470 = arith.cmpf ogt, %reduce_or3A_468, %reduce_or3A_469 : f32
            scf.condition(%reduce_or3A_470) %while3A_460 : vector<16xi1>
          } do {
          ^bb0(%while3A_460: vector<16xi1>):
            %gather3A_461 = tpu.vector_load_idx %arg7[%and3A_304] : memref<10000xi32, #tpu.memory_space<vmem>>[vector<16xi32>], vector<16xi32>,
            %bitcast3A_462 = vector.bitcast %gather3A_461 : vector<16xi32> to vector<32xbf16>
            %bitcast3A_463 = vector.bitcast %gather3A_339 : vector<16xi32> to vector<32xbf16>
            %max3A_464 = arith.maximumf %bitcast3A_462, %bitcast3A_463 : vector<32xbf16>
            %bitcast3A_465 = vector.bitcast %max3A_464 : vector<32xbf16> to vector<16xi32>
            tpu.vector_store_idx %arg7[%and3A_304], %bitcast3A_465 masked %while3A_460 : memref<10000xi32, #tpu.memory_space<vmem>>[vector<16xi32>], vector<16xi32>, vector<16xi1>
            %gather3A_466 = tpu.vector_load_idx %arg8[%and3A_304] : memref<10000xi32, #tpu.memory_space<vmem>>[vector<16xi32>], vector<16xi32>,
            %bitcast3A_467 = vector.bitcast %gather3A_466 : vector<16xi32> to vector<32xbf16>
            %bitcast3A_468 = vector.bitcast %gather3A_340 : vector<16xi32> to vector<32xbf16>
            %max3A_469 = arith.maximumf %bitcast3A_467, %bitcast3A_468 : vector<32xbf16>
            %bitcast3A_470 = vector.bitcast %max3A_469 : vector<32xbf16> to vector<16xi32>
            tpu.vector_store_idx %arg8[%and3A_304], %bitcast3A_470 masked %while3A_460 : memref<10000xi32, #tpu.memory_space<vmem>>[vector<16xi32>], vector<16xi32>, vector<16xi1>
            %broadcast_in_dim3A_471 = arith.constant false
            %broadcast_in_dim3A_472 = vector.broadcast %broadcast_in_dim3A_471 : i1 to vector<16xi1>
            %gather3A_473 = tpu.vector_load_idx %arg7[%and3A_304] : memref<10000xi32, #tpu.memory_space<vmem>>[vector<16xi32>], vector<16xi32>,
            %and3A_474 = arith.constant 65535 : i32
            %and3A_475 = vector.broadcast %and3A_474 : i32 to vector<16xi32>
            %and3A_476 = arith.andi %gather3A_473, %and3A_475 : vector<16xi32>
            %and3A_477 = arith.constant 65535 : i32
            %and3A_478 = vector.broadcast %and3A_477 : i32 to vector<16xi32>
            %and3A_479 = arith.andi %gather3A_339, %and3A_478 : vector<16xi32>
            %lt3A_480 = arith.cmpi slt, %and3A_476, %and3A_479 : vector<16xi32>
            %or3A_481 = arith.ori %broadcast_in_dim3A_472, %lt3A_480 : vector<16xi1>
            %shift_right_logical3A_482 = arith.constant 16 : i32
            %shift_right_logical3A_483 = vector.broadcast %shift_right_logical3A_482 : i32 to vector<16xi32>
            %shift_right_logical3A_484 = arith.shrui %gather3A_473, %shift_right_logical3A_483 : vector<16xi32>
            %shift_right_logical3A_485 = arith.constant 16 : i32
            %shift_right_logical3A_486 = vector.broadcast %shift_right_logical3A_485 : i32 to vector<16xi32>
            %shift_right_logical3A_487 = arith.shrui %gather3A_339, %shift_right_logical3A_486 : vector<16xi32>
            %lt3A_488 = arith.cmpi slt, %shift_right_logical3A_484, %shift_right_logical3A_487 : vector<16xi32>
            %or3A_489 = arith.ori %or3A_481, %lt3A_488 : vector<16xi1>
            %gather3A_490 = tpu.vector_load_idx %arg8[%and3A_304] : memref<10000xi32, #tpu.memory_space<vmem>>[vector<16xi32>], vector<16xi32>,
            %and3A_491 = arith.constant 65535 : i32
            %and3A_492 = vector.broadcast %and3A_491 : i32 to vector<16xi32>
            %and3A_493 = arith.andi %gather3A_490, %and3A_492 : vector<16xi32>
            %and3A_494 = arith.constant 65535 : i32
            %and3A_495 = vector.broadcast %and3A_494 : i32 to vector<16xi32>
            %and3A_496 = arith.andi %gather3A_340, %and3A_495 : vector<16xi32>
            %lt3A_497 = arith.cmpi slt, %and3A_493, %and3A_496 : vector<16xi32>
            %or3A_498 = arith.ori %or3A_489, %lt3A_497 : vector<16xi1>
            %shift_right_logical3A_499 = arith.constant 16 : i32
            %shift_right_logical3A_500 = vector.broadcast %shift_right_logical3A_499 : i32 to vector<16xi32>
            %shift_right_logical3A_501 = arith.shrui %gather3A_490, %shift_right_logical3A_500 : vector<16xi32>
            %shift_right_logical3A_502 = arith.constant 16 : i32
            %shift_right_logical3A_503 = vector.broadcast %shift_right_logical3A_502 : i32 to vector<16xi32>
            %shift_right_logical3A_504 = arith.shrui %gather3A_340, %shift_right_logical3A_503 : vector<16xi32>
            %lt3A_505 = arith.cmpi slt, %shift_right_logical3A_501, %shift_right_logical3A_504 : vector<16xi32>
            %or3A_506 = arith.ori %or3A_498, %lt3A_505 : vector<16xi1>
            scf.yield %or3A_506 : vector<16xi1>
          }
          %broadcast_in_dim3A_454 = arith.constant true
          %broadcast_in_dim3A_455 = vector.broadcast %broadcast_in_dim3A_454 : i1 to vector<16xi1>
          %while3A_456 = scf.while (%while3A_460 = %broadcast_in_dim3A_455) : (vector<16xi1>) -> vector<16xi1> {
            %reduce_or3A = arith.constant 1.000000e+00 : f32
            %reduce_or3A_461 = arith.constant 0.000000e+00 : f32
            %reduce_or3A_462 = vector.broadcast %reduce_or3A : f32 to vector<16xf32>
            %reduce_or3A_463 = vector.broadcast %reduce_or3A_461 : f32 to vector<16xf32>
            %reduce_or3A_464 = arith.select %while3A_460, %reduce_or3A_462, %reduce_or3A_463 : vector<16xi1>, vector<16xf32>
            %reduce_or3A_465 = arith.constant true
            %reduce_or3A_466 = vector.broadcast %reduce_or3A_465 : i1 to vector<16xi1>
            %reduce_or3A_467 = tpu.scan <max>, %reduce_or3A_464 masked %reduce_or3A_466 : vector<16xf32>, vector<16xi1> -> vector<16xf32>
            %reduce_or3A_468 = vector.extract %reduce_or3A_467[15] : f32 from vector<16xf32>
            %reduce_or3A_469 = arith.constant 0.000000e+00 : f32
            %reduce_or3A_470 = arith.cmpf ogt, %reduce_or3A_468, %reduce_or3A_469 : f32
            scf.condition(%reduce_or3A_470) %while3A_460 : vector<16xi1>
          } do {
          ^bb0(%while3A_460: vector<16xi1>):
            %gather3A_461 = tpu.vector_load_idx %arg7[%and3A_338] : memref<10000xi32, #tpu.memory_space<vmem>>[vector<16xi32>], vector<16xi32>,
            %bitcast3A_462 = vector.bitcast %gather3A_461 : vector<16xi32> to vector<32xbf16>
            %bitcast3A_463 = vector.bitcast %gather3A_373 : vector<16xi32> to vector<32xbf16>
            %max3A_464 = arith.maximumf %bitcast3A_462, %bitcast3A_463 : vector<32xbf16>
            %bitcast3A_465 = vector.bitcast %max3A_464 : vector<32xbf16> to vector<16xi32>
            tpu.vector_store_idx %arg7[%and3A_338], %bitcast3A_465 masked %while3A_460 : memref<10000xi32, #tpu.memory_space<vmem>>[vector<16xi32>], vector<16xi32>, vector<16xi1>
            %gather3A_466 = tpu.vector_load_idx %arg8[%and3A_338] : memref<10000xi32, #tpu.memory_space<vmem>>[vector<16xi32>], vector<16xi32>,
            %bitcast3A_467 = vector.bitcast %gather3A_466 : vector<16xi32> to vector<32xbf16>
            %bitcast3A_468 = vector.bitcast %gather3A_374 : vector<16xi32> to vector<32xbf16>
            %max3A_469 = arith.maximumf %bitcast3A_467, %bitcast3A_468 : vector<32xbf16>
            %bitcast3A_470 = vector.bitcast %max3A_469 : vector<32xbf16> to vector<16xi32>
            tpu.vector_store_idx %arg8[%and3A_338], %bitcast3A_470 masked %while3A_460 : memref<10000xi32, #tpu.memory_space<vmem>>[vector<16xi32>], vector<16xi32>, vector<16xi1>
            %broadcast_in_dim3A_471 = arith.constant false
            %broadcast_in_dim3A_472 = vector.broadcast %broadcast_in_dim3A_471 : i1 to vector<16xi1>
            %gather3A_473 = tpu.vector_load_idx %arg7[%and3A_338] : memref<10000xi32, #tpu.memory_space<vmem>>[vector<16xi32>], vector<16xi32>,
            %and3A_474 = arith.constant 65535 : i32
            %and3A_475 = vector.broadcast %and3A_474 : i32 to vector<16xi32>
            %and3A_476 = arith.andi %gather3A_473, %and3A_475 : vector<16xi32>
            %and3A_477 = arith.constant 65535 : i32
            %and3A_478 = vector.broadcast %and3A_477 : i32 to vector<16xi32>
            %and3A_479 = arith.andi %gather3A_373, %and3A_478 : vector<16xi32>
            %lt3A_480 = arith.cmpi slt, %and3A_476, %and3A_479 : vector<16xi32>
            %or3A_481 = arith.ori %broadcast_in_dim3A_472, %lt3A_480 : vector<16xi1>
            %shift_right_logical3A_482 = arith.constant 16 : i32
            %shift_right_logical3A_483 = vector.broadcast %shift_right_logical3A_482 : i32 to vector<16xi32>
            %shift_right_logical3A_484 = arith.shrui %gather3A_473, %shift_right_logical3A_483 : vector<16xi32>
            %shift_right_logical3A_485 = arith.constant 16 : i32
            %shift_right_logical3A_486 = vector.broadcast %shift_right_logical3A_485 : i32 to vector<16xi32>
            %shift_right_logical3A_487 = arith.shrui %gather3A_373, %shift_right_logical3A_486 : vector<16xi32>
            %lt3A_488 = arith.cmpi slt, %shift_right_logical3A_484, %shift_right_logical3A_487 : vector<16xi32>
            %or3A_489 = arith.ori %or3A_481, %lt3A_488 : vector<16xi1>
            %gather3A_490 = tpu.vector_load_idx %arg8[%and3A_338] : memref<10000xi32, #tpu.memory_space<vmem>>[vector<16xi32>], vector<16xi32>,
            %and3A_491 = arith.constant 65535 : i32
            %and3A_492 = vector.broadcast %and3A_491 : i32 to vector<16xi32>
            %and3A_493 = arith.andi %gather3A_490, %and3A_492 : vector<16xi32>
            %and3A_494 = arith.constant 65535 : i32
            %and3A_495 = vector.broadcast %and3A_494 : i32 to vector<16xi32>
            %and3A_496 = arith.andi %gather3A_374, %and3A_495 : vector<16xi32>
            %lt3A_497 = arith.cmpi slt, %and3A_493, %and3A_496 : vector<16xi32>
            %or3A_498 = arith.ori %or3A_489, %lt3A_497 : vector<16xi1>
            %shift_right_logical3A_499 = arith.constant 16 : i32
            %shift_right_logical3A_500 = vector.broadcast %shift_right_logical3A_499 : i32 to vector<16xi32>
            %shift_right_logical3A_501 = arith.shrui %gather3A_490, %shift_right_logical3A_500 : vector<16xi32>
            %shift_right_logical3A_502 = arith.constant 16 : i32
            %shift_right_logical3A_503 = vector.broadcast %shift_right_logical3A_502 : i32 to vector<16xi32>
            %shift_right_logical3A_504 = arith.shrui %gather3A_374, %shift_right_logical3A_503 : vector<16xi32>
            %lt3A_505 = arith.cmpi slt, %shift_right_logical3A_501, %shift_right_logical3A_504 : vector<16xi32>
            %or3A_506 = arith.ori %or3A_498, %lt3A_505 : vector<16xi1>
            scf.yield %or3A_506 : vector<16xi1>
          }
          %broadcast_in_dim3A_457 = arith.constant true
          %broadcast_in_dim3A_458 = vector.broadcast %broadcast_in_dim3A_457 : i1 to vector<16xi1>
          %while3A_459 = scf.while (%while3A_460 = %broadcast_in_dim3A_458) : (vector<16xi1>) -> vector<16xi1> {
            %reduce_or3A = arith.constant 1.000000e+00 : f32
            %reduce_or3A_461 = arith.constant 0.000000e+00 : f32
            %reduce_or3A_462 = vector.broadcast %reduce_or3A : f32 to vector<16xf32>
            %reduce_or3A_463 = vector.broadcast %reduce_or3A_461 : f32 to vector<16xf32>
            %reduce_or3A_464 = arith.select %while3A_460, %reduce_or3A_462, %reduce_or3A_463 : vector<16xi1>, vector<16xf32>
            %reduce_or3A_465 = arith.constant true
            %reduce_or3A_466 = vector.broadcast %reduce_or3A_465 : i1 to vector<16xi1>
            %reduce_or3A_467 = tpu.scan <max>, %reduce_or3A_464 masked %reduce_or3A_466 : vector<16xf32>, vector<16xi1> -> vector<16xf32>
            %reduce_or3A_468 = vector.extract %reduce_or3A_467[15] : f32 from vector<16xf32>
            %reduce_or3A_469 = arith.constant 0.000000e+00 : f32
            %reduce_or3A_470 = arith.cmpf ogt, %reduce_or3A_468, %reduce_or3A_469 : f32
            scf.condition(%reduce_or3A_470) %while3A_460 : vector<16xi1>
          } do {
          ^bb0(%while3A_460: vector<16xi1>):
            %gather3A_461 = tpu.vector_load_idx %arg7[%and3A_372] : memref<10000xi32, #tpu.memory_space<vmem>>[vector<16xi32>], vector<16xi32>,
            %bitcast3A_462 = vector.bitcast %gather3A_461 : vector<16xi32> to vector<32xbf16>
            %bitcast3A_463 = vector.bitcast %gather3A_391 : vector<16xi32> to vector<32xbf16>
            %max3A_464 = arith.maximumf %bitcast3A_462, %bitcast3A_463 : vector<32xbf16>
            %bitcast3A_465 = vector.bitcast %max3A_464 : vector<32xbf16> to vector<16xi32>
            tpu.vector_store_idx %arg7[%and3A_372], %bitcast3A_465 masked %while3A_460 : memref<10000xi32, #tpu.memory_space<vmem>>[vector<16xi32>], vector<16xi32>, vector<16xi1>
            %gather3A_466 = tpu.vector_load_idx %arg8[%and3A_372] : memref<10000xi32, #tpu.memory_space<vmem>>[vector<16xi32>], vector<16xi32>,
            %bitcast3A_467 = vector.bitcast %gather3A_466 : vector<16xi32> to vector<32xbf16>
            %bitcast3A_468 = vector.bitcast %gather3A_392 : vector<16xi32> to vector<32xbf16>
            %max3A_469 = arith.maximumf %bitcast3A_467, %bitcast3A_468 : vector<32xbf16>
            %bitcast3A_470 = vector.bitcast %max3A_469 : vector<32xbf16> to vector<16xi32>
            tpu.vector_store_idx %arg8[%and3A_372], %bitcast3A_470 masked %while3A_460 : memref<10000xi32, #tpu.memory_space<vmem>>[vector<16xi32>], vector<16xi32>, vector<16xi1>
            %broadcast_in_dim3A_471 = arith.constant false
            %broadcast_in_dim3A_472 = vector.broadcast %broadcast_in_dim3A_471 : i1 to vector<16xi1>
            %gather3A_473 = tpu.vector_load_idx %arg7[%and3A_372] : memref<10000xi32, #tpu.memory_space<vmem>>[vector<16xi32>], vector<16xi32>,
            %and3A_474 = arith.constant 65535 : i32
            %and3A_475 = vector.broadcast %and3A_474 : i32 to vector<16xi32>
            %and3A_476 = arith.andi %gather3A_473, %and3A_475 : vector<16xi32>
            %and3A_477 = arith.constant 65535 : i32
            %and3A_478 = vector.broadcast %and3A_477 : i32 to vector<16xi32>
            %and3A_479 = arith.andi %gather3A_391, %and3A_478 : vector<16xi32>
            %lt3A_480 = arith.cmpi slt, %and3A_476, %and3A_479 : vector<16xi32>
            %or3A_481 = arith.ori %broadcast_in_dim3A_472, %lt3A_480 : vector<16xi1>
            %shift_right_logical3A_482 = arith.constant 16 : i32
            %shift_right_logical3A_483 = vector.broadcast %shift_right_logical3A_482 : i32 to vector<16xi32>
            %shift_right_logical3A_484 = arith.shrui %gather3A_473, %shift_right_logical3A_483 : vector<16xi32>
            %shift_right_logical3A_485 = arith.constant 16 : i32
            %shift_right_logical3A_486 = vector.broadcast %shift_right_logical3A_485 : i32 to vector<16xi32>
            %shift_right_logical3A_487 = arith.shrui %gather3A_391, %shift_right_logical3A_486 : vector<16xi32>
            %lt3A_488 = arith.cmpi slt, %shift_right_logical3A_484, %shift_right_logical3A_487 : vector<16xi32>
            %or3A_489 = arith.ori %or3A_481, %lt3A_488 : vector<16xi1>
            %gather3A_490 = tpu.vector_load_idx %arg8[%and3A_372] : memref<10000xi32, #tpu.memory_space<vmem>>[vector<16xi32>], vector<16xi32>,
            %and3A_491 = arith.constant 65535 : i32
            %and3A_492 = vector.broadcast %and3A_491 : i32 to vector<16xi32>
            %and3A_493 = arith.andi %gather3A_490, %and3A_492 : vector<16xi32>
            %and3A_494 = arith.constant 65535 : i32
            %and3A_495 = vector.broadcast %and3A_494 : i32 to vector<16xi32>
            %and3A_496 = arith.andi %gather3A_392, %and3A_495 : vector<16xi32>
            %lt3A_497 = arith.cmpi slt, %and3A_493, %and3A_496 : vector<16xi32>
            %or3A_498 = arith.ori %or3A_489, %lt3A_497 : vector<16xi1>
            %shift_right_logical3A_499 = arith.constant 16 : i32
            %shift_right_logical3A_500 = vector.broadcast %shift_right_logical3A_499 : i32 to vector<16xi32>
            %shift_right_logical3A_501 = arith.shrui %gather3A_490, %shift_right_logical3A_500 : vector<16xi32>
            %shift_right_logical3A_502 = arith.constant 16 : i32
            %shift_right_logical3A_503 = vector.broadcast %shift_right_logical3A_502 : i32 to vector<16xi32>
            %shift_right_logical3A_504 = arith.shrui %gather3A_392, %shift_right_logical3A_503 : vector<16xi32>
            %lt3A_505 = arith.cmpi slt, %shift_right_logical3A_501, %shift_right_logical3A_504 : vector<16xi32>
            %or3A_506 = arith.ori %or3A_498, %lt3A_505 : vector<16xi1>
            scf.yield %or3A_506 : vector<16xi1>
          }
        } else {
        }
      }
      %scan3A_85 = arith.constant 20 : i32
    }
    %scan3A_28 = arith.constant 50 : i32
    %add3A_29 = arith.constant 0 : i32
    %add3A_30 = arith.addi %mul3A_2, %add3A_29 : i32
    "tpu.region"() ({
      %run_scoped3A = tpu.sem_alloc : memref<!tpu.dma_semaphore, #tpu.memory_space<semaphore_mem>>
      %dma_start3A_33 = tpu.memref_slice %arg4[%add3A_30] : memref<640000xi32, #tpu.memory_space<hbm>> -> memref<10000xi32, #tpu.memory_space<hbm>>
      %dma_start3A_34 = tpu.memref_slice %arg4[%add3A_30] : memref<640000xi32, #tpu.memory_space<hbm>> -> memref<10000xi32, #tpu.memory_space<hbm>>
      tpu.enqueue_dma source(%arg7 : memref<10000xi32, #tpu.memory_space<vmem>>) target(%dma_start3A_34 : memref<10000xi32, #tpu.memory_space<hbm>>) target_semaphore(%run_scoped3A : memref<!tpu.dma_semaphore, #tpu.memory_space<semaphore_mem>>)
      %dma_wait3A = tpu.memref_slice %arg4[%add3A_30] : memref<640000xi32, #tpu.memory_space<hbm>> -> memref<10000xi32, #tpu.memory_space<hbm>>
      %dma_wait3A_35 = tpu.memref_slice %arg4[%add3A_30] : memref<640000xi32, #tpu.memory_space<hbm>> -> memref<10000xi32, #tpu.memory_space<hbm>>
      tpu.wait_dma2 semaphore(%run_scoped3A : memref<!tpu.dma_semaphore, #tpu.memory_space<semaphore_mem>>) src(%arg7 : memref<10000xi32, #tpu.memory_space<vmem>>) dst(%dma_wait3A_35 : memref<10000xi32, #tpu.memory_space<hbm>>)
      tpu.yield
    }) : () -> ()
    %add3A_31 = arith.constant 10000 : i32
    %add3A_32 = arith.addi %mul3A_2, %add3A_31 : i32
    "tpu.region"() ({
      %run_scoped3A = tpu.sem_alloc : memref<!tpu.dma_semaphore, #tpu.memory_space<semaphore_mem>>
      %dma_start3A_33 = tpu.memref_slice %arg4[%add3A_32] : memref<640000xi32, #tpu.memory_space<hbm>> -> memref<10000xi32, #tpu.memory_space<hbm>>
      %dma_start3A_34 = tpu.memref_slice %arg4[%add3A_32] : memref<640000xi32, #tpu.memory_space<hbm>> -> memref<10000xi32, #tpu.memory_space<hbm>>
      tpu.enqueue_dma source(%arg8 : memref<10000xi32, #tpu.memory_space<vmem>>) target(%dma_start3A_34 : memref<10000xi32, #tpu.memory_space<hbm>>) target_semaphore(%run_scoped3A : memref<!tpu.dma_semaphore, #tpu.memory_space<semaphore_mem>>)
      %dma_wait3A = tpu.memref_slice %arg4[%add3A_32] : memref<640000xi32, #tpu.memory_space<hbm>> -> memref<10000xi32, #tpu.memory_space<hbm>>
      %dma_wait3A_35 = tpu.memref_slice %arg4[%add3A_32] : memref<640000xi32, #tpu.memory_space<hbm>> -> memref<10000xi32, #tpu.memory_space<hbm>>
      tpu.wait_dma2 semaphore(%run_scoped3A : memref<!tpu.dma_semaphore, #tpu.memory_space<semaphore_mem>>) src(%arg8 : memref<10000xi32, #tpu.memory_space<vmem>>) dst(%dma_wait3A_35 : memref<10000xi32, #tpu.memory_space<hbm>>)
      tpu.yield
    }) : () -> ()
    return
  }
}

module attributes {stable_mosaic.version = 14 : i64} {
  func.func @body(%arg0: memref<128x128xf32, #tpu.memory_space<vmem>>, %arg1: memref<128x10000xf32, #tpu.memory_space<vmem>>, %arg2: memref<128x1xf32, #tpu.memory_space<vmem>>, %arg3: memref<64x10000xi32, #tpu.memory_space<vmem>>) attributes {dimension_semantics = [], scalar_prefetch = 0 : i64, scratch_operands = 0 : i64, tpu.core_type = #tpu.core_type<tc>} {
    %get3A = arith.constant 0 : index
    %get3A_0 = arith.constant 0 : index
    %get3A_1 = vector.load %arg0[%get3A, %get3A_0] : memref<128x128xf32, #tpu.memory_space<vmem>>, vector<128x128xf32>
    %get3A_2 = arith.constant 0 : index
    %get3A_3 = arith.constant 0 : index
    %get3A_4 = vector.load %arg1[%get3A_2, %get3A_3] : memref<128x10000xf32, #tpu.memory_space<vmem>>, vector<128x10000xf32>
    %dot_general3A = arith.constant dense<0.000000e+00> : vector<128x10000xf32>
    %dot_general3A_5 = tpu.matmul %get3A_1, %get3A_4, %dot_general3A {dimension_numbers = #tpu.dot_dimension_numbers<[0], [0], [1], [1], [0, 1, 1, 1], [], []>, transpose_lhs_hint = false} : vector<128x128xf32>, vector<128x10000xf32>, vector<128x10000xf32> -> vector<128x10000xf32>
    %get3A_6 = arith.constant 0 : index
    %get3A_7 = arith.constant 0 : index
    %get3A_8 = vector.load %arg2[%get3A_6, %get3A_7] : memref<128x1xf32, #tpu.memory_space<vmem>>, vector<128x1xf32>
    %add3A = vector.broadcast %get3A_8 : vector<128x1xf32> to vector<128x10000xf32>
    %add3A_9 = arith.addf %dot_general3A_5, %add3A : vector<128x10000xf32>
    %max3A = arith.constant 0.000000e+00 : f32
    %max3A_10 = vector.broadcast %max3A : f32 to vector<128x10000xf32>
    %max3A_11 = arith.maximumf %add3A_9, %max3A_10 : vector<128x10000xf32>
    %slice3A = vector.extract_strided_slice %max3A_11 {offsets = [0, 0], sizes = [64, 10000], strides = [1, 1]} : vector<128x10000xf32> to vector<64x10000xf32>
    %convert_element_type3A = arith.truncf %slice3A : vector<64x10000xf32> to vector<64x10000xbf16>
    %bitcast_convert_type3A = tpu.bitcast %convert_element_type3A : vector<64x10000xbf16> -> vector<64x10000xi16>
    %convert_element_type3A_12 = arith.extui %bitcast_convert_type3A : vector<64x10000xi16> to vector<64x10000xi32>
    %slice3A_13 = vector.extract_strided_slice %max3A_11 {offsets = [64, 0], sizes = [64, 10000], strides = [1, 1]} : vector<128x10000xf32> to vector<64x10000xf32>
    %convert_element_type3A_14 = arith.truncf %slice3A_13 : vector<64x10000xf32> to vector<64x10000xbf16>
    %bitcast_convert_type3A_15 = tpu.bitcast %convert_element_type3A_14 : vector<64x10000xbf16> -> vector<64x10000xi16>
    %convert_element_type3A_16 = arith.extui %bitcast_convert_type3A_15 : vector<64x10000xi16> to vector<64x10000xi32>
    %shift_left3A = arith.constant 16 : i32
    %shift_left3A_17 = vector.broadcast %shift_left3A : i32 to vector<64x10000xi32>
    %shift_left3A_18 = arith.shli %convert_element_type3A_16, %shift_left3A_17 : vector<64x10000xi32>
    %or3A = arith.ori %convert_element_type3A_12, %shift_left3A_18 : vector<64x10000xi32>
    %bitcast_convert_type3A_19 = tpu.bitcast %or3A : vector<64x10000xi32> -> vector<64x10000xi32>
    %swap3A = arith.constant 0 : index
    %swap3A_20 = arith.constant 0 : index
    %swap3A_21 = vector.load %arg3[%swap3A, %swap3A_20] : memref<64x10000xi32, #tpu.memory_space<vmem>>, vector<64x10000xi32>
    tpu.vector_store %arg3[%swap3A, %swap3A_20], %bitcast_convert_type3A_19 {strides = array<i32>} : memref<64x10000xi32, #tpu.memory_space<vmem>>, vector<64x10000xi32>,
    return
  }
}

module attributes {stable_mosaic.version = 14 : i64} {
  func.func @body(%arg0: memref<2500x128xi32, #tpu.memory_space<vmem>>, %arg1: memref<2500x128xi32, #tpu.memory_space<vmem>>, %arg2: memref<2500x128xi32, #tpu.memory_space<vmem>>) attributes {dimension_semantics = [], scalar_prefetch = 0 : i64, scratch_operands = 0 : i64, tpu.core_type = #tpu.core_type<tc>} {
    %get3A = arith.constant 0 : index
    %get3A_0 = arith.constant 0 : index
    %get3A_1 = vector.load %arg0[%get3A, %get3A_0] : memref<2500x128xi32, #tpu.memory_space<vmem>>, vector<2500x128xi32>
    %mul3A = arith.constant 16384 : i32
    %mul3A_2 = vector.broadcast %mul3A : i32 to vector<2500x128xi32>
    %mul3A_3 = arith.muli %get3A_1, %mul3A_2 : vector<2500x128xi32>
    %get3A_4 = arith.constant 0 : index
    %get3A_5 = arith.constant 0 : index
    %get3A_6 = vector.load %arg1[%get3A_4, %get3A_5] : memref<2500x128xi32, #tpu.memory_space<vmem>>, vector<2500x128xi32>
    %add3A = arith.addi %mul3A_3, %get3A_6 : vector<2500x128xi32>
    %swap3A = arith.constant 0 : index
    %swap3A_7 = arith.constant 0 : index
    %swap3A_8 = vector.load %arg2[%swap3A, %swap3A_7] : memref<2500x128xi32, #tpu.memory_space<vmem>>, vector<2500x128xi32>
    tpu.vector_store %arg2[%swap3A, %swap3A_7], %add3A {strides = array<i32>} : memref<2500x128xi32, #tpu.memory_space<vmem>>, vector<2500x128xi32>,
    return
  }
}

module attributes {stable_mosaic.version = 14 : i64} {
  func.func @body(%arg0: memref<128x10000xf32, #tpu.memory_space<vmem>>, %arg1: memref<64x10000xi32, #tpu.memory_space<vmem>>, %arg2: memref<128x128xf32, #tpu.memory_space<vmem>>, %arg3: memref<128x128xf32, #tpu.memory_space<vmem>>, %arg4: memref<1x128xf32, #tpu.memory_space<vmem>>, %arg5: memref<10000x128xf32, #tpu.memory_space<vmem>>) attributes {dimension_semantics = [], scalar_prefetch = 0 : i64, scratch_operands = 0 : i64, tpu.core_type = #tpu.core_type<tc>} {
    %get3A = arith.constant 0 : index
    %get3A_0 = arith.constant 0 : index
    %get3A_1 = vector.load %arg1[%get3A, %get3A_0] : memref<64x10000xi32, #tpu.memory_space<vmem>>, vector<64x10000xi32>
    %bitcast_convert_type3A = tpu.bitcast %get3A_1 : vector<64x10000xi32> -> vector<64x10000xi32>
    %and3A = arith.constant 65535 : i32
    %and3A_2 = vector.broadcast %and3A : i32 to vector<64x10000xi32>
    %and3A_3 = arith.andi %bitcast_convert_type3A, %and3A_2 : vector<64x10000xi32>
    %convert_element_type3A = arith.trunci %and3A_3 : vector<64x10000xi32> to vector<64x10000xi16>
    %bitcast_convert_type3A_4 = tpu.bitcast %convert_element_type3A : vector<64x10000xi16> -> vector<64x10000xbf16>
    %shift_right_logical3A = arith.constant 16 : i32
    %shift_right_logical3A_5 = vector.broadcast %shift_right_logical3A : i32 to vector<64x10000xi32>
    %shift_right_logical3A_6 = arith.shrui %bitcast_convert_type3A, %shift_right_logical3A_5 : vector<64x10000xi32>
    %convert_element_type3A_7 = arith.trunci %shift_right_logical3A_6 : vector<64x10000xi32> to vector<64x10000xi16>
    %bitcast_convert_type3A_8 = tpu.bitcast %convert_element_type3A_7 : vector<64x10000xi16> -> vector<64x10000xbf16>
    %convert_element_type3A_9 = arith.extf %bitcast_convert_type3A_4 : vector<64x10000xbf16> to vector<64x10000xf32>
    %convert_element_type3A_10 = arith.extf %bitcast_convert_type3A_8 : vector<64x10000xbf16> to vector<64x10000xf32>
    %concatenate3A = tpu.concatenate %convert_element_type3A_9, %convert_element_type3A_10 in 0 : vector<64x10000xf32>, vector<64x10000xf32> -> vector<128x10000xf32>
    %get3A_11 = arith.constant 0 : index
    %get3A_12 = arith.constant 0 : index
    %get3A_13 = vector.load %arg0[%get3A_11, %get3A_12] : memref<128x10000xf32, #tpu.memory_space<vmem>>, vector<128x10000xf32>
    %get3A_14 = arith.constant 0 : index
    %get3A_15 = arith.constant 0 : index
    %get3A_16 = vector.load %arg2[%get3A_14, %get3A_15] : memref<128x128xf32, #tpu.memory_space<vmem>>, vector<128x128xf32>
    %dot_general3A = arith.constant dense<0.000000e+00> : vector<10000x128xf32>
    %dot_general3A_17 = tpu.matmul %get3A_13, %get3A_16, %dot_general3A {dimension_numbers = #tpu.dot_dimension_numbers<[0], [0], [1], [1], [0, 1, 1, 1], [], []>, transpose_lhs_hint = false} : vector<128x10000xf32>, vector<128x128xf32>, vector<10000x128xf32> -> vector<10000x128xf32>
    %get3A_18 = arith.constant 0 : index
    %get3A_19 = arith.constant 0 : index
    %get3A_20 = vector.load %arg3[%get3A_18, %get3A_19] : memref<128x128xf32, #tpu.memory_space<vmem>>, vector<128x128xf32>
    %dot_general3A_21 = arith.constant dense<0.000000e+00> : vector<10000x128xf32>
    %dot_general3A_22 = tpu.matmul %concatenate3A, %get3A_20, %dot_general3A_21 {dimension_numbers = #tpu.dot_dimension_numbers<[0], [0], [1], [1], [0, 1, 1, 1], [], []>, transpose_lhs_hint = false} : vector<128x10000xf32>, vector<128x128xf32>, vector<10000x128xf32> -> vector<10000x128xf32>
    %add3A = arith.addf %dot_general3A_17, %dot_general3A_22 : vector<10000x128xf32>
    %get3A_23 = arith.constant 0 : index
    %get3A_24 = arith.constant 0 : index
    %get3A_25 = vector.load %arg4[%get3A_23, %get3A_24] : memref<1x128xf32, #tpu.memory_space<vmem>>, vector<1x128xf32>
    %add3A_26 = vector.broadcast %get3A_25 : vector<1x128xf32> to vector<10000x128xf32>
    %add3A_27 = arith.addf %add3A, %add3A_26 : vector<10000x128xf32>
    %swap3A = arith.constant 0 : index
    %swap3A_28 = arith.constant 0 : index
    %swap3A_29 = vector.load %arg5[%swap3A, %swap3A_28] : memref<10000x128xf32, #tpu.memory_space<vmem>>, vector<10000x128xf32>
    tpu.vector_store %arg5[%swap3A, %swap3A_28], %add3A_27 {strides = array<i32>} : memref<10000x128xf32, #tpu.memory_space<vmem>>, vector<10000x128xf32>,
    return
  }
}

</mosaic_0001>

<sc_bundles>
// kernel: kernel.6.cloned.1.call-start
scs
__scs_entry_jumppad:
0x0: {  	(pc) =	sbr.rel $0x88, $3  }
0x1: {  	(tag) =	ssettag $0x0;
	lr =	simm.s32 $0x1  }
0x2: {  	[smem:$0x3F9A] =	sst lr;
	_ =	strace $0xD0000000  }
0x3: {  	_ = 	snop  }
0x4: {  	_ = 	snop  }
0x5: {  	_ = 	snop  }
0x6: {  	_ = 	snop  }
0x7: {  	_ = 	snop  }
__scs_overlays_trampoline_lowered:
0x8: {  	[smem:$0x3FA9] =	sst s0  }
0x9: {  	[smem:$0x3FAA] =	sst s1  }
0xa: {  	[smem:$0x3FAB] =	sst s2  }
0xb: {  	[smem:$0x3FAC] =	sst s3  }
0xc: {  	[smem:$0x3FAD] =	sst s4  }
0xd: {  	[smem:$0x3FAE] =	sst s5  }
0xe: {  	[smem:$0x3FAF] =	sst s6  }
0xf: {  	[smem:$0x3FB0] =	sst s7  }
0x10: {  	[smem:$0x3FB1] =	sst s8  }
0x11: {  	[smem:$0x3FB2] =	sst s9;
	s0 =	simm.s32 @!p0 $0x0  }
0x12: {  	s1 =	sld [smem:$0x3F98];
	s0 =	simm.s32 @p0 $0x1  }
0x13: {  	[smem:$0x3FB3] =	sst s0;
	s0 =	simm.s32 @!p1 $0x0  }
0x14: {  	s2 =	sld [smem:$0x3F97];
	s0 =	simm.s32 @p1 $0x1  }
0x15: {  	[smem:$0x3FB4] =	sst s0;
	s0 =	simm.s32 @!p2 $0x0  }
0x16: {  	s3 =	sld [smem:$0x3FDB];
	s0 =	simm.s32 @p2 $0x1  }
0x17: {  	s4 =	simm.s32 $0x1BF5;
	[smem:$0x3FB6] =	sst s0  }
0x18: {  	s0 =	sld [smem:$0x3F99];
	_ =	swait.ge [sflag:s4], $0x0  }
0x19: {  	s7 =	sld [smem:$0x3F9A]  }
0x1a: {  	s8 =	sadd.s32 $0xFFFFE003, lr  }
0x1b: {  	s9 =	sadd.s32 $0xFFFFFEF7, lr;
	s5 =	simm.s32 $0xFFFFFFFF;
	p2 =	slt.u32 s8, $0xFFFFF086  }
0x1c: {  	p1 =	slt.u32 s9, $0xF7A;
	s5 =	simm.s32 @!p2 $0x0  }
0x1d: {  	s5 =	simm.s32 @p1 $0x1;
	p0 =	seq.s32 s7, s2  }
0x1e: {  	s7 =	smul.u32 @!p0 $0xF7A, s2;
	p2 =	seq.s32 @!p0 s5, $0x0  }
0x1f: {  	s9 =	smul.u32 $0xF7A, s1;
	s8 =	simm.s32 @!p0 $0x1BF5;
	p2 =	por !p2, p0  }
0x20: {  	[sflag:s8] =	ssyncset.s32 @!p0 $0xFFFFF086;
	s6 =	sadd.s32 @!p0 s3, s7;
	s7 =	simm.s32 @!p0 $0x108  }
0x21: {  	s3 =	sadd.s32 s3, s9;
	s6 =	sadd.s32 @!p0 $0x88, s6;
	s7 =	simm.s32 @p2 $0x1082  }
0x22: {  	[simem:s7], [sflag:s8] =	dma.local @!p0 [hbm:s6], $0xF7A  }
0x23: {  	s9 =	sor.u32 $0xD0000000, s2;
	s6 =	simm.s32 $0x108;
	_ =	swait.ge @!p0 [sflag:s8], $0x0  }
0x24: {  	s3 =	sadd.s32 $0x88, s3;
	s6 =	simm.s32 @!p1 $0x1082;
	[sflag:s4] =	ssyncset.s32 $0xFFFFF086  }
0x25: {  	[simem:s6], [sflag:s4] =	dma.local [hbm:s3], $0xF7A  }
0x26: {  	[smem:$0x3F9A] =	sst s1;
	(tag) =	ssettag s2;
	_ =	strace s9  }
0x27: {  	s1 =	sld [smem:$0x3FAA]  }
0x28: {  	s2 =	sld [smem:$0x3FAB]  }
0x29: {  	s4 =	sld [smem:$0x3FAD]  }
0x2a: {  	p0 =	seq.s32 s5, $0x0;
	s5 =	sld [smem:$0x3FAE]  }
0x2b: {  	s6 =	sld [smem:$0x3FAF]  }
0x2c: {  	s7 =	sld [smem:$0x3FB0]  }
0x2d: {  	s3 =	simm.s32 $0x108;
	s8 =	sld [smem:$0x3FB1]  }
0x2e: {  	s3 =	simm.s32 @!p0 $0x1082;
	s9 =	sld [smem:$0x3FB2]  }
0x2f: {  	lr =	sadd.s32 s0, s3;
	s0 =	sld [smem:$0x3FA9]  }
0x30: {  	s3 =	sld [smem:$0x3FAC]  }
0x31: {  	[smem:$0x3FB5] =	sst s10  }
0x32: {  	s10 =	sld [smem:$0x3FB3];
	_ =	sdelay $0x3  }
0x33: {  	p0 =	seq.s32 s10, $0x1;
	s10 =	sld [smem:$0x3FB5];
	_ =	sdelay $0x3  }
0x34: {  	[smem:$0x3FB5] =	sst s10  }
0x35: {  	s10 =	sld [smem:$0x3FB4];
	_ =	sdelay $0x3  }
0x36: {  	p1 =	seq.s32 s10, $0x1;
	s10 =	sld [smem:$0x3FB5];
	_ =	sdelay $0x3  }
0x37: {  	[smem:$0x3FB5] =	sst s10  }
0x38: {  	s10 =	sld [smem:$0x3FB6]  }
0x39: {  	_ = 	snop;
	(pc) =	sbr.ind lr, $3  }
0x3a: {  	_ = 	snop  }
0x3b: {  	_ = 	snop  }
0x3c: {  	p2 =	seq.s32 s10, $0x1;
	s10 =	sld [smem:$0x3FB5]  }
0x3d: {  	_ =	shalt  }
0x3e: {  	_ =	shalt  }
0x3f: {  	_ =	shalt  }
0x40: {  	_ =	shalt  }
0x41: {  	_ =	shalt  }
0x42: {  	_ =	shalt  }
0x43: {  	_ =	shalt  }
0x44: {  	_ =	shalt  }
0x45: {  	_ =	shalt  }
0x46: {  	_ =	shalt  }
0x47: {  	_ =	shalt  }
0x48: {  	_ =	shalt  }
0x49: {  	_ =	shalt  }
0x4a: {  	_ =	shalt  }
0x4b: {  	_ =	shalt  }
0x4c: {  	_ =	shalt  }
0x4d: {  	_ =	shalt  }
0x4e: {  	_ =	shalt  }
0x4f: {  	_ =	shalt  }
0x50: {  	_ =	shalt  }
0x51: {  	_ =	shalt  }
0x52: {  	_ =	shalt  }
0x53: {  	_ =	shalt  }
0x54: {  	_ =	shalt  }
0x55: {  	_ =	shalt  }
0x56: {  	_ =	shalt  }
0x57: {  	_ =	shalt  }
0x58: {  	_ =	shalt  }
0x59: {  	_ =	shalt  }
0x5a: {  	_ =	shalt  }
0x5b: {  	_ =	shalt  }
0x5c: {  	_ =	shalt  }
0x5d: {  	_ =	shalt  }
0x5e: {  	_ =	shalt  }
0x5f: {  	_ =	shalt  }
0x60: {  	_ =	shalt  }
0x61: {  	_ =	shalt  }
0x62: {  	_ =	shalt  }
0x63: {  	_ =	shalt  }
0x64: {  	_ =	shalt  }
0x65: {  	_ =	shalt  }
0x66: {  	_ =	shalt  }
0x67: {  	_ =	shalt  }
0x68: {  	_ =	shalt  }
0x69: {  	_ =	shalt  }
0x6a: {  	_ =	shalt  }
0x6b: {  	_ =	shalt  }
0x6c: {  	_ =	shalt  }
0x6d: {  	_ =	shalt  }
0x6e: {  	_ =	shalt  }
0x6f: {  	_ =	shalt  }
0x70: {  	_ =	shalt  }
0x71: {  	_ =	shalt  }
0x72: {  	_ =	shalt  }
0x73: {  	_ =	shalt  }
0x74: {  	_ =	shalt  }
0x75: {  	_ =	shalt  }
0x76: {  	_ =	shalt  }
0x77: {  	_ =	shalt  }
0x78: {  	_ =	shalt  }
0x79: {  	_ =	shalt  }
0x7a: {  	_ =	shalt  }
0x7b: {  	_ =	shalt  }
0x7c: {  	_ =	shalt  }
0x7d: {  	_ =	shalt  }
0x7e: {  	_ =	shalt  }
0x7f: {  	_ =	shalt  }
0x80: {  	_ =	shalt  }
0x81: {  	_ =	shalt  }
0x82: {  	_ =	shalt  }
0x83: {  	_ =	shalt  }
0x84: {  	_ =	shalt  }
0x85: {  	_ =	shalt  }
0x86: {  	_ =	shalt  }
0x87: {  	_ =	shalt  }
.Lfunc_end0:
.L_simem_size_0:
called_computation_lowered:
.L_overlay_start_0:
0x88: {  	s2 =	sld [smem:$0x3FD9]  }
0x89: {  	s3 =	sld [smem:$0x3FFE];
	_ =	sdelay $0x1  }
0x8a: {  	s1 =	srdreg.scid  }
0x8b: {  	s0 =	sand.u32 $0x1, s1  }
0x8c: {  	s17 =	sshll.u32 s0, $0xA;
	s2 =	sadd.s32 s3, s2  }
0x8d: {  	s2 =	sadd.s32 s2, s17  }
0x8e: {  	[smem:$0x3FC1] =	sst s2  }
0x8f: {  	_ = 	snop  }
0x90: {  	s2 =	sld [smem:$0x3FD0];
	(tm) =	ssettm $0x1  }
0x91: {  	s18 =	sld [smem:$0x3FFB];
	_ =	sdelay $0x3  }
0x92: {  	_ =	strace s18  }
0x93: {  	s3 =	sld [smem:$0x3FFC];
	_ =	sdelay $0x3  }
0x94: {  	_ =	strace s3  }
0x95: {  	s3 =	sld [smem:$0x3FFD];
	_ =	sdelay $0x3  }
0x96: {  	_ =	strace s3  }
0x97: {  	_ =	strace $0x8FFFFFFF  }
0x98: {  	s19 =	sld [smem:$0x3FDB];
	_ =	sdelay $0x1  }
0x99: {  	s4 =	simm.s32 $_scs_section_size  }
0x9a: {  	s5 =	simm.s32 $_size__tile_overlayer_lowered;
	s6 =	simm.s32 $_tile_overlayer_lowered  }
0x9b: {  	s22 =	simm.s32 $0x1BFF;
	s21 =	sshll.u32 s6, $0x1;
	s3 =	sadd.s32 s4, s19  }
0x9c: {  	s7 =	simm.s32 $0x0;
	s20 =	sshll.u32 s5, $0x1;
	s5 =	sadd.s32 s21, s3  }
0x9d: {  	[timem:s7], [sflag:s22] =	dma.local [hbm:s5], s20  }
0x9e: {  	_ =	swait.ge [sflag:s22], s20  }
0x9f: {  	s4 =	ssub.s32 $0x0, s20;
	[sflag:s22] =	ssyncset.done $0x0  }
0xa0: {  	[sflag:s22] =	ssyncadd.s32 s4;
	_ =	sdelay $0x1  }
0xa1: {  	s23 =	simm.s32 $0x1B8B  }
0xa2: {  	_ =	swait.ge [sflag:s23], $0x1  }
0xa3: {  	[sflag:s23] =	ssyncset.done $0x0  }
0xa4: {  	s25 =	simm.s32 $0x1B8E;
	s24 =	sld [smem:$0x3FFE];
	[sflag:s23] =	ssyncadd.s32 $0xFFFFFFFF  }
0xa5: {  	s26 =	simm.s32 $execute0_lowered;
	[smem:$0x3FD2] =	sst s25  }
0xa6: {  	s5 =	sshll.u32 s26, $0x1;
	_ =	strace $0x80000046;
	[dreg:$0x1] =	wrdreg $0xFFFFFFFF  }
0xa7: {  	s28 =	simm.s32 $_size_execute0_lowered;
	s3 =	sadd.s32 s3, s5;
	[dreg:$0x0] =	wrdreg $0x0  }
0xa8: {  	s5 =	sshll.u32 s28, $0x1;
	[dreg:$0x2] =	wrdreg s3  }
0xa9: {  	[dreg:$0x3] =	wrdreg s5  }
0xaa: {  	[dreg:$0x4] =	wrdreg $0xC0  }
0xab: {  	_ =	task [dreg:s7], $0x5FFFF  }
0xac: {  	[dreg:$0x1] =	wrdreg $0xFFFFFFFF  }
0xad: {  	[dreg:$0x0] =	wrdreg $0x60  }
0xae: {  	[dreg:$0x2] =	wrdreg s2  }
0xaf: {  	[dreg:$0x3] =	wrdreg s24  }
0xb0: {  	[dreg:$0x4] =	wrdreg $0x9  }
0xb1: {  	_ =	task.clear_ibuf [dreg:s7], $0x5FFFF;
	_ =	strace $0x90000046  }
0xb2: {  	s29 =	simm.s32 $0x9;
	_ =	strace $0x80000048  }
0xb3: {  	_ =	swait.ge [sflag:s29], $0x1  }
0xb4: {  	[sflag:s29] =	ssyncadd.s32 $0xFFFFFFFF  }
0xb5: {  	_ =	strace $0x90000048  }
0xb6: {  	_ =	sfence  }
0xb7: {  	s30 =	sld [smem:$0x0];
	_ =	sdelay $0x2  }
0xb8: {  	s31 =	sshll.u32 s1, $0xD;
	s1 =	sshrl.u32 s1, $0x2  }
0xb9: {  	s3 =	sand.u32 $0x4000, s31;
	s1 =	sadd.s32 s1, s30  }
0xba: {  	s0 =	sor.u32 s3, s0;
	s1 =	sshll.u32 s1, $0x11  }
0xbb: {  	s0 =	sor.u32 s1, s0  }
0xbc: {  	s0 =	sadd.s32 $0x8F2B, s0  }
0xbd: {  	[sflag:s0] =	ssyncadd.remote.s32 $0x1  }
0xbe: {  	_ =	sfence.sel $0xFFFF  }
0xbf: {  	[dreg:$0x0] =	wrdreg $0xFFFFFFFF;
	(pc) =	sbr.abs _section_cstart, $3  }
0xc0: {  	[dreg:$0x1] =	wrdreg $0xFFFFFFFF  }
0xc1: {  	_ =	task.clear_ibuf [dreg:s7], $0x2FFFF;
	_ =	strace $0x9FFFFFFF  }
0xc2: {  	(tm) =	ssettm $0x7FFFFFFF  }
0xc3: {  	_ =	shalt  }
tec
execute0_lowered:
.L_overlay_start_1:
0x0: {  	(tag) =	ssettag $0x1  }
0x1: {  	s5 =	rddreg [dreg:$0x0]  }
0x2: {  	s4 =	rddreg [dreg:$0x1];
	s1 =	simm.s32 $0x0  }
0x3: {  	[smem:$0x7FF] =	sst s1  }
0x4: {  	s0 =	rddreg [dreg:$0x2];
	v0 =	vimm.f32 $1.000000000e+00;
	_ =	strace $0x80000047  }
0x5: {  	(xrf0) =	vmax.scan.msk.f32 $0xffff, v0;
	_ =	sdelay $0x5  }
0x6: {  	v0, _, _ =	vpop (xrf0)  }
0x7: {  	(v2sf) =	vpush v0, $0xF;
	_ =	sdelay $0x5  }
0x8: {  	s3 =	srdreg.scid;
	s2 =	stileid.u32  }
0x9: {  	s12 =	simm.s32 $0x9C40;
	s13 =	simm.s32 $0xA8C0;
	s14 =	simm.s32 $0x1  }
0xa: {  	s15 =	simm.s32 $0x4E20;
	s3 =	sand.u32 $0x1, s3;
	s6 =	sshll.u32 s2, $0x1  }
0xb: {  	s16 =	simm.s32 $0x7530;
	s17 =	simm.s32 $0x2;
	s6 =	sor.u32 s3, s6  }
0xc: {  	s18 =	simm.s32 $0x0;
	s7 =	ssub.s32 $0x2, s3;
	s6 =	smul.u32 $0x4E20, s6  }
.Ltmp0:
0xd: {  	s10 =	sadd.s32 $0xAE00, s4;
	s8 =	sshrl.u32 s7, $0x1;
	(pc) =	sbr.rel .LBB2_1-.Ltmp0, $4  }
0xe: {  	s3 =	sadd.s32 $0x1000, s4;
	s11 =	ssub.s32 s7, s8;
	s9 =	sshrl.u32 s6, $0x3  }
0xf: {  	s31 =	sadd.s32 $0x4E2, s9;
	s4 =	sadd.s32 s5, s9;
	s7 =	sadd.s32 s10, s9  }
0x10: {  	s9 =	smax.u32 s11, $0x1;
	s11 =	simm.s32 $0x2710;
	s5 =	sadd.s32 s5, s31  }
0x11: {  	v1 =	vimm.f32 $0.0e+00;
	s8 =	sadd.s32 s10, s31;
	s10 =	simm.s32 $0x3;
	v0 =	vimm.s32 $0x0;
	s6 =	spop (v2sf)  }
.LBB2_51:
0x12: {  	[hbm4b:s7+s1] =	stream.linear.scatter [tilespmem:s15], [sflag:$0x3], $0x2710, $0x38;
	[tilespmem:$0xB540] =	vst v63  }
0x13: {  	s18 =	sadd.s32 $0x1, s18;
	_ =	swait.ge [sflag:s10], $0x2710  }
0x14: {  	p0 =	sne.s32 s18, s9;
	[sflag:s10] =	ssyncset.done $0x0  }
.Ltmp1:
0x15: {  	[sflag:s10] =	ssyncadd.s32 $0xFFFFD8F0;
	(pc) =	sbr.rel @!p0 .LBB2_52-.Ltmp1, $4  }
0x16: {  	[hbm4b:s8+s1] =	stream.linear.scatter [tilespmem:s16], [sflag:$0x3], $0x2710, $0x38;
	[tilespmem:$0xB540] =	vst v63  }
0x17: {  	_ =	swait.ge [sflag:s10], $0x2710  }
0x18: {  	[sflag:s10] =	ssyncset.done $0x0  }
0x19: {  	[sflag:s10] =	ssyncadd.s32 $0xFFFFD8F0  }
.LBB2_1:
0x1a: {  	[tilespmem:s1], [sflag:$0x3] =	stream.linear.gather [hbm4b:s4+s1], $0x2710, $0x38;
	[tilespmem:$0xB540] =	vst v63  }
0x1b: {  	_ =	swait.ge [sflag:s10], $0x2710  }
0x1c: {  	[sflag:s10] =	ssyncset.done $0x0  }
0x1d: {  	[sflag:s10] =	ssyncadd.s32 $0xFFFFD8F0  }
0x1e: {  	[tilespmem:s11], [sflag:$0x3] =	stream.linear.gather [hbm4b:s5+s1], $0x2710, $0x38;
	[tilespmem:$0xB540] =	vst v63  }
0x1f: {  	_ =	swait.ge [sflag:s10], $0x2710  }
0x20: {  	[sflag:s10] =	ssyncset.done $0x0  }
0x21: {  	s19 =	simm.s32 $0x40;
	s20 =	simm.s32 $0x0;
	[sflag:s10] =	ssyncadd.s32 $0xFFFFD8F0  }
.LBB2_2:
0x22: {  	p0 =	sne.s32 s19, $0x9C00;
	[tilespmem:s20+$0x4E20] =	vst v0;
	s21 =	smov.u32 s19;
	s19 =	sadd.s32 $0x40, s19  }
.Ltmp2:
0x23: {  	[tilespmem:s20+$0x7530] =	vst v0;
	(pc) =	sbr.rel @p0 .LBB2_2-.Ltmp2, $2  }
0x24: {  	_ =	sdelay $0x2  }
0x25: {  	s20 =	sshra.s32 s21, $0x2  }
.Ltmp3:
0x26: {  	(pc) =	sbr.rel .LBB2_4-.Ltmp3, $4  }
0x27: {  	_ = 	snop  }
0x28: {  	[tilespmem:s20+$0x4E20] =	vst v0  }
0x29: {  	[tilespmem:s20+$0x7530] =	vst v0;
	s19 =	simm.s32 $0x0;
	s20 =	simm.s32 $0x0  }
0x2a: {  	[tilespmem:s12], [sflag:$0x1] =	stream.linear.gather [hbm4b:s3+s19], $0xC80, $0x38;
	[tilespmem:$0xB540] =	vst v63  }
.LBB2_50:
0x2b: {  	s20 =	sadd.s32 $0x1, s20  }
0x2c: {  	p0 =	sne.s32 s20, $0x32  }
.Ltmp4:
0x2d: {  	_ = 	snop;
	(pc) =	sbr.rel @!p0 .LBB2_51-.Ltmp4, $1  }
0x2e: {  	_ =	sdelay $0x3  }
.LBB2_4:
0x2f: {  	s21 =	smul.u32 $0x1900, s20;
	_ =	sdelay $0x1  }
0x30: {  	s22 =	sshrl.u32 s21, $0x3  }
0x31: {  	s22 =	sadd.s32 s3, s22  }
.Ltmp5:
0x32: {  	s22 =	sadd.s32 $0x190, s22;
	(pc) =	sbr.rel .LBB2_5-.Ltmp5, $4  }
0x33: {  	[tilespmem:s13], [sflag:$0x2] =	stream.linear.gather [hbm4b:s22+s19], $0xC80, $0x38;
	[tilespmem:$0xB540] =	vst v63  }
0x34: {  	_ =	swait.ge [sflag:s14], $0xC80  }
0x35: {  	[sflag:s14] =	ssyncset.done $0x0  }
0x36: {  	s22 =	simm.s32 $0x0;
	[sflag:s14] =	ssyncadd.s32 $0xFFFFF380  }
.LBB2_26:
0x37: {  	s22 =	sadd.s32 $0x1, s22  }
0x38: {  	p0 =	sne.s32 s22, $0x14  }
.Ltmp6:
0x39: {  	_ = 	snop;
	(pc) =	sbr.rel @!p0 .LBB2_27-.Ltmp6, $1  }
0x3a: {  	_ =	sdelay $0x3  }
.LBB2_5:
0x3b: {  	s23 =	smul.u32 $0x280, s22;
	_ =	sdelay $0x1  }
0x3c: {  	s23 =	sshra.s32 s23, $0x2  }
0x3d: {  	v2 =	vld [tilespmem:s23+$0x9C40];
	_ =	sdelay $0x4  }
0x3e: {  	v3 =	vshrl.u32 v2, $0xE  }
0x3f: {  	v4 =	vld [tilespmem:s23+$0x9C50]  }
0x40: {  	v29 =	vand.u32 $0x3FFF, v2;
	_ =	sdelay $0x2  }
0x41: {  	v30 =	vld.idx.msk [tilespmem:v3+s1+$0x0], $0xffff  }
0x42: {  	v2 =	vshrl.u32 v4, $0xE;
	v31 =	vld.idx.msk [tilespmem:v3+s11+$0x0], $0xffff  }
0x43: {  	v3 =	vld.idx.msk [tilespmem:v29+s15+$0x0], $0xffff  }
0x44: {  	v5 =	vld.idx.msk [tilespmem:v29+s16+$0x0], $0xffff;
	_ =	sdelay $0x1  }
0x45: {  	v6 =	vld [tilespmem:s23+$0x9C60];
	v26 =	vand.u32 $0x3FFF, v4  }
0x46: {  	v27 =	vld.idx.msk [tilespmem:v2+s1+$0x0], $0xffff  }
0x47: {  	v28 =	vld.idx.msk [tilespmem:v2+s11+$0x0], $0xffff;
	v2 =	vmax.bf16 v3, v30  }
0x48: {  	[tilespmem:v29+s15+$0x0] =	vst.idx.msk $0xffff, v2;
	v2 =	vmax.bf16 v5, v31  }
0x49: {  	[tilespmem:v29+s16+$0x0] =	vst.idx.msk $0xffff, v2  }
0x4a: {  	v3 =	vshrl.u32 v6, $0xE;
	v2 =	vld.idx.msk [tilespmem:v26+s15+$0x0], $0xffff  }
0x4b: {  	v4 =	vld.idx.msk [tilespmem:v26+s16+$0x0], $0xffff;
	_ =	sdelay $0x1  }
0x4c: {  	v23 =	vand.u32 $0x3FFF, v6;
	v5 =	vld [tilespmem:s23+$0x9C70];
	_ =	sdelay $0x1  }
0x4d: {  	v24 =	vld.idx.msk [tilespmem:v3+s1+$0x0], $0xffff;
	v2 =	vmax.bf16 v2, v27  }
0x4e: {  	v25 =	vld.idx.msk [tilespmem:v3+s11+$0x0], $0xffff;
	[tilespmem:v26+s15+$0x0] =	vst.idx.msk $0xffff, v2;
	v2 =	vmax.bf16 v4, v28  }
0x4f: {  	[tilespmem:v26+s16+$0x0] =	vst.idx.msk $0xffff, v2  }
0x50: {  	v3 =	vshrl.u32 v5, $0xE;
	v2 =	vld.idx.msk [tilespmem:v23+s15+$0x0], $0xffff  }
0x51: {  	v4 =	vld.idx.msk [tilespmem:v23+s16+$0x0], $0xffff;
	_ =	sdelay $0x1  }
0x52: {  	v20 =	vand.u32 $0x3FFF, v5;
	v6 =	vld [tilespmem:s23+$0x9C80];
	_ =	sdelay $0x1  }
0x53: {  	v21 =	vld.idx.msk [tilespmem:v3+s1+$0x0], $0xffff;
	v2 =	vmax.bf16 v2, v24  }
0x54: {  	v22 =	vld.idx.msk [tilespmem:v3+s11+$0x0], $0xffff;
	[tilespmem:v23+s15+$0x0] =	vst.idx.msk $0xffff, v2;
	v2 =	vmax.bf16 v4, v25  }
0x55: {  	[tilespmem:v23+s16+$0x0] =	vst.idx.msk $0xffff, v2  }
0x56: {  	v3 =	vshrl.u32 v6, $0xE;
	v2 =	vld.idx.msk [tilespmem:v20+s15+$0x0], $0xffff  }
0x57: {  	v4 =	vld.idx.msk [tilespmem:v20+s16+$0x0], $0xffff;
	_ =	sdelay $0x1  }
0x58: {  	v17 =	vand.u32 $0x3FFF, v6;
	v5 =	vld [tilespmem:s23+$0x9C90];
	_ =	sdelay $0x1  }
0x59: {  	v18 =	vld.idx.msk [tilespmem:v3+s1+$0x0], $0xffff;
	v2 =	vmax.bf16 v2, v21  }
0x5a: {  	v19 =	vld.idx.msk [tilespmem:v3+s11+$0x0], $0xffff;
	[tilespmem:v20+s15+$0x0] =	vst.idx.msk $0xffff, v2;
	v2 =	vmax.bf16 v4, v22  }
0x5b: {  	[tilespmem:v20+s16+$0x0] =	vst.idx.msk $0xffff, v2  }
0x5c: {  	v3 =	vshrl.u32 v5, $0xE;
	v2 =	vld.idx.msk [tilespmem:v17+s15+$0x0], $0xffff  }
0x5d: {  	v4 =	vld.idx.msk [tilespmem:v17+s16+$0x0], $0xffff;
	_ =	sdelay $0x1  }
0x5e: {  	v14 =	vand.u32 $0x3FFF, v5;
	v6 =	vld [tilespmem:s23+$0x9CA0];
	_ =	sdelay $0x1  }
0x5f: {  	v15 =	vld.idx.msk [tilespmem:v3+s1+$0x0], $0xffff;
	v2 =	vmax.bf16 v2, v18  }
0x60: {  	v16 =	vld.idx.msk [tilespmem:v3+s11+$0x0], $0xffff;
	[tilespmem:v17+s15+$0x0] =	vst.idx.msk $0xffff, v2;
	v2 =	vmax.bf16 v4, v19  }
0x61: {  	[tilespmem:v17+s16+$0x0] =	vst.idx.msk $0xffff, v2  }
0x62: {  	v3 =	vshrl.u32 v6, $0xE;
	v2 =	vld.idx.msk [tilespmem:v14+s15+$0x0], $0xffff  }
0x63: {  	v4 =	vld.idx.msk [tilespmem:v14+s16+$0x0], $0xffff;
	_ =	sdelay $0x1  }
0x64: {  	v11 =	vand.u32 $0x3FFF, v6;
	v5 =	vld [tilespmem:s23+$0x9CB0];
	_ =	sdelay $0x1  }
0x65: {  	v12 =	vld.idx.msk [tilespmem:v3+s1+$0x0], $0xffff;
	v2 =	vmax.bf16 v2, v15  }
0x66: {  	v13 =	vld.idx.msk [tilespmem:v3+s11+$0x0], $0xffff;
	[tilespmem:v14+s15+$0x0] =	vst.idx.msk $0xffff, v2;
	v2 =	vmax.bf16 v4, v16  }
0x67: {  	[tilespmem:v14+s16+$0x0] =	vst.idx.msk $0xffff, v2  }
0x68: {  	v3 =	vshrl.u32 v5, $0xE;
	v2 =	vld.idx.msk [tilespmem:v11+s15+$0x0], $0xffff  }
0x69: {  	v4 =	vld.idx.msk [tilespmem:v11+s16+$0x0], $0xffff;
	_ =	sdelay $0x2  }
0x6a: {  	v8 =	vld [tilespmem:s23+$0x9CC0]  }
0x6b: {  	(xrf1) =	vunique.msk.u32 $0xffff, v29;
	v6 =	vld.idx.msk [tilespmem:v3+s1+$0x0], $0xffff;
	v2 =	vmax.bf16 v2, v12  }
0x6c: {  	(xrf1) =	vunique.msk.u32 $0xffff, v26;
	v7 =	vld.idx.msk [tilespmem:v3+s11+$0x0], $0xffff;
	[tilespmem:v11+s15+$0x0] =	vst.idx.msk $0xffff, v2;
	v2 =	vmax.bf16 v4, v13  }
0x6d: {  	(xrf1) =	vunique.msk.u32 $0xffff, v23;
	[tilespmem:v11+s16+$0x0] =	vst.idx.msk $0xffff, v2  }
0x6e: {  	(xrf1) =	vunique.msk.u32 $0xffff, v20;
	v4 =	vld [tilespmem:s23+$0x9CD0]  }
0x6f: {  	(xrf1) =	vunique.msk.u32 $0xffff, v17  }
0x70: {  	(xrf1) =	vunique.msk.u32 $0xffff, v14  }
0x71: {  	(xrf1) =	vunique.msk.u32 $0xffff, v11;
	v10 =	vand.u32 $0x3FFF, v5  }
0x72: {  	(xrf1) =	vunique.msk.u32 $0xffff, v10;
	v3 =	vand.u32 $0x3FFF, v8  }
0x73: {  	(xrf1) =	vunique.msk.u32 $0xffff, v3;
	v2 =	vand.u32 $0x3FFF, v4  }
0x74: {  	(xrf1) =	vunique.msk.u32 $0xffff, v2;
	_ =	sdelay $0x4  }
0x75: {  	_, v5, vm0 =	vpop (xrf1)  }
0x76: {  	_, v5, vm1 =	vpop (xrf1)  }
0x77: {  	_, v5, vm2 =	vpop (xrf1);
	vm0 =	vmand vm0, vm1  }
0x78: {  	_, v5, vm9 =	vpop (xrf1);
	vm0 =	vmand vm0, vm2  }
0x79: {  	_, v5, vm10 =	vpop (xrf1);
	vm0 =	vmand vm0, vm9  }
0x7a: {  	_, v5, vm11 =	vpop (xrf1);
	vm0 =	vmand vm0, vm10  }
0x7b: {  	vm0 =	vmand vm0, vm11;
	_, v5, vm12 =	vpop (xrf1)  }
0x7c: {  	vm0 =	vmand vm0, vm12;
	_, v5, vm13 =	vpop (xrf1)  }
0x7d: {  	vm0 =	vmand vm0, vm13;
	_, v5, vm14 =	vpop (xrf1)  }
0x7e: {  	vm0 =	vmand vm0, vm14;
	_, v5, vm15 =	vpop (xrf1)  }
0x7f: {  	vm0 =	vmand vm0, vm15  }
0x80: {  	vm0 =	vmneg vm0  }
0x81: {  	v5 =	vshrl.u32 v8, $0xE;
	v8 =	vmpcnt.ones.xlane vm0;
	_ =	sdelay $0x1  }
0x82: {  	(v2sf) =	vpush v8, $0x0  }
0x83: {  	v32 =	vld.idx.msk [tilespmem:v10+s15+$0x0], $0xffff  }
0x84: {  	v33 =	vld.idx.msk [tilespmem:v10+s16+$0x0], $0xffff;
	_ =	sdelay $0x2  }
0x85: {  	v8 =	vld.idx.msk [tilespmem:v5+s1+$0x0], $0xffff  }
0x86: {  	v9 =	vld.idx.msk [tilespmem:v5+s11+$0x0], $0xffff;
	v5 =	vmax.bf16 v32, v6  }
0x87: {  	[tilespmem:v10+s15+$0x0] =	vst.idx.msk $0xffff, v5;
	v5 =	vmax.bf16 v33, v7  }
0x88: {  	[tilespmem:v10+s16+$0x0] =	vst.idx.msk $0xffff, v5  }
0x89: {  	v58 =	vshrl.u32 v4, $0xE;
	v59 =	vld.idx.msk [tilespmem:v3+s15+$0x0], $0xffff  }
0x8a: {  	v34 =	vld.idx.msk [tilespmem:v3+s16+$0x0], $0xffff;
	_ =	sdelay $0x3  }
0x8b: {  	v4 =	vld.idx.msk [tilespmem:v58+s1+$0x0], $0xffff;
	v60 =	vmax.bf16 v59, v8  }
0x8c: {  	v5 =	vld.idx.msk [tilespmem:v58+s11+$0x0], $0xffff;
	v61 =	vmax.bf16 v34, v9;
	[tilespmem:v3+s15+$0x0] =	vst.idx.msk $0xffff, v60;
	s31 =	spop (v2sf)  }
0x8d: {  	[tilespmem:v3+s16+$0x0] =	vst.idx.msk $0xffff, v61;
	p0 =	slt.s32 s31, $0x1  }
0x8e: {  	v32 =	vld.idx.msk [tilespmem:v2+s15+$0x0], $0xffff;
	p1 =	sgt.f32 @!p0 s6, $0.0e+00  }
0x8f: {  	v62 =	vld.idx.msk [tilespmem:v2+s16+$0x0], $0xffff  }
0x90: {  	p0 =	por p0, !p1  }
.Ltmp7:
0x91: {  	_ = 	snop;
	(pc) =	sbr.rel @p0 .LBB2_26-.Ltmp7, $4  }
0x92: {  	_ = 	snop  }
0x93: {  	v32 =	vmax.bf16 v32, v4  }
0x94: {  	v63 =	vmax.bf16 v62, v5;
	[tilespmem:v2+s15+$0x0] =	vst.idx.msk $0xffff, v32  }
0x95: {  	[tilespmem:v2+s16+$0x0] =	vst.idx.msk $0xffff, v63  }
0x96: {  	v32 =	vand.u32 $0xFFFF, v30;
	v33 =	vshrl.u32 v30, $0x10  }
0x97: {  	v34 =	vand.u32 $0xFFFF, v31;
	v35 =	vshrl.u32 v31, $0x10;
	vm0 =	vmmov $0xffff  }
.LBB2_7:
0x98: {  	v36 =	vld.idx.msk [tilespmem:v29+s15+$0x0], $0xffff;
	_ =	sdelay $0x4  }
0x99: {  	v36 =	vmax.bf16 v36, v30  }
0x9a: {  	[tilespmem:v29+s15+$0x0] =	vst.idx.msk vm0, v36  }
0x9b: {  	v36 =	vld.idx.msk [tilespmem:v29+s16+$0x0], $0xffff;
	_ =	sdelay $0x4  }
0x9c: {  	v36 =	vmax.bf16 v36, v31  }
0x9d: {  	[tilespmem:v29+s16+$0x0] =	vst.idx.msk vm0, v36  }
0x9e: {  	v36 =	vld.idx.msk [tilespmem:v29+s15+$0x0], $0xffff  }
0x9f: {  	v37 =	vld.idx.msk [tilespmem:v29+s16+$0x0], $0xffff;
	_ =	sdelay $0x3  }
0xa0: {  	v38 =	vand.u32 $0xFFFF, v36;
	v36 =	vshrl.u32 v36, $0x10  }
0xa1: {  	v61 =	vand.u32 $0xFFFF, v37;
	vm0 =	vlt.u32 v38, v32;
	vm1 =	vlt.u32 v36, v33  }
0xa2: {  	v62 =	vshrl.u32 v37, $0x10;
	vm0 =	vmor vm0, vm1;
	vm1 =	vlt.u32 v61, v34  }
0xa3: {  	vm0 =	vmor vm0, vm1;
	vm1 =	vlt.u32 v62, v35  }
0xa4: {  	vm0 =	vmor vm1, vm0  }
0xa5: {  	v63 =	vsel vm0, $0x3F800000, v1  }
0xa6: {  	(xrf0) =	vmax.scan.msk.f32 $0xffff, v63;
	_ =	sdelay $0x5  }
0xa7: {  	v36, _, _ =	vpop (xrf0)  }
0xa8: {  	(v2sf) =	vpush v36, $0xF;
	_ =	sdelay $0xe  }
0xa9: {  	s23 =	spop (v2sf)  }
0xaa: {  	p0 =	sgt.f32 s23, $0.0e+00  }
.Ltmp8:
0xab: {  	_ = 	snop;
	(pc) =	sbr.rel @p0 .LBB2_7-.Ltmp8, $1  }
0xac: {  	_ =	sdelay $0x3  }
0xad: {  	v29 =	vand.u32 $0xFFFF, v27;
	v30 =	vshrl.u32 v27, $0x10  }
0xae: {  	v31 =	vand.u32 $0xFFFF, v28;
	v32 =	vshrl.u32 v28, $0x10;
	vm0 =	vmmov $0xffff  }
.LBB2_9:
0xaf: {  	v33 =	vld.idx.msk [tilespmem:v26+s15+$0x0], $0xffff;
	_ =	sdelay $0x4  }
0xb0: {  	v33 =	vmax.bf16 v33, v27  }
0xb1: {  	[tilespmem:v26+s15+$0x0] =	vst.idx.msk vm0, v33  }
0xb2: {  	v33 =	vld.idx.msk [tilespmem:v26+s16+$0x0], $0xffff;
	_ =	sdelay $0x4  }
0xb3: {  	v33 =	vmax.bf16 v33, v28  }
0xb4: {  	[tilespmem:v26+s16+$0x0] =	vst.idx.msk vm0, v33  }
0xb5: {  	v33 =	vld.idx.msk [tilespmem:v26+s15+$0x0], $0xffff  }
0xb6: {  	v34 =	vld.idx.msk [tilespmem:v26+s16+$0x0], $0xffff;
	_ =	sdelay $0x3  }
0xb7: {  	v35 =	vand.u32 $0xFFFF, v33;
	v33 =	vshrl.u32 v33, $0x10  }
0xb8: {  	v61 =	vand.u32 $0xFFFF, v34;
	vm0 =	vlt.u32 v35, v29;
	vm1 =	vlt.u32 v33, v30  }
0xb9: {  	v62 =	vshrl.u32 v34, $0x10;
	vm0 =	vmor vm0, vm1;
	vm1 =	vlt.u32 v61, v31  }
0xba: {  	vm0 =	vmor vm0, vm1;
	vm1 =	vlt.u32 v62, v32  }
0xbb: {  	vm0 =	vmor vm1, vm0  }
0xbc: {  	v63 =	vsel vm0, $0x3F800000, v1  }
0xbd: {  	(xrf0) =	vmax.scan.msk.f32 $0xffff, v63;
	_ =	sdelay $0x5  }
0xbe: {  	v33, _, _ =	vpop (xrf0)  }
0xbf: {  	(v2sf) =	vpush v33, $0xF;
	_ =	sdelay $0xe  }
0xc0: {  	s23 =	spop (v2sf)  }
0xc1: {  	p0 =	sgt.f32 s23, $0.0e+00  }
.Ltmp9:
0xc2: {  	_ = 	snop;
	(pc) =	sbr.rel @p0 .LBB2_9-.Ltmp9, $1  }
0xc3: {  	_ =	sdelay $0x3  }
0xc4: {  	v26 =	vand.u32 $0xFFFF, v24;
	v27 =	vshrl.u32 v24, $0x10  }
0xc5: {  	v28 =	vand.u32 $0xFFFF, v25;
	v29 =	vshrl.u32 v25, $0x10;
	vm0 =	vmmov $0xffff  }
.LBB2_11:
0xc6: {  	v30 =	vld.idx.msk [tilespmem:v23+s15+$0x0], $0xffff;
	_ =	sdelay $0x4  }
0xc7: {  	v30 =	vmax.bf16 v30, v24  }
0xc8: {  	[tilespmem:v23+s15+$0x0] =	vst.idx.msk vm0, v30  }
0xc9: {  	v30 =	vld.idx.msk [tilespmem:v23+s16+$0x0], $0xffff;
	_ =	sdelay $0x4  }
0xca: {  	v30 =	vmax.bf16 v30, v25  }
0xcb: {  	[tilespmem:v23+s16+$0x0] =	vst.idx.msk vm0, v30  }
0xcc: {  	v30 =	vld.idx.msk [tilespmem:v23+s15+$0x0], $0xffff  }
0xcd: {  	v31 =	vld.idx.msk [tilespmem:v23+s16+$0x0], $0xffff;
	_ =	sdelay $0x3  }
0xce: {  	v32 =	vand.u32 $0xFFFF, v30;
	v30 =	vshrl.u32 v30, $0x10  }
0xcf: {  	vm0 =	vlt.u32 v32, v26;
	vm1 =	vlt.u32 v30, v27;
	v30 =	vand.u32 $0xFFFF, v31  }
0xd0: {  	vm0 =	vmor vm0, vm1;
	vm1 =	vlt.u32 v30, v28;
	v30 =	vshrl.u32 v31, $0x10  }
0xd1: {  	vm0 =	vmor vm0, vm1;
	vm1 =	vlt.u32 v30, v29  }
0xd2: {  	vm0 =	vmor vm1, vm0  }
0xd3: {  	v30 =	vsel vm0, $0x3F800000, v1  }
0xd4: {  	(xrf0) =	vmax.scan.msk.f32 $0xffff, v30;
	_ =	sdelay $0x5  }
0xd5: {  	v30, _, _ =	vpop (xrf0)  }
0xd6: {  	(v2sf) =	vpush v30, $0xF;
	_ =	sdelay $0xe  }
0xd7: {  	s23 =	spop (v2sf)  }
0xd8: {  	p0 =	sgt.f32 s23, $0.0e+00  }
.Ltmp10:
0xd9: {  	_ = 	snop;
	(pc) =	sbr.rel @p0 .LBB2_11-.Ltmp10, $1  }
0xda: {  	_ =	sdelay $0x3  }
0xdb: {  	v23 =	vand.u32 $0xFFFF, v21;
	v24 =	vshrl.u32 v21, $0x10  }
0xdc: {  	v25 =	vand.u32 $0xFFFF, v22;
	v26 =	vshrl.u32 v22, $0x10;
	vm0 =	vmmov $0xffff  }
.LBB2_13:
0xdd: {  	v27 =	vld.idx.msk [tilespmem:v20+s15+$0x0], $0xffff;
	_ =	sdelay $0x4  }
0xde: {  	v27 =	vmax.bf16 v27, v21  }
0xdf: {  	[tilespmem:v20+s15+$0x0] =	vst.idx.msk vm0, v27  }
0xe0: {  	v27 =	vld.idx.msk [tilespmem:v20+s16+$0x0], $0xffff;
	_ =	sdelay $0x4  }
0xe1: {  	v27 =	vmax.bf16 v27, v22  }
0xe2: {  	[tilespmem:v20+s16+$0x0] =	vst.idx.msk vm0, v27  }
0xe3: {  	v27 =	vld.idx.msk [tilespmem:v20+s15+$0x0], $0xffff  }
0xe4: {  	v28 =	vld.idx.msk [tilespmem:v20+s16+$0x0], $0xffff;
	_ =	sdelay $0x3  }
0xe5: {  	v29 =	vand.u32 $0xFFFF, v27;
	v27 =	vshrl.u32 v27, $0x10  }
0xe6: {  	vm0 =	vlt.u32 v29, v23;
	vm1 =	vlt.u32 v27, v24;
	v27 =	vand.u32 $0xFFFF, v28  }
0xe7: {  	vm0 =	vmor vm0, vm1;
	vm1 =	vlt.u32 v27, v25;
	v27 =	vshrl.u32 v28, $0x10  }
0xe8: {  	vm0 =	vmor vm0, vm1;
	vm1 =	vlt.u32 v27, v26  }
0xe9: {  	vm0 =	vmor vm1, vm0  }
0xea: {  	v27 =	vsel vm0, $0x3F800000, v1  }
0xeb: {  	(xrf0) =	vmax.scan.msk.f32 $0xffff, v27;
	_ =	sdelay $0x5  }
0xec: {  	v27, _, _ =	vpop (xrf0)  }
0xed: {  	(v2sf) =	vpush v27, $0xF;
	_ =	sdelay $0xe  }
0xee: {  	s23 =	spop (v2sf)  }
0xef: {  	p0 =	sgt.f32 s23, $0.0e+00  }
.Ltmp11:
0xf0: {  	_ = 	snop;
	(pc) =	sbr.rel @p0 .LBB2_13-.Ltmp11, $1  }
0xf1: {  	_ =	sdelay $0x3  }
0xf2: {  	v20 =	vand.u32 $0xFFFF, v18;
	v21 =	vshrl.u32 v18, $0x10  }
0xf3: {  	v22 =	vand.u32 $0xFFFF, v19;
	v23 =	vshrl.u32 v19, $0x10;
	vm0 =	vmmov $0xffff  }
.LBB2_15:
0xf4: {  	v24 =	vld.idx.msk [tilespmem:v17+s15+$0x0], $0xffff;
	_ =	sdelay $0x4  }
0xf5: {  	v24 =	vmax.bf16 v24, v18  }
0xf6: {  	[tilespmem:v17+s15+$0x0] =	vst.idx.msk vm0, v24  }
0xf7: {  	v24 =	vld.idx.msk [tilespmem:v17+s16+$0x0], $0xffff;
	_ =	sdelay $0x4  }
0xf8: {  	v24 =	vmax.bf16 v24, v19  }
0xf9: {  	[tilespmem:v17+s16+$0x0] =	vst.idx.msk vm0, v24  }
0xfa: {  	v24 =	vld.idx.msk [tilespmem:v17+s15+$0x0], $0xffff  }
0xfb: {  	v25 =	vld.idx.msk [tilespmem:v17+s16+$0x0], $0xffff;
	_ =	sdelay $0x3  }
0xfc: {  	v26 =	vand.u32 $0xFFFF, v24;
	v24 =	vshrl.u32 v24, $0x10  }
0xfd: {  	v61 =	vand.u32 $0xFFFF, v25;
	vm0 =	vlt.u32 v26, v20;
	vm1 =	vlt.u32 v24, v21  }
0xfe: {  	v62 =	vshrl.u32 v25, $0x10;
	vm0 =	vmor vm0, vm1;
	vm1 =	vlt.u32 v61, v22  }
0xff: {  	vm0 =	vmor vm0, vm1;
	vm1 =	vlt.u32 v62, v23  }
0x100: {  	vm0 =	vmor vm1, vm0  }
0x101: {  	v63 =	vsel vm0, $0x3F800000, v1  }
0x102: {  	(xrf0) =	vmax.scan.msk.f32 $0xffff, v63;
	_ =	sdelay $0x5  }
0x103: {  	v24, _, _ =	vpop (xrf0)  }
0x104: {  	(v2sf) =	vpush v24, $0xF;
	_ =	sdelay $0xe  }
0x105: {  	s23 =	spop (v2sf)  }
0x106: {  	p0 =	sgt.f32 s23, $0.0e+00  }
.Ltmp12:
0x107: {  	_ = 	snop;
	(pc) =	sbr.rel @p0 .LBB2_15-.Ltmp12, $1  }
0x108: {  	_ =	sdelay $0x3  }
0x109: {  	v17 =	vand.u32 $0xFFFF, v15;
	v18 =	vshrl.u32 v15, $0x10  }
0x10a: {  	v19 =	vand.u32 $0xFFFF, v16;
	v20 =	vshrl.u32 v16, $0x10;
	vm0 =	vmmov $0xffff  }
.LBB2_17:
0x10b: {  	v21 =	vld.idx.msk [tilespmem:v14+s15+$0x0], $0xffff;
	_ =	sdelay $0x4  }
0x10c: {  	v21 =	vmax.bf16 v21, v15  }
0x10d: {  	[tilespmem:v14+s15+$0x0] =	vst.idx.msk vm0, v21  }
0x10e: {  	v21 =	vld.idx.msk [tilespmem:v14+s16+$0x0], $0xffff;
	_ =	sdelay $0x4  }
0x10f: {  	v21 =	vmax.bf16 v21, v16  }
0x110: {  	[tilespmem:v14+s16+$0x0] =	vst.idx.msk vm0, v21  }
0x111: {  	v21 =	vld.idx.msk [tilespmem:v14+s15+$0x0], $0xffff  }
0x112: {  	v22 =	vld.idx.msk [tilespmem:v14+s16+$0x0], $0xffff;
	_ =	sdelay $0x3  }
0x113: {  	v23 =	vand.u32 $0xFFFF, v21;
	v21 =	vshrl.u32 v21, $0x10  }
0x114: {  	vm0 =	vlt.u32 v23, v17;
	vm1 =	vlt.u32 v21, v18;
	v21 =	vand.u32 $0xFFFF, v22  }
0x115: {  	vm0 =	vmor vm0, vm1;
	vm1 =	vlt.u32 v21, v19;
	v21 =	vshrl.u32 v22, $0x10  }
0x116: {  	vm0 =	vmor vm0, vm1;
	vm1 =	vlt.u32 v21, v20  }
0x117: {  	vm0 =	vmor vm1, vm0  }
0x118: {  	v21 =	vsel vm0, $0x3F800000, v1  }
0x119: {  	(xrf0) =	vmax.scan.msk.f32 $0xffff, v21;
	_ =	sdelay $0x5  }
0x11a: {  	v21, _, _ =	vpop (xrf0)  }
0x11b: {  	(v2sf) =	vpush v21, $0xF;
	_ =	sdelay $0xe  }
0x11c: {  	s23 =	spop (v2sf)  }
0x11d: {  	p0 =	sgt.f32 s23, $0.0e+00  }
.Ltmp13:
0x11e: {  	_ = 	snop;
	(pc) =	sbr.rel @p0 .LBB2_17-.Ltmp13, $1  }
0x11f: {  	_ =	sdelay $0x3  }
0x120: {  	v14 =	vand.u32 $0xFFFF, v12;
	v15 =	vshrl.u32 v12, $0x10  }
0x121: {  	v16 =	vand.u32 $0xFFFF, v13;
	v17 =	vshrl.u32 v13, $0x10;
	vm0 =	vmmov $0xffff  }
.LBB2_19:
0x122: {  	v18 =	vld.idx.msk [tilespmem:v11+s15+$0x0], $0xffff;
	_ =	sdelay $0x4  }
0x123: {  	v18 =	vmax.bf16 v18, v12  }
0x124: {  	[tilespmem:v11+s15+$0x0] =	vst.idx.msk vm0, v18  }
0x125: {  	v18 =	vld.idx.msk [tilespmem:v11+s16+$0x0], $0xffff;
	_ =	sdelay $0x4  }
0x126: {  	v18 =	vmax.bf16 v18, v13  }
0x127: {  	[tilespmem:v11+s16+$0x0] =	vst.idx.msk vm0, v18  }
0x128: {  	v18 =	vld.idx.msk [tilespmem:v11+s15+$0x0], $0xffff  }
0x129: {  	v19 =	vld.idx.msk [tilespmem:v11+s16+$0x0], $0xffff;
	_ =	sdelay $0x3  }
0x12a: {  	v20 =	vand.u32 $0xFFFF, v18;
	v18 =	vshrl.u32 v18, $0x10  }
0x12b: {  	vm0 =	vlt.u32 v20, v14;
	vm1 =	vlt.u32 v18, v15;
	v18 =	vand.u32 $0xFFFF, v19  }
0x12c: {  	vm0 =	vmor vm0, vm1;
	vm1 =	vlt.u32 v18, v16;
	v18 =	vshrl.u32 v19, $0x10  }
0x12d: {  	vm0 =	vmor vm0, vm1;
	vm1 =	vlt.u32 v18, v17  }
0x12e: {  	vm0 =	vmor vm1, vm0  }
0x12f: {  	v18 =	vsel vm0, $0x3F800000, v1  }
0x130: {  	(xrf0) =	vmax.scan.msk.f32 $0xffff, v18;
	_ =	sdelay $0x5  }
0x131: {  	v18, _, _ =	vpop (xrf0)  }
0x132: {  	(v2sf) =	vpush v18, $0xF;
	_ =	sdelay $0xe  }
0x133: {  	s23 =	spop (v2sf)  }
0x134: {  	p0 =	sgt.f32 s23, $0.0e+00  }
.Ltmp14:
0x135: {  	_ = 	snop;
	(pc) =	sbr.rel @p0 .LBB2_19-.Ltmp14, $1  }
0x136: {  	_ =	sdelay $0x3  }
0x137: {  	v11 =	vand.u32 $0xFFFF, v6;
	v12 =	vshrl.u32 v6, $0x10  }
0x138: {  	v13 =	vand.u32 $0xFFFF, v7;
	v14 =	vshrl.u32 v7, $0x10;
	vm0 =	vmmov $0xffff  }
.LBB2_21:
0x139: {  	v15 =	vld.idx.msk [tilespmem:v10+s15+$0x0], $0xffff;
	_ =	sdelay $0x4  }
0x13a: {  	v15 =	vmax.bf16 v15, v6  }
0x13b: {  	[tilespmem:v10+s15+$0x0] =	vst.idx.msk vm0, v15  }
0x13c: {  	v15 =	vld.idx.msk [tilespmem:v10+s16+$0x0], $0xffff;
	_ =	sdelay $0x4  }
0x13d: {  	v15 =	vmax.bf16 v15, v7  }
0x13e: {  	[tilespmem:v10+s16+$0x0] =	vst.idx.msk vm0, v15  }
0x13f: {  	v15 =	vld.idx.msk [tilespmem:v10+s15+$0x0], $0xffff  }
0x140: {  	v16 =	vld.idx.msk [tilespmem:v10+s16+$0x0], $0xffff;
	_ =	sdelay $0x3  }
0x141: {  	v17 =	vand.u32 $0xFFFF, v15;
	v15 =	vshrl.u32 v15, $0x10  }
0x142: {  	vm0 =	vlt.u32 v17, v11;
	vm1 =	vlt.u32 v15, v12;
	v15 =	vand.u32 $0xFFFF, v16  }
0x143: {  	vm0 =	vmor vm0, vm1;
	vm1 =	vlt.u32 v15, v13;
	v15 =	vshrl.u32 v16, $0x10  }
0x144: {  	vm0 =	vmor vm0, vm1;
	vm1 =	vlt.u32 v15, v14  }
0x145: {  	vm0 =	vmor vm1, vm0  }
0x146: {  	v15 =	vsel vm0, $0x3F800000, v1  }
0x147: {  	(xrf0) =	vmax.scan.msk.f32 $0xffff, v15;
	_ =	sdelay $0x5  }
0x148: {  	v15, _, _ =	vpop (xrf0)  }
0x149: {  	(v2sf) =	vpush v15, $0xF;
	_ =	sdelay $0xe  }
0x14a: {  	s23 =	spop (v2sf)  }
0x14b: {  	p0 =	sgt.f32 s23, $0.0e+00  }
.Ltmp15:
0x14c: {  	_ = 	snop;
	(pc) =	sbr.rel @p0 .LBB2_21-.Ltmp15, $1  }
0x14d: {  	_ =	sdelay $0x3  }
0x14e: {  	v6 =	vand.u32 $0xFFFF, v8;
	v7 =	vshrl.u32 v8, $0x10  }
0x14f: {  	v10 =	vand.u32 $0xFFFF, v9;
	v11 =	vshrl.u32 v9, $0x10;
	vm0 =	vmmov $0xffff  }
.LBB2_23:
0x150: {  	v12 =	vld.idx.msk [tilespmem:v3+s15+$0x0], $0xffff;
	_ =	sdelay $0x4  }
0x151: {  	v12 =	vmax.bf16 v12, v8  }
0x152: {  	[tilespmem:v3+s15+$0x0] =	vst.idx.msk vm0, v12  }
0x153: {  	v12 =	vld.idx.msk [tilespmem:v3+s16+$0x0], $0xffff;
	_ =	sdelay $0x4  }
0x154: {  	v12 =	vmax.bf16 v12, v9  }
0x155: {  	[tilespmem:v3+s16+$0x0] =	vst.idx.msk vm0, v12  }
0x156: {  	v12 =	vld.idx.msk [tilespmem:v3+s15+$0x0], $0xffff  }
0x157: {  	v13 =	vld.idx.msk [tilespmem:v3+s16+$0x0], $0xffff;
	_ =	sdelay $0x3  }
0x158: {  	v14 =	vand.u32 $0xFFFF, v12;
	v12 =	vshrl.u32 v12, $0x10  }
0x159: {  	v61 =	vand.u32 $0xFFFF, v13;
	vm0 =	vlt.u32 v14, v6;
	vm1 =	vlt.u32 v12, v7  }
0x15a: {  	v62 =	vshrl.u32 v13, $0x10;
	vm0 =	vmor vm0, vm1;
	vm1 =	vlt.u32 v61, v10  }
0x15b: {  	vm0 =	vmor vm0, vm1;
	vm1 =	vlt.u32 v62, v11  }
0x15c: {  	vm0 =	vmor vm1, vm0  }
0x15d: {  	v63 =	vsel vm0, $0x3F800000, v1  }
0x15e: {  	(xrf0) =	vmax.scan.msk.f32 $0xffff, v63;
	_ =	sdelay $0x5  }
0x15f: {  	v12, _, _ =	vpop (xrf0)  }
0x160: {  	(v2sf) =	vpush v12, $0xF;
	_ =	sdelay $0xe  }
0x161: {  	s23 =	spop (v2sf)  }
0x162: {  	p0 =	sgt.f32 s23, $0.0e+00  }
.Ltmp16:
0x163: {  	_ = 	snop;
	(pc) =	sbr.rel @p0 .LBB2_23-.Ltmp16, $1  }
0x164: {  	_ =	sdelay $0x3  }
0x165: {  	v3 =	vand.u32 $0xFFFF, v4;
	v6 =	vshrl.u32 v4, $0x10  }
0x166: {  	v7 =	vand.u32 $0xFFFF, v5;
	v8 =	vshrl.u32 v5, $0x10;
	vm0 =	vmmov $0xffff  }
.LBB2_25:
0x167: {  	v9 =	vld.idx.msk [tilespmem:v2+s15+$0x0], $0xffff;
	_ =	sdelay $0x4  }
0x168: {  	v9 =	vmax.bf16 v9, v4  }
0x169: {  	[tilespmem:v2+s15+$0x0] =	vst.idx.msk vm0, v9  }
0x16a: {  	v9 =	vld.idx.msk [tilespmem:v2+s16+$0x0], $0xffff;
	_ =	sdelay $0x4  }
0x16b: {  	v9 =	vmax.bf16 v9, v5  }
0x16c: {  	[tilespmem:v2+s16+$0x0] =	vst.idx.msk vm0, v9  }
0x16d: {  	v9 =	vld.idx.msk [tilespmem:v2+s15+$0x0], $0xffff  }
0x16e: {  	v10 =	vld.idx.msk [tilespmem:v2+s16+$0x0], $0xffff;
	_ =	sdelay $0x3  }
0x16f: {  	v11 =	vand.u32 $0xFFFF, v9;
	v9 =	vshrl.u32 v9, $0x10  }
0x170: {  	vm0 =	vlt.u32 v11, v3;
	vm1 =	vlt.u32 v9, v6;
	v9 =	vand.u32 $0xFFFF, v10  }
0x171: {  	vm0 =	vmor vm0, vm1;
	vm1 =	vlt.u32 v9, v7;
	v9 =	vshrl.u32 v10, $0x10  }
0x172: {  	vm0 =	vmor vm0, vm1;
	vm1 =	vlt.u32 v9, v8  }
0x173: {  	vm0 =	vmor vm1, vm0  }
0x174: {  	v9 =	vsel vm0, $0x3F800000, v1  }
0x175: {  	(xrf0) =	vmax.scan.msk.f32 $0xffff, v9;
	_ =	sdelay $0x5  }
0x176: {  	v9, _, _ =	vpop (xrf0)  }
0x177: {  	(v2sf) =	vpush v9, $0xF;
	_ =	sdelay $0xe  }
0x178: {  	s23 =	spop (v2sf)  }
0x179: {  	p0 =	sgt.f32 s23, $0.0e+00  }
.Ltmp17:
0x17a: {  	_ = 	snop;
	(pc) =	sbr.rel @p0 .LBB2_25-.Ltmp17, $1  }
0x17b: {  	_ =	sdelay $0x3  }
.Ltmp18:
0x17c: {  	_ = 	snop;
	(pc) =	sbr.rel .LBB2_26-.Ltmp18, $1  }
0x17d: {  	_ =	sdelay $0x3  }
.LBB2_27:
0x17e: {  	p0 =	seq.s32 s20, $0x31  }
0x17f: {  	s21 =	sshrl.u32 @!p0 s21, $0x3  }
0x180: {  	s22 =	simm.s32 @!p0 $0x0;
	s21 =	sadd.s32 @!p0 s3, s21  }
.Ltmp19:
0x181: {  	s23 =	simm.s32 @!p0 $0x9C40;
	s21 =	sadd.s32 @!p0 $0x320, s21;
	(pc) =	sbr.rel .LBB2_28-.Ltmp19, $4  }
0x182: {  	[tilespmem:s23], [sflag:$0x1] =	stream.linear.gather @!p0 [hbm4b:s21+s22], $0xC80, $0x38;
	[tilespmem:$0xB540] =	vst v63  }
0x183: {  	_ =	swait.ge [sflag:s17], $0xC80  }
0x184: {  	[sflag:s17] =	ssyncset.done $0x0  }
0x185: {  	s21 =	simm.s32 $0x0;
	[sflag:s17] =	ssyncadd.s32 $0xFFFFF380  }
.LBB2_49:
0x186: {  	s21 =	sadd.s32 $0x1, s21  }
0x187: {  	p0 =	sne.s32 s21, $0x14  }
.Ltmp20:
0x188: {  	_ = 	snop;
	(pc) =	sbr.rel @!p0 .LBB2_50-.Ltmp20, $1  }
0x189: {  	_ =	sdelay $0x3  }
.LBB2_28:
0x18a: {  	s22 =	smul.u32 $0x280, s21;
	_ =	sdelay $0x1  }
0x18b: {  	s22 =	sshra.s32 s22, $0x2  }
0x18c: {  	v2 =	vld [tilespmem:s22+$0xA8C0];
	_ =	sdelay $0x4  }
0x18d: {  	v3 =	vshrl.u32 v2, $0xE  }
0x18e: {  	v4 =	vld [tilespmem:s22+$0xA8D0]  }
0x18f: {  	v29 =	vand.u32 $0x3FFF, v2;
	_ =	sdelay $0x2  }
0x190: {  	v30 =	vld.idx.msk [tilespmem:v3+s1+$0x0], $0xffff  }
0x191: {  	v2 =	vshrl.u32 v4, $0xE;
	v31 =	vld.idx.msk [tilespmem:v3+s11+$0x0], $0xffff  }
0x192: {  	v3 =	vld.idx.msk [tilespmem:v29+s15+$0x0], $0xffff  }
0x193: {  	v5 =	vld.idx.msk [tilespmem:v29+s16+$0x0], $0xffff;
	_ =	sdelay $0x1  }
0x194: {  	v6 =	vld [tilespmem:s22+$0xA8E0];
	v26 =	vand.u32 $0x3FFF, v4  }
0x195: {  	v27 =	vld.idx.msk [tilespmem:v2+s1+$0x0], $0xffff  }
0x196: {  	v28 =	vld.idx.msk [tilespmem:v2+s11+$0x0], $0xffff;
	v2 =	vmax.bf16 v3, v30  }
0x197: {  	[tilespmem:v29+s15+$0x0] =	vst.idx.msk $0xffff, v2;
	v2 =	vmax.bf16 v5, v31  }
0x198: {  	[tilespmem:v29+s16+$0x0] =	vst.idx.msk $0xffff, v2  }
0x199: {  	v3 =	vshrl.u32 v6, $0xE;
	v2 =	vld.idx.msk [tilespmem:v26+s15+$0x0], $0xffff  }
0x19a: {  	v4 =	vld.idx.msk [tilespmem:v26+s16+$0x0], $0xffff;
	_ =	sdelay $0x1  }
0x19b: {  	v23 =	vand.u32 $0x3FFF, v6;
	v5 =	vld [tilespmem:s22+$0xA8F0];
	_ =	sdelay $0x1  }
0x19c: {  	v24 =	vld.idx.msk [tilespmem:v3+s1+$0x0], $0xffff;
	v2 =	vmax.bf16 v2, v27  }
0x19d: {  	v25 =	vld.idx.msk [tilespmem:v3+s11+$0x0], $0xffff;
	[tilespmem:v26+s15+$0x0] =	vst.idx.msk $0xffff, v2;
	v2 =	vmax.bf16 v4, v28  }
0x19e: {  	[tilespmem:v26+s16+$0x0] =	vst.idx.msk $0xffff, v2  }
0x19f: {  	v3 =	vshrl.u32 v5, $0xE;
	v2 =	vld.idx.msk [tilespmem:v23+s15+$0x0], $0xffff  }
0x1a0: {  	v4 =	vld.idx.msk [tilespmem:v23+s16+$0x0], $0xffff;
	_ =	sdelay $0x1  }
0x1a1: {  	v20 =	vand.u32 $0x3FFF, v5;
	v6 =	vld [tilespmem:s22+$0xA900];
	_ =	sdelay $0x1  }
0x1a2: {  	v21 =	vld.idx.msk [tilespmem:v3+s1+$0x0], $0xffff;
	v2 =	vmax.bf16 v2, v24  }
0x1a3: {  	v22 =	vld.idx.msk [tilespmem:v3+s11+$0x0], $0xffff;
	[tilespmem:v23+s15+$0x0] =	vst.idx.msk $0xffff, v2;
	v2 =	vmax.bf16 v4, v25  }
0x1a4: {  	[tilespmem:v23+s16+$0x0] =	vst.idx.msk $0xffff, v2  }
0x1a5: {  	v3 =	vshrl.u32 v6, $0xE;
	v2 =	vld.idx.msk [tilespmem:v20+s15+$0x0], $0xffff  }
0x1a6: {  	v4 =	vld.idx.msk [tilespmem:v20+s16+$0x0], $0xffff;
	_ =	sdelay $0x1  }
0x1a7: {  	v17 =	vand.u32 $0x3FFF, v6;
	v5 =	vld [tilespmem:s22+$0xA910];
	_ =	sdelay $0x1  }
0x1a8: {  	v18 =	vld.idx.msk [tilespmem:v3+s1+$0x0], $0xffff;
	v2 =	vmax.bf16 v2, v21  }
0x1a9: {  	v19 =	vld.idx.msk [tilespmem:v3+s11+$0x0], $0xffff;
	[tilespmem:v20+s15+$0x0] =	vst.idx.msk $0xffff, v2;
	v2 =	vmax.bf16 v4, v22  }
0x1aa: {  	[tilespmem:v20+s16+$0x0] =	vst.idx.msk $0xffff, v2  }
0x1ab: {  	v3 =	vshrl.u32 v5, $0xE;
	v2 =	vld.idx.msk [tilespmem:v17+s15+$0x0], $0xffff  }
0x1ac: {  	v4 =	vld.idx.msk [tilespmem:v17+s16+$0x0], $0xffff;
	_ =	sdelay $0x1  }
0x1ad: {  	v14 =	vand.u32 $0x3FFF, v5;
	v6 =	vld [tilespmem:s22+$0xA920];
	_ =	sdelay $0x1  }
0x1ae: {  	v15 =	vld.idx.msk [tilespmem:v3+s1+$0x0], $0xffff;
	v2 =	vmax.bf16 v2, v18  }
0x1af: {  	v16 =	vld.idx.msk [tilespmem:v3+s11+$0x0], $0xffff;
	[tilespmem:v17+s15+$0x0] =	vst.idx.msk $0xffff, v2;
	v2 =	vmax.bf16 v4, v19  }
0x1b0: {  	[tilespmem:v17+s16+$0x0] =	vst.idx.msk $0xffff, v2  }
0x1b1: {  	v3 =	vshrl.u32 v6, $0xE;
	v2 =	vld.idx.msk [tilespmem:v14+s15+$0x0], $0xffff  }
0x1b2: {  	v4 =	vld.idx.msk [tilespmem:v14+s16+$0x0], $0xffff;
	_ =	sdelay $0x1  }
0x1b3: {  	v11 =	vand.u32 $0x3FFF, v6;
	v5 =	vld [tilespmem:s22+$0xA930];
	_ =	sdelay $0x1  }
0x1b4: {  	v12 =	vld.idx.msk [tilespmem:v3+s1+$0x0], $0xffff;
	v2 =	vmax.bf16 v2, v15  }
0x1b5: {  	v13 =	vld.idx.msk [tilespmem:v3+s11+$0x0], $0xffff;
	[tilespmem:v14+s15+$0x0] =	vst.idx.msk $0xffff, v2;
	v2 =	vmax.bf16 v4, v16  }
0x1b6: {  	[tilespmem:v14+s16+$0x0] =	vst.idx.msk $0xffff, v2  }
0x1b7: {  	v3 =	vshrl.u32 v5, $0xE;
	v2 =	vld.idx.msk [tilespmem:v11+s15+$0x0], $0xffff  }
0x1b8: {  	v4 =	vld.idx.msk [tilespmem:v11+s16+$0x0], $0xffff;
	_ =	sdelay $0x2  }
0x1b9: {  	v8 =	vld [tilespmem:s22+$0xA940]  }
0x1ba: {  	(xrf1) =	vunique.msk.u32 $0xffff, v29;
	v6 =	vld.idx.msk [tilespmem:v3+s1+$0x0], $0xffff;
	v2 =	vmax.bf16 v2, v12  }
0x1bb: {  	(xrf1) =	vunique.msk.u32 $0xffff, v26;
	v7 =	vld.idx.msk [tilespmem:v3+s11+$0x0], $0xffff;
	[tilespmem:v11+s15+$0x0] =	vst.idx.msk $0xffff, v2;
	v2 =	vmax.bf16 v4, v13  }
0x1bc: {  	(xrf1) =	vunique.msk.u32 $0xffff, v23;
	[tilespmem:v11+s16+$0x0] =	vst.idx.msk $0xffff, v2  }
0x1bd: {  	(xrf1) =	vunique.msk.u32 $0xffff, v20;
	v4 =	vld [tilespmem:s22+$0xA950]  }
0x1be: {  	(xrf1) =	vunique.msk.u32 $0xffff, v17  }
0x1bf: {  	(xrf1) =	vunique.msk.u32 $0xffff, v14  }
0x1c0: {  	(xrf1) =	vunique.msk.u32 $0xffff, v11;
	v10 =	vand.u32 $0x3FFF, v5  }
0x1c1: {  	(xrf1) =	vunique.msk.u32 $0xffff, v10;
	v3 =	vand.u32 $0x3FFF, v8  }
0x1c2: {  	(xrf1) =	vunique.msk.u32 $0xffff, v3;
	v2 =	vand.u32 $0x3FFF, v4  }
0x1c3: {  	(xrf1) =	vunique.msk.u32 $0xffff, v2;
	_ =	sdelay $0x4  }
0x1c4: {  	_, v5, vm0 =	vpop (xrf1)  }
0x1c5: {  	_, v5, vm1 =	vpop (xrf1)  }
0x1c6: {  	_, v5, vm2 =	vpop (xrf1);
	vm0 =	vmand vm0, vm1  }
0x1c7: {  	_, v5, vm9 =	vpop (xrf1);
	vm0 =	vmand vm0, vm2  }
0x1c8: {  	_, v5, vm10 =	vpop (xrf1);
	vm0 =	vmand vm0, vm9  }
0x1c9: {  	_, v5, vm11 =	vpop (xrf1);
	vm0 =	vmand vm0, vm10  }
0x1ca: {  	vm0 =	vmand vm0, vm11;
	_, v5, vm12 =	vpop (xrf1)  }
0x1cb: {  	vm0 =	vmand vm0, vm12;
	_, v5, vm13 =	vpop (xrf1)  }
0x1cc: {  	vm0 =	vmand vm0, vm13;
	_, v5, vm14 =	vpop (xrf1)  }
0x1cd: {  	vm0 =	vmand vm0, vm14;
	_, v5, vm15 =	vpop (xrf1)  }
0x1ce: {  	vm0 =	vmand vm0, vm15  }
0x1cf: {  	vm0 =	vmneg vm0  }
0x1d0: {  	v5 =	vshrl.u32 v8, $0xE;
	v8 =	vmpcnt.ones.xlane vm0;
	_ =	sdelay $0x1  }
0x1d1: {  	(v2sf) =	vpush v8, $0x0  }
0x1d2: {  	v32 =	vld.idx.msk [tilespmem:v10+s15+$0x0], $0xffff  }
0x1d3: {  	v33 =	vld.idx.msk [tilespmem:v10+s16+$0x0], $0xffff;
	_ =	sdelay $0x2  }
0x1d4: {  	v8 =	vld.idx.msk [tilespmem:v5+s1+$0x0], $0xffff  }
0x1d5: {  	v9 =	vld.idx.msk [tilespmem:v5+s11+$0x0], $0xffff;
	v5 =	vmax.bf16 v32, v6  }
0x1d6: {  	[tilespmem:v10+s15+$0x0] =	vst.idx.msk $0xffff, v5;
	v5 =	vmax.bf16 v33, v7  }
0x1d7: {  	[tilespmem:v10+s16+$0x0] =	vst.idx.msk $0xffff, v5  }
0x1d8: {  	v58 =	vshrl.u32 v4, $0xE;
	v59 =	vld.idx.msk [tilespmem:v3+s15+$0x0], $0xffff  }
0x1d9: {  	v34 =	vld.idx.msk [tilespmem:v3+s16+$0x0], $0xffff;
	_ =	sdelay $0x3  }
0x1da: {  	v4 =	vld.idx.msk [tilespmem:v58+s1+$0x0], $0xffff;
	v60 =	vmax.bf16 v59, v8  }
0x1db: {  	v5 =	vld.idx.msk [tilespmem:v58+s11+$0x0], $0xffff;
	v61 =	vmax.bf16 v34, v9;
	[tilespmem:v3+s15+$0x0] =	vst.idx.msk $0xffff, v60;
	s31 =	spop (v2sf)  }
0x1dc: {  	[tilespmem:v3+s16+$0x0] =	vst.idx.msk $0xffff, v61;
	p0 =	slt.s32 s31, $0x1  }
0x1dd: {  	v32 =	vld.idx.msk [tilespmem:v2+s15+$0x0], $0xffff;
	p1 =	sgt.f32 @!p0 s6, $0.0e+00  }
0x1de: {  	v62 =	vld.idx.msk [tilespmem:v2+s16+$0x0], $0xffff  }
0x1df: {  	p0 =	por p0, !p1  }
.Ltmp21:
0x1e0: {  	_ = 	snop;
	(pc) =	sbr.rel @p0 .LBB2_49-.Ltmp21, $4  }
0x1e1: {  	_ = 	snop  }
0x1e2: {  	v32 =	vmax.bf16 v32, v4  }
0x1e3: {  	v63 =	vmax.bf16 v62, v5;
	[tilespmem:v2+s15+$0x0] =	vst.idx.msk $0xffff, v32  }
0x1e4: {  	[tilespmem:v2+s16+$0x0] =	vst.idx.msk $0xffff, v63  }
0x1e5: {  	v32 =	vand.u32 $0xFFFF, v30;
	v33 =	vshrl.u32 v30, $0x10  }
0x1e6: {  	v34 =	vand.u32 $0xFFFF, v31;
	v35 =	vshrl.u32 v31, $0x10;
	vm0 =	vmmov $0xffff  }
.LBB2_30:
0x1e7: {  	v36 =	vld.idx.msk [tilespmem:v29+s15+$0x0], $0xffff;
	_ =	sdelay $0x4  }
0x1e8: {  	v36 =	vmax.bf16 v36, v30  }
0x1e9: {  	[tilespmem:v29+s15+$0x0] =	vst.idx.msk vm0, v36  }
0x1ea: {  	v36 =	vld.idx.msk [tilespmem:v29+s16+$0x0], $0xffff;
	_ =	sdelay $0x4  }
0x1eb: {  	v36 =	vmax.bf16 v36, v31  }
0x1ec: {  	[tilespmem:v29+s16+$0x0] =	vst.idx.msk vm0, v36  }
0x1ed: {  	v36 =	vld.idx.msk [tilespmem:v29+s15+$0x0], $0xffff  }
0x1ee: {  	v37 =	vld.idx.msk [tilespmem:v29+s16+$0x0], $0xffff;
	_ =	sdelay $0x3  }
0x1ef: {  	v38 =	vand.u32 $0xFFFF, v36;
	v36 =	vshrl.u32 v36, $0x10  }
0x1f0: {  	v61 =	vand.u32 $0xFFFF, v37;
	vm0 =	vlt.u32 v38, v32;
	vm1 =	vlt.u32 v36, v33  }
0x1f1: {  	v62 =	vshrl.u32 v37, $0x10;
	vm0 =	vmor vm0, vm1;
	vm1 =	vlt.u32 v61, v34  }
0x1f2: {  	vm0 =	vmor vm0, vm1;
	vm1 =	vlt.u32 v62, v35  }
0x1f3: {  	vm0 =	vmor vm1, vm0  }
0x1f4: {  	v63 =	vsel vm0, $0x3F800000, v1  }
0x1f5: {  	(xrf0) =	vmax.scan.msk.f32 $0xffff, v63;
	_ =	sdelay $0x5  }
0x1f6: {  	v36, _, _ =	vpop (xrf0)  }
0x1f7: {  	(v2sf) =	vpush v36, $0xF;
	_ =	sdelay $0xe  }
0x1f8: {  	s22 =	spop (v2sf)  }
0x1f9: {  	p0 =	sgt.f32 s22, $0.0e+00  }
.Ltmp22:
0x1fa: {  	_ = 	snop;
	(pc) =	sbr.rel @p0 .LBB2_30-.Ltmp22, $1  }
0x1fb: {  	_ =	sdelay $0x3  }
0x1fc: {  	v29 =	vand.u32 $0xFFFF, v27;
	v30 =	vshrl.u32 v27, $0x10  }
0x1fd: {  	v31 =	vand.u32 $0xFFFF, v28;
	v32 =	vshrl.u32 v28, $0x10;
	vm0 =	vmmov $0xffff  }
.LBB2_32:
0x1fe: {  	v33 =	vld.idx.msk [tilespmem:v26+s15+$0x0], $0xffff;
	_ =	sdelay $0x4  }
0x1ff: {  	v33 =	vmax.bf16 v33, v27  }
0x200: {  	[tilespmem:v26+s15+$0x0] =	vst.idx.msk vm0, v33  }
0x201: {  	v33 =	vld.idx.msk [tilespmem:v26+s16+$0x0], $0xffff;
	_ =	sdelay $0x4  }
0x202: {  	v33 =	vmax.bf16 v33, v28  }
0x203: {  	[tilespmem:v26+s16+$0x0] =	vst.idx.msk vm0, v33  }
0x204: {  	v33 =	vld.idx.msk [tilespmem:v26+s15+$0x0], $0xffff  }
0x205: {  	v34 =	vld.idx.msk [tilespmem:v26+s16+$0x0], $0xffff;
	_ =	sdelay $0x3  }
0x206: {  	v35 =	vand.u32 $0xFFFF, v33;
	v33 =	vshrl.u32 v33, $0x10  }
0x207: {  	v61 =	vand.u32 $0xFFFF, v34;
	vm0 =	vlt.u32 v35, v29;
	vm1 =	vlt.u32 v33, v30  }
0x208: {  	v62 =	vshrl.u32 v34, $0x10;
	vm0 =	vmor vm0, vm1;
	vm1 =	vlt.u32 v61, v31  }
0x209: {  	vm0 =	vmor vm0, vm1;
	vm1 =	vlt.u32 v62, v32  }
0x20a: {  	vm0 =	vmor vm1, vm0  }
0x20b: {  	v63 =	vsel vm0, $0x3F800000, v1  }
0x20c: {  	(xrf0) =	vmax.scan.msk.f32 $0xffff, v63;
	_ =	sdelay $0x5  }
0x20d: {  	v33, _, _ =	vpop (xrf0)  }
0x20e: {  	(v2sf) =	vpush v33, $0xF;
	_ =	sdelay $0xe  }
0x20f: {  	s22 =	spop (v2sf)  }
0x210: {  	p0 =	sgt.f32 s22, $0.0e+00  }
.Ltmp23:
0x211: {  	_ = 	snop;
	(pc) =	sbr.rel @p0 .LBB2_32-.Ltmp23, $1  }
0x212: {  	_ =	sdelay $0x3  }
0x213: {  	v26 =	vand.u32 $0xFFFF, v24;
	v27 =	vshrl.u32 v24, $0x10  }
0x214: {  	v28 =	vand.u32 $0xFFFF, v25;
	v29 =	vshrl.u32 v25, $0x10;
	vm0 =	vmmov $0xffff  }
.LBB2_34:
0x215: {  	v30 =	vld.idx.msk [tilespmem:v23+s15+$0x0], $0xffff;
	_ =	sdelay $0x4  }
0x216: {  	v30 =	vmax.bf16 v30, v24  }
0x217: {  	[tilespmem:v23+s15+$0x0] =	vst.idx.msk vm0, v30  }
0x218: {  	v30 =	vld.idx.msk [tilespmem:v23+s16+$0x0], $0xffff;
	_ =	sdelay $0x4  }
0x219: {  	v30 =	vmax.bf16 v30, v25  }
0x21a: {  	[tilespmem:v23+s16+$0x0] =	vst.idx.msk vm0, v30  }
0x21b: {  	v30 =	vld.idx.msk [tilespmem:v23+s15+$0x0], $0xffff  }
0x21c: {  	v31 =	vld.idx.msk [tilespmem:v23+s16+$0x0], $0xffff;
	_ =	sdelay $0x3  }
0x21d: {  	v32 =	vand.u32 $0xFFFF, v30;
	v30 =	vshrl.u32 v30, $0x10  }
0x21e: {  	vm0 =	vlt.u32 v32, v26;
	vm1 =	vlt.u32 v30, v27;
	v30 =	vand.u32 $0xFFFF, v31  }
0x21f: {  	vm0 =	vmor vm0, vm1;
	vm1 =	vlt.u32 v30, v28;
	v30 =	vshrl.u32 v31, $0x10  }
0x220: {  	vm0 =	vmor vm0, vm1;
	vm1 =	vlt.u32 v30, v29  }
0x221: {  	vm0 =	vmor vm1, vm0  }
0x222: {  	v30 =	vsel vm0, $0x3F800000, v1  }
0x223: {  	(xrf0) =	vmax.scan.msk.f32 $0xffff, v30;
	_ =	sdelay $0x5  }
0x224: {  	v30, _, _ =	vpop (xrf0)  }
0x225: {  	(v2sf) =	vpush v30, $0xF;
	_ =	sdelay $0xe  }
0x226: {  	s22 =	spop (v2sf)  }
0x227: {  	p0 =	sgt.f32 s22, $0.0e+00  }
.Ltmp24:
0x228: {  	_ = 	snop;
	(pc) =	sbr.rel @p0 .LBB2_34-.Ltmp24, $1  }
0x229: {  	_ =	sdelay $0x3  }
0x22a: {  	v23 =	vand.u32 $0xFFFF, v21;
	v24 =	vshrl.u32 v21, $0x10  }
0x22b: {  	v25 =	vand.u32 $0xFFFF, v22;
	v26 =	vshrl.u32 v22, $0x10;
	vm0 =	vmmov $0xffff  }
.LBB2_36:
0x22c: {  	v27 =	vld.idx.msk [tilespmem:v20+s15+$0x0], $0xffff;
	_ =	sdelay $0x4  }
0x22d: {  	v27 =	vmax.bf16 v27, v21  }
0x22e: {  	[tilespmem:v20+s15+$0x0] =	vst.idx.msk vm0, v27  }
0x22f: {  	v27 =	vld.idx.msk [tilespmem:v20+s16+$0x0], $0xffff;
	_ =	sdelay $0x4  }
0x230: {  	v27 =	vmax.bf16 v27, v22  }
0x231: {  	[tilespmem:v20+s16+$0x0] =	vst.idx.msk vm0, v27  }
0x232: {  	v27 =	vld.idx.msk [tilespmem:v20+s15+$0x0], $0xffff  }
0x233: {  	v28 =	vld.idx.msk [tilespmem:v20+s16+$0x0], $0xffff;
	_ =	sdelay $0x3  }
0x234: {  	v29 =	vand.u32 $0xFFFF, v27;
	v27 =	vshrl.u32 v27, $0x10  }
0x235: {  	vm0 =	vlt.u32 v29, v23;
	vm1 =	vlt.u32 v27, v24;
	v27 =	vand.u32 $0xFFFF, v28  }
0x236: {  	vm0 =	vmor vm0, vm1;
	vm1 =	vlt.u32 v27, v25;
	v27 =	vshrl.u32 v28, $0x10  }
0x237: {  	vm0 =	vmor vm0, vm1;
	vm1 =	vlt.u32 v27, v26  }
0x238: {  	vm0 =	vmor vm1, vm0  }
0x239: {  	v27 =	vsel vm0, $0x3F800000, v1  }
0x23a: {  	(xrf0) =	vmax.scan.msk.f32 $0xffff, v27;
	_ =	sdelay $0x5  }
0x23b: {  	v27, _, _ =	vpop (xrf0)  }
0x23c: {  	(v2sf) =	vpush v27, $0xF;
	_ =	sdelay $0xe  }
0x23d: {  	s22 =	spop (v2sf)  }
0x23e: {  	p0 =	sgt.f32 s22, $0.0e+00  }
.Ltmp25:
0x23f: {  	_ = 	snop;
	(pc) =	sbr.rel @p0 .LBB2_36-.Ltmp25, $1  }
0x240: {  	_ =	sdelay $0x3  }
0x241: {  	v20 =	vand.u32 $0xFFFF, v18;
	v21 =	vshrl.u32 v18, $0x10  }
0x242: {  	v22 =	vand.u32 $0xFFFF, v19;
	v23 =	vshrl.u32 v19, $0x10;
	vm0 =	vmmov $0xffff  }
.LBB2_38:
0x243: {  	v24 =	vld.idx.msk [tilespmem:v17+s15+$0x0], $0xffff;
	_ =	sdelay $0x4  }
0x244: {  	v24 =	vmax.bf16 v24, v18  }
0x245: {  	[tilespmem:v17+s15+$0x0] =	vst.idx.msk vm0, v24  }
0x246: {  	v24 =	vld.idx.msk [tilespmem:v17+s16+$0x0], $0xffff;
	_ =	sdelay $0x4  }
0x247: {  	v24 =	vmax.bf16 v24, v19  }
0x248: {  	[tilespmem:v17+s16+$0x0] =	vst.idx.msk vm0, v24  }
0x249: {  	v24 =	vld.idx.msk [tilespmem:v17+s15+$0x0], $0xffff  }
0x24a: {  	v25 =	vld.idx.msk [tilespmem:v17+s16+$0x0], $0xffff;
	_ =	sdelay $0x3  }
0x24b: {  	v26 =	vand.u32 $0xFFFF, v24;
	v24 =	vshrl.u32 v24, $0x10  }
0x24c: {  	v61 =	vand.u32 $0xFFFF, v25;
	vm0 =	vlt.u32 v26, v20;
	vm1 =	vlt.u32 v24, v21  }
0x24d: {  	v62 =	vshrl.u32 v25, $0x10;
	vm0 =	vmor vm0, vm1;
	vm1 =	vlt.u32 v61, v22  }
0x24e: {  	vm0 =	vmor vm0, vm1;
	vm1 =	vlt.u32 v62, v23  }
0x24f: {  	vm0 =	vmor vm1, vm0  }
0x250: {  	v63 =	vsel vm0, $0x3F800000, v1  }
0x251: {  	(xrf0) =	vmax.scan.msk.f32 $0xffff, v63;
	_ =	sdelay $0x5  }
0x252: {  	v24, _, _ =	vpop (xrf0)  }
0x253: {  	(v2sf) =	vpush v24, $0xF;
	_ =	sdelay $0xe  }
0x254: {  	s22 =	spop (v2sf)  }
0x255: {  	p0 =	sgt.f32 s22, $0.0e+00  }
.Ltmp26:
0x256: {  	_ = 	snop;
	(pc) =	sbr.rel @p0 .LBB2_38-.Ltmp26, $1  }
0x257: {  	_ =	sdelay $0x3  }
0x258: {  	v17 =	vand.u32 $0xFFFF, v15;
	v18 =	vshrl.u32 v15, $0x10  }
0x259: {  	v19 =	vand.u32 $0xFFFF, v16;
	v20 =	vshrl.u32 v16, $0x10;
	vm0 =	vmmov $0xffff  }
.LBB2_40:
0x25a: {  	v21 =	vld.idx.msk [tilespmem:v14+s15+$0x0], $0xffff;
	_ =	sdelay $0x4  }
0x25b: {  	v21 =	vmax.bf16 v21, v15  }
0x25c: {  	[tilespmem:v14+s15+$0x0] =	vst.idx.msk vm0, v21  }
0x25d: {  	v21 =	vld.idx.msk [tilespmem:v14+s16+$0x0], $0xffff;
	_ =	sdelay $0x4  }
0x25e: {  	v21 =	vmax.bf16 v21, v16  }
0x25f: {  	[tilespmem:v14+s16+$0x0] =	vst.idx.msk vm0, v21  }
0x260: {  	v21 =	vld.idx.msk [tilespmem:v14+s15+$0x0], $0xffff  }
0x261: {  	v22 =	vld.idx.msk [tilespmem:v14+s16+$0x0], $0xffff;
	_ =	sdelay $0x3  }
0x262: {  	v23 =	vand.u32 $0xFFFF, v21;
	v21 =	vshrl.u32 v21, $0x10  }
0x263: {  	vm0 =	vlt.u32 v23, v17;
	vm1 =	vlt.u32 v21, v18;
	v21 =	vand.u32 $0xFFFF, v22  }
0x264: {  	vm0 =	vmor vm0, vm1;
	vm1 =	vlt.u32 v21, v19;
	v21 =	vshrl.u32 v22, $0x10  }
0x265: {  	vm0 =	vmor vm0, vm1;
	vm1 =	vlt.u32 v21, v20  }
0x266: {  	vm0 =	vmor vm1, vm0  }
0x267: {  	v21 =	vsel vm0, $0x3F800000, v1  }
0x268: {  	(xrf0) =	vmax.scan.msk.f32 $0xffff, v21;
	_ =	sdelay $0x5  }
0x269: {  	v21, _, _ =	vpop (xrf0)  }
0x26a: {  	(v2sf) =	vpush v21, $0xF;
	_ =	sdelay $0xe  }
0x26b: {  	s22 =	spop (v2sf)  }
0x26c: {  	p0 =	sgt.f32 s22, $0.0e+00  }
.Ltmp27:
0x26d: {  	_ = 	snop;
	(pc) =	sbr.rel @p0 .LBB2_40-.Ltmp27, $1  }
0x26e: {  	_ =	sdelay $0x3  }
0x26f: {  	v14 =	vand.u32 $0xFFFF, v12;
	v15 =	vshrl.u32 v12, $0x10  }
0x270: {  	v16 =	vand.u32 $0xFFFF, v13;
	v17 =	vshrl.u32 v13, $0x10;
	vm0 =	vmmov $0xffff  }
.LBB2_42:
0x271: {  	v18 =	vld.idx.msk [tilespmem:v11+s15+$0x0], $0xffff;
	_ =	sdelay $0x4  }
0x272: {  	v18 =	vmax.bf16 v18, v12  }
0x273: {  	[tilespmem:v11+s15+$0x0] =	vst.idx.msk vm0, v18  }
0x274: {  	v18 =	vld.idx.msk [tilespmem:v11+s16+$0x0], $0xffff;
	_ =	sdelay $0x4  }
0x275: {  	v18 =	vmax.bf16 v18, v13  }
0x276: {  	[tilespmem:v11+s16+$0x0] =	vst.idx.msk vm0, v18  }
0x277: {  	v18 =	vld.idx.msk [tilespmem:v11+s15+$0x0], $0xffff  }
0x278: {  	v19 =	vld.idx.msk [tilespmem:v11+s16+$0x0], $0xffff;
	_ =	sdelay $0x3  }
0x279: {  	v20 =	vand.u32 $0xFFFF, v18;
	v18 =	vshrl.u32 v18, $0x10  }
0x27a: {  	vm0 =	vlt.u32 v20, v14;
	vm1 =	vlt.u32 v18, v15;
	v18 =	vand.u32 $0xFFFF, v19  }
0x27b: {  	vm0 =	vmor vm0, vm1;
	vm1 =	vlt.u32 v18, v16;
	v18 =	vshrl.u32 v19, $0x10  }
0x27c: {  	vm0 =	vmor vm0, vm1;
	vm1 =	vlt.u32 v18, v17  }
0x27d: {  	vm0 =	vmor vm1, vm0  }
0x27e: {  	v18 =	vsel vm0, $0x3F800000, v1  }
0x27f: {  	(xrf0) =	vmax.scan.msk.f32 $0xffff, v18;
	_ =	sdelay $0x5  }
0x280: {  	v18, _, _ =	vpop (xrf0)  }
0x281: {  	(v2sf) =	vpush v18, $0xF;
	_ =	sdelay $0xe  }
0x282: {  	s22 =	spop (v2sf)  }
0x283: {  	p0 =	sgt.f32 s22, $0.0e+00  }
.Ltmp28:
0x284: {  	_ = 	snop;
	(pc) =	sbr.rel @p0 .LBB2_42-.Ltmp28, $1  }
0x285: {  	_ =	sdelay $0x3  }
0x286: {  	v11 =	vand.u32 $0xFFFF, v6;
	v12 =	vshrl.u32 v6, $0x10  }
0x287: {  	v13 =	vand.u32 $0xFFFF, v7;
	v14 =	vshrl.u32 v7, $0x10;
	vm0 =	vmmov $0xffff  }
.LBB2_44:
0x288: {  	v15 =	vld.idx.msk [tilespmem:v10+s15+$0x0], $0xffff;
	_ =	sdelay $0x4  }
0x289: {  	v15 =	vmax.bf16 v15, v6  }
0x28a: {  	[tilespmem:v10+s15+$0x0] =	vst.idx.msk vm0, v15  }
0x28b: {  	v15 =	vld.idx.msk [tilespmem:v10+s16+$0x0], $0xffff;
	_ =	sdelay $0x4  }
0x28c: {  	v15 =	vmax.bf16 v15, v7  }
0x28d: {  	[tilespmem:v10+s16+$0x0] =	vst.idx.msk vm0, v15  }
0x28e: {  	v15 =	vld.idx.msk [tilespmem:v10+s15+$0x0], $0xffff  }
0x28f: {  	v16 =	vld.idx.msk [tilespmem:v10+s16+$0x0], $0xffff;
	_ =	sdelay $0x3  }
0x290: {  	v17 =	vand.u32 $0xFFFF, v15;
	v15 =	vshrl.u32 v15, $0x10  }
0x291: {  	vm0 =	vlt.u32 v17, v11;
	vm1 =	vlt.u32 v15, v12;
	v15 =	vand.u32 $0xFFFF, v16  }
0x292: {  	vm0 =	vmor vm0, vm1;
	vm1 =	vlt.u32 v15, v13;
	v15 =	vshrl.u32 v16, $0x10  }
0x293: {  	vm0 =	vmor vm0, vm1;
	vm1 =	vlt.u32 v15, v14  }
0x294: {  	vm0 =	vmor vm1, vm0  }
0x295: {  	v15 =	vsel vm0, $0x3F800000, v1  }
0x296: {  	(xrf0) =	vmax.scan.msk.f32 $0xffff, v15;
	_ =	sdelay $0x5  }
0x297: {  	v15, _, _ =	vpop (xrf0)  }
0x298: {  	(v2sf) =	vpush v15, $0xF;
	_ =	sdelay $0xe  }
0x299: {  	s22 =	spop (v2sf)  }
0x29a: {  	p0 =	sgt.f32 s22, $0.0e+00  }
.Ltmp29:
0x29b: {  	_ = 	snop;
	(pc) =	sbr.rel @p0 .LBB2_44-.Ltmp29, $1  }
0x29c: {  	_ =	sdelay $0x3  }
0x29d: {  	v6 =	vand.u32 $0xFFFF, v8;
	v7 =	vshrl.u32 v8, $0x10  }
0x29e: {  	v10 =	vand.u32 $0xFFFF, v9;
	v11 =	vshrl.u32 v9, $0x10;
	vm0 =	vmmov $0xffff  }
.LBB2_46:
0x29f: {  	v12 =	vld.idx.msk [tilespmem:v3+s15+$0x0], $0xffff;
	_ =	sdelay $0x4  }
0x2a0: {  	v12 =	vmax.bf16 v12, v8  }
0x2a1: {  	[tilespmem:v3+s15+$0x0] =	vst.idx.msk vm0, v12  }
0x2a2: {  	v12 =	vld.idx.msk [tilespmem:v3+s16+$0x0], $0xffff;
	_ =	sdelay $0x4  }
0x2a3: {  	v12 =	vmax.bf16 v12, v9  }
0x2a4: {  	[tilespmem:v3+s16+$0x0] =	vst.idx.msk vm0, v12  }
0x2a5: {  	v12 =	vld.idx.msk [tilespmem:v3+s15+$0x0], $0xffff  }
0x2a6: {  	v13 =	vld.idx.msk [tilespmem:v3+s16+$0x0], $0xffff;
	_ =	sdelay $0x3  }
0x2a7: {  	v14 =	vand.u32 $0xFFFF, v12;
	v12 =	vshrl.u32 v12, $0x10  }
0x2a8: {  	v61 =	vand.u32 $0xFFFF, v13;
	vm0 =	vlt.u32 v14, v6;
	vm1 =	vlt.u32 v12, v7  }
0x2a9: {  	v62 =	vshrl.u32 v13, $0x10;
	vm0 =	vmor vm0, vm1;
	vm1 =	vlt.u32 v61, v10  }
0x2aa: {  	vm0 =	vmor vm0, vm1;
	vm1 =	vlt.u32 v62, v11  }
0x2ab: {  	vm0 =	vmor vm1, vm0  }
0x2ac: {  	v63 =	vsel vm0, $0x3F800000, v1  }
0x2ad: {  	(xrf0) =	vmax.scan.msk.f32 $0xffff, v63;
	_ =	sdelay $0x5  }
0x2ae: {  	v12, _, _ =	vpop (xrf0)  }
0x2af: {  	(v2sf) =	vpush v12, $0xF;
	_ =	sdelay $0xe  }
0x2b0: {  	s22 =	spop (v2sf)  }
0x2b1: {  	p0 =	sgt.f32 s22, $0.0e+00  }
.Ltmp30:
0x2b2: {  	_ = 	snop;
	(pc) =	sbr.rel @p0 .LBB2_46-.Ltmp30, $1  }
0x2b3: {  	_ =	sdelay $0x3  }
0x2b4: {  	v3 =	vand.u32 $0xFFFF, v4;
	v6 =	vshrl.u32 v4, $0x10  }
0x2b5: {  	v7 =	vand.u32 $0xFFFF, v5;
	v8 =	vshrl.u32 v5, $0x10;
	vm0 =	vmmov $0xffff  }
.LBB2_48:
0x2b6: {  	v9 =	vld.idx.msk [tilespmem:v2+s15+$0x0], $0xffff;
	_ =	sdelay $0x4  }
0x2b7: {  	v9 =	vmax.bf16 v9, v4  }
0x2b8: {  	[tilespmem:v2+s15+$0x0] =	vst.idx.msk vm0, v9  }
0x2b9: {  	v9 =	vld.idx.msk [tilespmem:v2+s16+$0x0], $0xffff;
	_ =	sdelay $0x4  }
0x2ba: {  	v9 =	vmax.bf16 v9, v5  }
0x2bb: {  	[tilespmem:v2+s16+$0x0] =	vst.idx.msk vm0, v9  }
0x2bc: {  	v9 =	vld.idx.msk [tilespmem:v2+s15+$0x0], $0xffff  }
0x2bd: {  	v10 =	vld.idx.msk [tilespmem:v2+s16+$0x0], $0xffff;
	_ =	sdelay $0x3  }
0x2be: {  	v11 =	vand.u32 $0xFFFF, v9;
	v9 =	vshrl.u32 v9, $0x10  }
0x2bf: {  	vm0 =	vlt.u32 v11, v3;
	vm1 =	vlt.u32 v9, v6;
	v9 =	vand.u32 $0xFFFF, v10  }
0x2c0: {  	vm0 =	vmor vm0, vm1;
	vm1 =	vlt.u32 v9, v7;
	v9 =	vshrl.u32 v10, $0x10  }
0x2c1: {  	vm0 =	vmor vm0, vm1;
	vm1 =	vlt.u32 v9, v8  }
0x2c2: {  	vm0 =	vmor vm1, vm0  }
0x2c3: {  	v9 =	vsel vm0, $0x3F800000, v1  }
0x2c4: {  	(xrf0) =	vmax.scan.msk.f32 $0xffff, v9;
	_ =	sdelay $0x5  }
0x2c5: {  	v9, _, _ =	vpop (xrf0)  }
0x2c6: {  	(v2sf) =	vpush v9, $0xF;
	_ =	sdelay $0xe  }
0x2c7: {  	s22 =	spop (v2sf)  }
0x2c8: {  	p0 =	sgt.f32 s22, $0.0e+00  }
.Ltmp31:
0x2c9: {  	_ = 	snop;
	(pc) =	sbr.rel @p0 .LBB2_48-.Ltmp31, $1  }
0x2ca: {  	_ =	sdelay $0x3  }
.Ltmp32:
0x2cb: {  	_ = 	snop;
	(pc) =	sbr.rel .LBB2_49-.Ltmp32, $1  }
0x2cc: {  	_ =	sdelay $0x3  }
.LBB2_52:
0x2cd: {  	_ =	sfence.sel $0x180000  }
0x2ce: {  	[bflag:$0x0] =	sbarrier.arrive $0xFFFF  }
0x2cf: {  	p0 =	sne.s32 s2, $0x0;
	_ =	strace $0x90000047  }
0x2d0: {  	s0 =	sadd.s32 @!p0 $0x100000, s0;
	[bflag:$0x2] =	sbarrier.arrive $0xFFFF  }
0x2d1: {  	[sflag:s0] =	ssyncadd.tile.s32 @!p0 $0x1;
	_ =	shalt  }
.Lfunc_end2:
_tile_overlayer_lowered:
.L_overlay_start_2:
0x2d2: {  	(tag) =	ssettag $0x2  }
0x2d3: {  	s0 =	rddreg [dreg:$0x0];
	s2 =	stileid.u32  }
0x2d4: {  	s1 =	rddreg [dreg:$0x1];
	p0 =	sne.s32 s2, $0x0  }
0x2d5: {  	s3 =	rddreg [dreg:$0x2];
	[bflag:$0x3] =	sbarrier.arrive $0xFFFF;
	s2 =	simm.s32 @!p0 $0x1C03  }
0x2d6: {  	[timem:s3], [sflag:s2] =	dma.local @!p0 [hbm:s0], s1  }
0x2d7: {  	s0 =	simm.s32 @!p0 $0x3  }
0x2d8: {  	_ =	swait.ge @!p0 [sflag:s0], s1  }
0x2d9: {  	s1 =	ssub.s32 @!p0 $0x0, s1;
	[sflag:s0] =	ssyncset.done @!p0 $0x0  }
0x2da: {  	[sflag:s0] =	ssyncadd.s32 @!p0 s1  }
0x2db: {  	[bflag:$0x3] =	sbarrier.arrive $0xFFFF  }
0x2dc: {  	_ =	shalt  }

</sc_bundles>
